<compile_context>
chip_gen: v7x
topology: tpu7x:2x2x1
jax: 0.10.2.dev20260603
libtpu: 0.0.44.dev20260713+nightly
codegen_flags: <defaults>
</compile_context>

<pallas_src>
import functools

import jax
import jax.numpy as jnp
from jax import lax
from jax.experimental import pallas as pl
from jax.experimental.pallas import tpu as pltpu
from jax.experimental.pallas import tpu_sc as plsc

N, D, H, E, S = 100000, 128, 16, 64, 1024

_NC = 2
_NS = 16
_NW = _NC * _NS
_CHUNK = 128
_NBUF = 4

_CHUNK_EDGES = (32, 32)


def _make_gather_body(nch, per_w):
    def body(table_hbm, idx_hbm, out_hbm, idx_v, *bufs_sems):
        bufs = bufs_sems[:_NBUF]
        gsems = bufs_sems[_NBUF:2 * _NBUF]
        wsems = bufs_sems[2 * _NBUF:3 * _NBUF]
        wid = lax.axis_index("s") * _NC + lax.axis_index("c")
        base = wid * per_w
        pltpu.sync_copy(idx_hbm.at[wid], idx_v)

        def g_start(ch):
            b = ch % _NBUF
            return pltpu.async_copy(table_hbm.at[idx_v.at[ch]], bufs[b], gsems[b])

        def w_start(ch):
            b = ch % _NBUF
            return pltpu.async_copy(
                bufs[b], out_hbm.at[pl.ds(base + ch * _CHUNK, _CHUNK)], wsems[b])

        gops = [None] * nch
        wops = [None] * nch
        gops[0] = g_start(0)
        for ch in range(nch):
            if ch + 1 < nch:
                if ch + 1 - _NBUF >= 0:
                    wops[ch + 1 - _NBUF].wait()
                gops[ch + 1] = g_start(ch + 1)
            gops[ch].wait()
            wops[ch] = w_start(ch)
        for ch in range(max(0, nch - _NBUF), nch):
            wops[ch].wait()

    return body


@functools.lru_cache(maxsize=None)
def _sc_gather(ec):
    bc = ec * S
    per_w = bc // _NW
    nch = per_w // _CHUNK
    return functools.partial(
        pl.kernel,
        out_type=jax.ShapeDtypeStruct((bc, D), jnp.float32),
        mesh=plsc.VectorSubcoreMesh(core_axis_name="c", subcore_axis_name="s"),
        scratch_types=(
            [pltpu.VMEM((nch, _CHUNK), jnp.int32)]
            + [pltpu.VMEM((_CHUNK, D), jnp.float32)] * _NBUF
            + [pltpu.SemaphoreType.DMA] * (2 * _NBUF)
        ),
    )(_make_gather_body(nch, per_w))


def _make_attn_body(eb):
    def body(x_ref, w1t_ref, b1t_ref, w2_ref, z_ref, beta_ref):
        for i in range(eb):
            x = x_ref[i]
            w1t = w1t_ref[i]
            b1t = b1t_ref[i]
            w2 = w2_ref[i]
            ht = lax.dot_general(w1t, x, (((1,), (1,)), ((), ())),
                                 preferred_element_type=jnp.float32) + b1t
            ht = jnp.where(ht >= 0, ht, 0.01 * ht)
            st = lax.dot_general(w2, ht, (((0,), (0,)), ((), ())),
                                 preferred_element_type=jnp.float32)
            p = jnp.exp(st)
            inv = 1.0 / jnp.sum(p)
            z = lax.dot_general(p, x, (((1,), (0,)), ((), ())),
                                preferred_element_type=jnp.float32) * inv
            z = jnp.where(z >= 0, z, 0.01 * z)
            z_ref[i] = jnp.tanh(z)
            beta_ref[i] = p * inv

    return body


def _tc_attention(x_he, W1t, b1t, W2):
    ec = x_he.shape[0]
    eb = 16 if ec % 16 == 0 else 8
    return pl.pallas_call(
        _make_attn_body(eb),
        grid=(ec // eb,),
        in_specs=[
            pl.BlockSpec((eb, S, D), lambda e: (e, 0, 0)),
            pl.BlockSpec((eb, H, D), lambda e: (e, 0, 0)),
            pl.BlockSpec((eb, H, 1), lambda e: (e, 0, 0)),
            pl.BlockSpec((eb, H, 1), lambda e: (e, 0, 0)),
        ],
        out_specs=[
            pl.BlockSpec((eb, 1, D), lambda e: (e, 0, 0)),
            pl.BlockSpec((eb, 1, S), lambda e: (e, 0, 0)),
        ],
        out_shape=[
            jax.ShapeDtypeStruct((ec, 1, D), jnp.float32),
            jax.ShapeDtypeStruct((ec, 1, S), jnp.float32),
        ],
    )(x_he, W1t, b1t, W2)


def kernel(X, hyperedge_index, W1, b1, W2, b2):
    del b2
    idx = hyperedge_index.reshape(-1).astype(jnp.int32).reshape(-1, _CHUNK)
    w1t = jnp.swapaxes(W1, 1, 2)
    b1t = b1.reshape(E, H, 1)
    zs, betas = [], []
    e0 = 0
    for ec in _CHUNK_EDGES:
        r0 = e0 * S // _CHUNK
        rows = ec * S // _CHUNK
        idx_c = idx[r0:r0 + rows].reshape(_NW, rows // _NW, _CHUNK)
        gathered = _sc_gather(ec)(X, idx_c)
        x_he = gathered.reshape(ec, S, D)
        sl = slice(e0, e0 + ec)
        z_k, beta_k = _tc_attention(x_he, w1t[sl], b1t[sl], W2[sl])
        zs.append(z_k)
        betas.append(beta_k)
        e0 += ec
    z = jnp.concatenate(zs, axis=0)
    beta = jnp.concatenate(betas, axis=0)
    return z.reshape(E, D), beta.reshape(E, S, 1)

# --- scband reference (transcript-rebuilt; emitter-appended) ---
"""Pipeline reference for scband-attention-31241592111555 (READ-ONLY COPY).

The authoritative reference and input builder live on the scoring server;
editing this copy changes nothing except your own understanding.
"""

import jax, jax.numpy as jnp
import numpy as np

N, D, H, E, S = 100000, 128, 16, 64, 1024

def setup_inputs(seed: int = 0) -> dict:
    key = jax.random.key(seed)
    ks = jax.random.split(key, 5)
    X = jax.random.normal(ks[0], (N, D), dtype=jnp.float32)
    hyperedge_index = jax.random.randint(ks[1], (E, S), 0, N)
    # per-hyperedge projection MLP params (nn.Linear weights/biases, stacked over E)
    W1 = jax.random.normal(ks[2], (E, D, H), dtype=jnp.float32) * (1.0 / np.sqrt(D))
    b1 = jnp.zeros((E, H), dtype=jnp.float32)
    W2 = jax.random.normal(ks[3], (E, H, 1), dtype=jnp.float32) * (1.0 / np.sqrt(H))
    b2 = jnp.zeros((E, 1), dtype=jnp.float32)
    return {"X": X, "hyperedge_index": hyperedge_index, "W1": W1, "b1": b1, "W2": W2, "b2": b2}

def reference(X, hyperedge_index, W1, b1, W2, b2):
    # gather member-node features for every hyperedge: [E, S, D]
    x_he = jnp.take(X, hyperedge_index, axis=0)
    # projection: linear1 -> leaky_relu -> linear2, with per-hyperedge weights
    hh = jnp.einsum('esd,edh->esh', x_he, W1) + b1[:, None, :]
    hh = jax.nn.leaky_relu(hh, negative_slope=0.01)
    w = jnp.einsum('esh,eho->eso', hh, W2) + b2[:, None, :]  # [E, S, 1]
    # softmax over the nodes within each hyperedge (dim=0 per edge in torch == axis=1 here)
    beta = jax.nn.softmax(w, axis=1)
    # attention-weighted sum over member nodes, then leaky_relu
    z = jnp.sum(beta * x_he, axis=1)  # [E, D]
    z = jax.nn.leaky_relu(z, negative_slope=0.01)
    return jnp.tanh(z), beta

if __name__ == "__main__":
    import jax
    _d = setup_inputs()
    print(jax.jit(kernel)(*tuple(_d.values())))

</pallas_src>

<mosaic_0001>
#map = affine_map<(d0, d1) -> (0, 0)>
#map1 = affine_map<(d0, d1) -> (0, 0, 0)>
module attributes {stable_mosaic.version = 14 : i64} {
  func.func @body(%arg0: i32, %arg1: i32, %arg2: memref<100000x128xf32, #tpu.memory_space<hbm>>, %arg3: memref<32x8x128xi32, #tpu.memory_space<hbm>>, %arg4: memref<32768x128xf32, #tpu.memory_space<hbm>>, %arg5: memref<8x128xi32, #tpu.memory_space<vmem>>, %arg6: memref<128x128xf32, #tpu.memory_space<vmem>>, %arg7: memref<128x128xf32, #tpu.memory_space<vmem>>, %arg8: memref<128x128xf32, #tpu.memory_space<vmem>>, %arg9: memref<128x128xf32, #tpu.memory_space<vmem>>, %arg10: memref<!tpu.dma_semaphore, #tpu.memory_space<semaphore_mem>>, %arg11: memref<!tpu.dma_semaphore, #tpu.memory_space<semaphore_mem>>, %arg12: memref<!tpu.dma_semaphore, #tpu.memory_space<semaphore_mem>>, %arg13: memref<!tpu.dma_semaphore, #tpu.memory_space<semaphore_mem>>, %arg14: memref<!tpu.dma_semaphore, #tpu.memory_space<semaphore_mem>>, %arg15: memref<!tpu.dma_semaphore, #tpu.memory_space<semaphore_mem>>, %arg16: memref<!tpu.dma_semaphore, #tpu.memory_space<semaphore_mem>>, %arg17: memref<!tpu.dma_semaphore, #tpu.memory_space<semaphore_mem>>) attributes {dimension_semantics = [#tpu.dimension_semantics<core_parallel>, #tpu.dimension_semantics<subcore_parallel>], iteration_bounds = array<i64: 2, 16>, scalar_prefetch = 0 : i64, scratch_operands = 13 : i64, tpu.core_type = #tpu.core_type<sc_vector_subcore>, window_params = [{transform_indices = #map}, {transform_indices = #map1}, {transform_indices = #map}]} {
    %mul3A = arith.constant 2 : i32
    %mul3A_0 = arith.muli %arg1, %mul3A : i32
    %add3A = arith.addi %mul3A_0, %arg0 : i32
    %mul3A_1 = arith.constant 1024 : i32
    %mul3A_2 = arith.muli %add3A, %mul3A_1 : i32
    "tpu.region"() ({
      %run_scoped3A = tpu.sem_alloc : memref<!tpu.dma_semaphore, #tpu.memory_space<semaphore_mem>>
      %dma_start3A_193 = arith.constant 0 : i32
      %dma_start3A_194 = arith.constant 0 : i32
      %dma_start3A_195 = tpu.memref_slice %arg3[%add3A, %dma_start3A_193, %dma_start3A_194] : memref<32x8x128xi32, #tpu.memory_space<hbm>> -> memref<1x8x128xi32, #tpu.memory_space<hbm>>
      %dma_start3A_196 = tpu.memref_squeeze %dma_start3A_195 : memref<1x8x128xi32, #tpu.memory_space<hbm>> -> memref<8x128xi32, #tpu.memory_space<hbm>>
      %dma_start3A_197 = arith.constant 0 : i32
      %dma_start3A_198 = arith.constant 0 : i32
      %dma_start3A_199 = tpu.memref_slice %arg3[%add3A, %dma_start3A_197, %dma_start3A_198] : memref<32x8x128xi32, #tpu.memory_space<hbm>> -> memref<1x8x128xi32, #tpu.memory_space<hbm>>
      %dma_start3A_200 = tpu.memref_squeeze %dma_start3A_199 : memref<1x8x128xi32, #tpu.memory_space<hbm>> -> memref<8x128xi32, #tpu.memory_space<hbm>>
      tpu.enqueue_dma source(%dma_start3A_200 : memref<8x128xi32, #tpu.memory_space<hbm>>) target(%arg5 : memref<8x128xi32, #tpu.memory_space<vmem>>) target_semaphore(%run_scoped3A : memref<!tpu.dma_semaphore, #tpu.memory_space<semaphore_mem>>)
      %dma_wait3A_201 = arith.constant 0 : i32
      %dma_wait3A_202 = arith.constant 0 : i32
      %dma_wait3A_203 = tpu.memref_slice %arg3[%add3A, %dma_wait3A_201, %dma_wait3A_202] : memref<32x8x128xi32, #tpu.memory_space<hbm>> -> memref<1x8x128xi32, #tpu.memory_space<hbm>>
      %dma_wait3A_204 = tpu.memref_squeeze %dma_wait3A_203 : memref<1x8x128xi32, #tpu.memory_space<hbm>> -> memref<8x128xi32, #tpu.memory_space<hbm>>
      %dma_wait3A_205 = arith.constant 0 : i32
      %dma_wait3A_206 = arith.constant 0 : i32
      %dma_wait3A_207 = tpu.memref_slice %arg3[%add3A, %dma_wait3A_205, %dma_wait3A_206] : memref<32x8x128xi32, #tpu.memory_space<hbm>> -> memref<1x8x128xi32, #tpu.memory_space<hbm>>
      %dma_wait3A_208 = tpu.memref_squeeze %dma_wait3A_207 : memref<1x8x128xi32, #tpu.memory_space<hbm>> -> memref<8x128xi32, #tpu.memory_space<hbm>>
      tpu.wait_dma2 semaphore(%run_scoped3A : memref<!tpu.dma_semaphore, #tpu.memory_space<semaphore_mem>>) src(%dma_wait3A_208 : memref<8x128xi32, #tpu.memory_space<hbm>>) dst(%arg5 : memref<8x128xi32, #tpu.memory_space<vmem>>)
      tpu.yield
    }) : () -> ()
    %dma_start3A = arith.constant 0 : i32
    %dma_start3A_3 = arith.constant 0 : i32
    %dma_start3A_4 = tpu.memref_slice %arg5[%dma_start3A, %dma_start3A_3] : memref<8x128xi32, #tpu.memory_space<vmem>> -> memref<1x128xi32, #tpu.memory_space<vmem>>
    %dma_start3A_5 = tpu.memref_squeeze %dma_start3A_4 : memref<1x128xi32, #tpu.memory_space<vmem>> -> memref<128xi32, #tpu.memory_space<vmem>>
    %dma_start3A_6 = arith.constant 0 : i32
    %dma_start3A_7 = arith.constant 0 : i32
    %dma_start3A_8 = tpu.memref_slice %arg2[%dma_start3A_6, %dma_start3A_7] : memref<100000x128xf32, #tpu.memory_space<hbm>> -> memref<100000x128xf32, #tpu.memory_space<hbm>>
    tpu.enqueue_indirect_dma source(%dma_start3A_8 : memref<100000x128xf32, #tpu.memory_space<hbm>>) target(%arg6 : memref<128x128xf32, #tpu.memory_space<vmem>>) offsets(%dma_start3A_5 : memref<128xi32, #tpu.memory_space<vmem>>) semaphore(%arg10 : memref<!tpu.dma_semaphore, #tpu.memory_space<semaphore_mem>>)
    %dma_start3A_9 = arith.constant 1 : i32
    %dma_start3A_10 = arith.constant 0 : i32
    %dma_start3A_11 = tpu.memref_slice %arg5[%dma_start3A_9, %dma_start3A_10] : memref<8x128xi32, #tpu.memory_space<vmem>> -> memref<1x128xi32, #tpu.memory_space<vmem>>
    %dma_start3A_12 = tpu.memref_squeeze %dma_start3A_11 : memref<1x128xi32, #tpu.memory_space<vmem>> -> memref<128xi32, #tpu.memory_space<vmem>>
    %dma_start3A_13 = arith.constant 0 : i32
    %dma_start3A_14 = arith.constant 0 : i32
    %dma_start3A_15 = tpu.memref_slice %arg2[%dma_start3A_13, %dma_start3A_14] : memref<100000x128xf32, #tpu.memory_space<hbm>> -> memref<100000x128xf32, #tpu.memory_space<hbm>>
    tpu.enqueue_indirect_dma source(%dma_start3A_15 : memref<100000x128xf32, #tpu.memory_space<hbm>>) target(%arg7 : memref<128x128xf32, #tpu.memory_space<vmem>>) offsets(%dma_start3A_12 : memref<128xi32, #tpu.memory_space<vmem>>) semaphore(%arg11 : memref<!tpu.dma_semaphore, #tpu.memory_space<semaphore_mem>>)
    %dma_wait3A = arith.constant 0 : i32
    %dma_wait3A_16 = arith.constant 0 : i32
    %dma_wait3A_17 = tpu.memref_slice %arg5[%dma_wait3A, %dma_wait3A_16] : memref<8x128xi32, #tpu.memory_space<vmem>> -> memref<1x128xi32, #tpu.memory_space<vmem>>
    %dma_wait3A_18 = tpu.memref_squeeze %dma_wait3A_17 : memref<1x128xi32, #tpu.memory_space<vmem>> -> memref<128xi32, #tpu.memory_space<vmem>>
    %dma_wait3A_19 = arith.constant 0 : i32
    %dma_wait3A_20 = arith.constant 0 : i32
    %dma_wait3A_21 = tpu.memref_slice %arg2[%dma_wait3A_19, %dma_wait3A_20] : memref<100000x128xf32, #tpu.memory_space<hbm>> -> memref<100000x128xf32, #tpu.memory_space<hbm>>
    tpu.wait_indirect_dma semaphore(%arg10 : memref<!tpu.dma_semaphore, #tpu.memory_space<semaphore_mem>>) src(%dma_wait3A_21 : memref<100000x128xf32, #tpu.memory_space<hbm>>) dst(%arg6 : memref<128x128xf32, #tpu.memory_space<vmem>>)
    %add3A_22 = arith.constant 0 : i32
    %add3A_23 = arith.addi %mul3A_2, %add3A_22 : i32
    %dma_start3A_24 = arith.constant 0 : i32
    %dma_start3A_25 = tpu.memref_slice %arg4[%add3A_23, %dma_start3A_24] : memref<32768x128xf32, #tpu.memory_space<hbm>> -> memref<128x128xf32, #tpu.memory_space<hbm>>
    %dma_start3A_26 = arith.constant 0 : i32
    %dma_start3A_27 = tpu.memref_slice %arg4[%add3A_23, %dma_start3A_26] : memref<32768x128xf32, #tpu.memory_space<hbm>> -> memref<128x128xf32, #tpu.memory_space<hbm>>
    tpu.enqueue_dma source(%arg6 : memref<128x128xf32, #tpu.memory_space<vmem>>) target(%dma_start3A_27 : memref<128x128xf32, #tpu.memory_space<hbm>>) target_semaphore(%arg14 : memref<!tpu.dma_semaphore, #tpu.memory_space<semaphore_mem>>)
    %dma_start3A_28 = arith.constant 2 : i32
    %dma_start3A_29 = arith.constant 0 : i32
    %dma_start3A_30 = tpu.memref_slice %arg5[%dma_start3A_28, %dma_start3A_29] : memref<8x128xi32, #tpu.memory_space<vmem>> -> memref<1x128xi32, #tpu.memory_space<vmem>>
    %dma_start3A_31 = tpu.memref_squeeze %dma_start3A_30 : memref<1x128xi32, #tpu.memory_space<vmem>> -> memref<128xi32, #tpu.memory_space<vmem>>
    %dma_start3A_32 = arith.constant 0 : i32
    %dma_start3A_33 = arith.constant 0 : i32
    %dma_start3A_34 = tpu.memref_slice %arg2[%dma_start3A_32, %dma_start3A_33] : memref<100000x128xf32, #tpu.memory_space<hbm>> -> memref<100000x128xf32, #tpu.memory_space<hbm>>
    tpu.enqueue_indirect_dma source(%dma_start3A_34 : memref<100000x128xf32, #tpu.memory_space<hbm>>) target(%arg8 : memref<128x128xf32, #tpu.memory_space<vmem>>) offsets(%dma_start3A_31 : memref<128xi32, #tpu.memory_space<vmem>>) semaphore(%arg12 : memref<!tpu.dma_semaphore, #tpu.memory_space<semaphore_mem>>)
    %dma_wait3A_35 = arith.constant 1 : i32
    %dma_wait3A_36 = arith.constant 0 : i32
    %dma_wait3A_37 = tpu.memref_slice %arg5[%dma_wait3A_35, %dma_wait3A_36] : memref<8x128xi32, #tpu.memory_space<vmem>> -> memref<1x128xi32, #tpu.memory_space<vmem>>
    %dma_wait3A_38 = tpu.memref_squeeze %dma_wait3A_37 : memref<1x128xi32, #tpu.memory_space<vmem>> -> memref<128xi32, #tpu.memory_space<vmem>>
    %dma_wait3A_39 = arith.constant 0 : i32
    %dma_wait3A_40 = arith.constant 0 : i32
    %dma_wait3A_41 = tpu.memref_slice %arg2[%dma_wait3A_39, %dma_wait3A_40] : memref<100000x128xf32, #tpu.memory_space<hbm>> -> memref<100000x128xf32, #tpu.memory_space<hbm>>
    tpu.wait_indirect_dma semaphore(%arg11 : memref<!tpu.dma_semaphore, #tpu.memory_space<semaphore_mem>>) src(%dma_wait3A_41 : memref<100000x128xf32, #tpu.memory_space<hbm>>) dst(%arg7 : memref<128x128xf32, #tpu.memory_space<vmem>>)
    %add3A_42 = arith.constant 128 : i32
    %add3A_43 = arith.addi %mul3A_2, %add3A_42 : i32
    %dma_start3A_44 = arith.constant 0 : i32
    %dma_start3A_45 = tpu.memref_slice %arg4[%add3A_43, %dma_start3A_44] : memref<32768x128xf32, #tpu.memory_space<hbm>> -> memref<128x128xf32, #tpu.memory_space<hbm>>
    %dma_start3A_46 = arith.constant 0 : i32
    %dma_start3A_47 = tpu.memref_slice %arg4[%add3A_43, %dma_start3A_46] : memref<32768x128xf32, #tpu.memory_space<hbm>> -> memref<128x128xf32, #tpu.memory_space<hbm>>
    tpu.enqueue_dma source(%arg7 : memref<128x128xf32, #tpu.memory_space<vmem>>) target(%dma_start3A_47 : memref<128x128xf32, #tpu.memory_space<hbm>>) target_semaphore(%arg15 : memref<!tpu.dma_semaphore, #tpu.memory_space<semaphore_mem>>)
    %dma_start3A_48 = arith.constant 3 : i32
    %dma_start3A_49 = arith.constant 0 : i32
    %dma_start3A_50 = tpu.memref_slice %arg5[%dma_start3A_48, %dma_start3A_49] : memref<8x128xi32, #tpu.memory_space<vmem>> -> memref<1x128xi32, #tpu.memory_space<vmem>>
    %dma_start3A_51 = tpu.memref_squeeze %dma_start3A_50 : memref<1x128xi32, #tpu.memory_space<vmem>> -> memref<128xi32, #tpu.memory_space<vmem>>
    %dma_start3A_52 = arith.constant 0 : i32
    %dma_start3A_53 = arith.constant 0 : i32
    %dma_start3A_54 = tpu.memref_slice %arg2[%dma_start3A_52, %dma_start3A_53] : memref<100000x128xf32, #tpu.memory_space<hbm>> -> memref<100000x128xf32, #tpu.memory_space<hbm>>
    tpu.enqueue_indirect_dma source(%dma_start3A_54 : memref<100000x128xf32, #tpu.memory_space<hbm>>) target(%arg9 : memref<128x128xf32, #tpu.memory_space<vmem>>) offsets(%dma_start3A_51 : memref<128xi32, #tpu.memory_space<vmem>>) semaphore(%arg13 : memref<!tpu.dma_semaphore, #tpu.memory_space<semaphore_mem>>)
    %dma_wait3A_55 = arith.constant 2 : i32
    %dma_wait3A_56 = arith.constant 0 : i32
    %dma_wait3A_57 = tpu.memref_slice %arg5[%dma_wait3A_55, %dma_wait3A_56] : memref<8x128xi32, #tpu.memory_space<vmem>> -> memref<1x128xi32, #tpu.memory_space<vmem>>
    %dma_wait3A_58 = tpu.memref_squeeze %dma_wait3A_57 : memref<1x128xi32, #tpu.memory_space<vmem>> -> memref<128xi32, #tpu.memory_space<vmem>>
    %dma_wait3A_59 = arith.constant 0 : i32
    %dma_wait3A_60 = arith.constant 0 : i32
    %dma_wait3A_61 = tpu.memref_slice %arg2[%dma_wait3A_59, %dma_wait3A_60] : memref<100000x128xf32, #tpu.memory_space<hbm>> -> memref<100000x128xf32, #tpu.memory_space<hbm>>
    tpu.wait_indirect_dma semaphore(%arg12 : memref<!tpu.dma_semaphore, #tpu.memory_space<semaphore_mem>>) src(%dma_wait3A_61 : memref<100000x128xf32, #tpu.memory_space<hbm>>) dst(%arg8 : memref<128x128xf32, #tpu.memory_space<vmem>>)
    %add3A_62 = arith.constant 256 : i32
    %add3A_63 = arith.addi %mul3A_2, %add3A_62 : i32
    %dma_start3A_64 = arith.constant 0 : i32
    %dma_start3A_65 = tpu.memref_slice %arg4[%add3A_63, %dma_start3A_64] : memref<32768x128xf32, #tpu.memory_space<hbm>> -> memref<128x128xf32, #tpu.memory_space<hbm>>
    %dma_start3A_66 = arith.constant 0 : i32
    %dma_start3A_67 = tpu.memref_slice %arg4[%add3A_63, %dma_start3A_66] : memref<32768x128xf32, #tpu.memory_space<hbm>> -> memref<128x128xf32, #tpu.memory_space<hbm>>
    tpu.enqueue_dma source(%arg8 : memref<128x128xf32, #tpu.memory_space<vmem>>) target(%dma_start3A_67 : memref<128x128xf32, #tpu.memory_space<hbm>>) target_semaphore(%arg16 : memref<!tpu.dma_semaphore, #tpu.memory_space<semaphore_mem>>)
    %dma_wait3A_68 = arith.constant 0 : i32
    %dma_wait3A_69 = tpu.memref_slice %arg4[%add3A_23, %dma_wait3A_68] : memref<32768x128xf32, #tpu.memory_space<hbm>> -> memref<128x128xf32, #tpu.memory_space<hbm>>
    %dma_wait3A_70 = arith.constant 0 : i32
    %dma_wait3A_71 = tpu.memref_slice %arg4[%add3A_23, %dma_wait3A_70] : memref<32768x128xf32, #tpu.memory_space<hbm>> -> memref<128x128xf32, #tpu.memory_space<hbm>>
    tpu.wait_dma2 semaphore(%arg14 : memref<!tpu.dma_semaphore, #tpu.memory_space<semaphore_mem>>) src(%arg6 : memref<128x128xf32, #tpu.memory_space<vmem>>) dst(%dma_wait3A_71 : memref<128x128xf32, #tpu.memory_space<hbm>>)
    %dma_start3A_72 = arith.constant 4 : i32
    %dma_start3A_73 = arith.constant 0 : i32
    %dma_start3A_74 = tpu.memref_slice %arg5[%dma_start3A_72, %dma_start3A_73] : memref<8x128xi32, #tpu.memory_space<vmem>> -> memref<1x128xi32, #tpu.memory_space<vmem>>
    %dma_start3A_75 = tpu.memref_squeeze %dma_start3A_74 : memref<1x128xi32, #tpu.memory_space<vmem>> -> memref<128xi32, #tpu.memory_space<vmem>>
    %dma_start3A_76 = arith.constant 0 : i32
    %dma_start3A_77 = arith.constant 0 : i32
    %dma_start3A_78 = tpu.memref_slice %arg2[%dma_start3A_76, %dma_start3A_77] : memref<100000x128xf32, #tpu.memory_space<hbm>> -> memref<100000x128xf32, #tpu.memory_space<hbm>>
    tpu.enqueue_indirect_dma source(%dma_start3A_78 : memref<100000x128xf32, #tpu.memory_space<hbm>>) target(%arg6 : memref<128x128xf32, #tpu.memory_space<vmem>>) offsets(%dma_start3A_75 : memref<128xi32, #tpu.memory_space<vmem>>) semaphore(%arg10 : memref<!tpu.dma_semaphore, #tpu.memory_space<semaphore_mem>>)
    %dma_wait3A_79 = arith.constant 3 : i32
    %dma_wait3A_80 = arith.constant 0 : i32
    %dma_wait3A_81 = tpu.memref_slice %arg5[%dma_wait3A_79, %dma_wait3A_80] : memref<8x128xi32, #tpu.memory_space<vmem>> -> memref<1x128xi32, #tpu.memory_space<vmem>>
    %dma_wait3A_82 = tpu.memref_squeeze %dma_wait3A_81 : memref<1x128xi32, #tpu.memory_space<vmem>> -> memref<128xi32, #tpu.memory_space<vmem>>
    %dma_wait3A_83 = arith.constant 0 : i32
    %dma_wait3A_84 = arith.constant 0 : i32
    %dma_wait3A_85 = tpu.memref_slice %arg2[%dma_wait3A_83, %dma_wait3A_84] : memref<100000x128xf32, #tpu.memory_space<hbm>> -> memref<100000x128xf32, #tpu.memory_space<hbm>>
    tpu.wait_indirect_dma semaphore(%arg13 : memref<!tpu.dma_semaphore, #tpu.memory_space<semaphore_mem>>) src(%dma_wait3A_85 : memref<100000x128xf32, #tpu.memory_space<hbm>>) dst(%arg9 : memref<128x128xf32, #tpu.memory_space<vmem>>)
    %add3A_86 = arith.constant 384 : i32
    %add3A_87 = arith.addi %mul3A_2, %add3A_86 : i32
    %dma_start3A_88 = arith.constant 0 : i32
    %dma_start3A_89 = tpu.memref_slice %arg4[%add3A_87, %dma_start3A_88] : memref<32768x128xf32, #tpu.memory_space<hbm>> -> memref<128x128xf32, #tpu.memory_space<hbm>>
    %dma_start3A_90 = arith.constant 0 : i32
    %dma_start3A_91 = tpu.memref_slice %arg4[%add3A_87, %dma_start3A_90] : memref<32768x128xf32, #tpu.memory_space<hbm>> -> memref<128x128xf32, #tpu.memory_space<hbm>>
    tpu.enqueue_dma source(%arg9 : memref<128x128xf32, #tpu.memory_space<vmem>>) target(%dma_start3A_91 : memref<128x128xf32, #tpu.memory_space<hbm>>) target_semaphore(%arg17 : memref<!tpu.dma_semaphore, #tpu.memory_space<semaphore_mem>>)
    %dma_wait3A_92 = arith.constant 0 : i32
    %dma_wait3A_93 = tpu.memref_slice %arg4[%add3A_43, %dma_wait3A_92] : memref<32768x128xf32, #tpu.memory_space<hbm>> -> memref<128x128xf32, #tpu.memory_space<hbm>>
    %dma_wait3A_94 = arith.constant 0 : i32
    %dma_wait3A_95 = tpu.memref_slice %arg4[%add3A_43, %dma_wait3A_94] : memref<32768x128xf32, #tpu.memory_space<hbm>> -> memref<128x128xf32, #tpu.memory_space<hbm>>
    tpu.wait_dma2 semaphore(%arg15 : memref<!tpu.dma_semaphore, #tpu.memory_space<semaphore_mem>>) src(%arg7 : memref<128x128xf32, #tpu.memory_space<vmem>>) dst(%dma_wait3A_95 : memref<128x128xf32, #tpu.memory_space<hbm>>)
    %dma_start3A_96 = arith.constant 5 : i32
    %dma_start3A_97 = arith.constant 0 : i32
    %dma_start3A_98 = tpu.memref_slice %arg5[%dma_start3A_96, %dma_start3A_97] : memref<8x128xi32, #tpu.memory_space<vmem>> -> memref<1x128xi32, #tpu.memory_space<vmem>>
    %dma_start3A_99 = tpu.memref_squeeze %dma_start3A_98 : memref<1x128xi32, #tpu.memory_space<vmem>> -> memref<128xi32, #tpu.memory_space<vmem>>
    %dma_start3A_100 = arith.constant 0 : i32
    %dma_start3A_101 = arith.constant 0 : i32
    %dma_start3A_102 = tpu.memref_slice %arg2[%dma_start3A_100, %dma_start3A_101] : memref<100000x128xf32, #tpu.memory_space<hbm>> -> memref<100000x128xf32, #tpu.memory_space<hbm>>
    tpu.enqueue_indirect_dma source(%dma_start3A_102 : memref<100000x128xf32, #tpu.memory_space<hbm>>) target(%arg7 : memref<128x128xf32, #tpu.memory_space<vmem>>) offsets(%dma_start3A_99 : memref<128xi32, #tpu.memory_space<vmem>>) semaphore(%arg11 : memref<!tpu.dma_semaphore, #tpu.memory_space<semaphore_mem>>)
    %dma_wait3A_103 = arith.constant 4 : i32
    %dma_wait3A_104 = arith.constant 0 : i32
    %dma_wait3A_105 = tpu.memref_slice %arg5[%dma_wait3A_103, %dma_wait3A_104] : memref<8x128xi32, #tpu.memory_space<vmem>> -> memref<1x128xi32, #tpu.memory_space<vmem>>
    %dma_wait3A_106 = tpu.memref_squeeze %dma_wait3A_105 : memref<1x128xi32, #tpu.memory_space<vmem>> -> memref<128xi32, #tpu.memory_space<vmem>>
    %dma_wait3A_107 = arith.constant 0 : i32
    %dma_wait3A_108 = arith.constant 0 : i32
    %dma_wait3A_109 = tpu.memref_slice %arg2[%dma_wait3A_107, %dma_wait3A_108] : memref<100000x128xf32, #tpu.memory_space<hbm>> -> memref<100000x128xf32, #tpu.memory_space<hbm>>
    tpu.wait_indirect_dma semaphore(%arg10 : memref<!tpu.dma_semaphore, #tpu.memory_space<semaphore_mem>>) src(%dma_wait3A_109 : memref<100000x128xf32, #tpu.memory_space<hbm>>) dst(%arg6 : memref<128x128xf32, #tpu.memory_space<vmem>>)
    %add3A_110 = arith.constant 512 : i32
    %add3A_111 = arith.addi %mul3A_2, %add3A_110 : i32
    %dma_start3A_112 = arith.constant 0 : i32
    %dma_start3A_113 = tpu.memref_slice %arg4[%add3A_111, %dma_start3A_112] : memref<32768x128xf32, #tpu.memory_space<hbm>> -> memref<128x128xf32, #tpu.memory_space<hbm>>
    %dma_start3A_114 = arith.constant 0 : i32
    %dma_start3A_115 = tpu.memref_slice %arg4[%add3A_111, %dma_start3A_114] : memref<32768x128xf32, #tpu.memory_space<hbm>> -> memref<128x128xf32, #tpu.memory_space<hbm>>
    tpu.enqueue_dma source(%arg6 : memref<128x128xf32, #tpu.memory_space<vmem>>) target(%dma_start3A_115 : memref<128x128xf32, #tpu.memory_space<hbm>>) target_semaphore(%arg14 : memref<!tpu.dma_semaphore, #tpu.memory_space<semaphore_mem>>)
    %dma_wait3A_116 = arith.constant 0 : i32
    %dma_wait3A_117 = tpu.memref_slice %arg4[%add3A_63, %dma_wait3A_116] : memref<32768x128xf32, #tpu.memory_space<hbm>> -> memref<128x128xf32, #tpu.memory_space<hbm>>
    %dma_wait3A_118 = arith.constant 0 : i32
    %dma_wait3A_119 = tpu.memref_slice %arg4[%add3A_63, %dma_wait3A_118] : memref<32768x128xf32, #tpu.memory_space<hbm>> -> memref<128x128xf32, #tpu.memory_space<hbm>>
    tpu.wait_dma2 semaphore(%arg16 : memref<!tpu.dma_semaphore, #tpu.memory_space<semaphore_mem>>) src(%arg8 : memref<128x128xf32, #tpu.memory_space<vmem>>) dst(%dma_wait3A_119 : memref<128x128xf32, #tpu.memory_space<hbm>>)
    %dma_start3A_120 = arith.constant 6 : i32
    %dma_start3A_121 = arith.constant 0 : i32
    %dma_start3A_122 = tpu.memref_slice %arg5[%dma_start3A_120, %dma_start3A_121] : memref<8x128xi32, #tpu.memory_space<vmem>> -> memref<1x128xi32, #tpu.memory_space<vmem>>
    %dma_start3A_123 = tpu.memref_squeeze %dma_start3A_122 : memref<1x128xi32, #tpu.memory_space<vmem>> -> memref<128xi32, #tpu.memory_space<vmem>>
    %dma_start3A_124 = arith.constant 0 : i32
    %dma_start3A_125 = arith.constant 0 : i32
    %dma_start3A_126 = tpu.memref_slice %arg2[%dma_start3A_124, %dma_start3A_125] : memref<100000x128xf32, #tpu.memory_space<hbm>> -> memref<100000x128xf32, #tpu.memory_space<hbm>>
    tpu.enqueue_indirect_dma source(%dma_start3A_126 : memref<100000x128xf32, #tpu.memory_space<hbm>>) target(%arg8 : memref<128x128xf32, #tpu.memory_space<vmem>>) offsets(%dma_start3A_123 : memref<128xi32, #tpu.memory_space<vmem>>) semaphore(%arg12 : memref<!tpu.dma_semaphore, #tpu.memory_space<semaphore_mem>>)
    %dma_wait3A_127 = arith.constant 5 : i32
    %dma_wait3A_128 = arith.constant 0 : i32
    %dma_wait3A_129 = tpu.memref_slice %arg5[%dma_wait3A_127, %dma_wait3A_128] : memref<8x128xi32, #tpu.memory_space<vmem>> -> memref<1x128xi32, #tpu.memory_space<vmem>>
    %dma_wait3A_130 = tpu.memref_squeeze %dma_wait3A_129 : memref<1x128xi32, #tpu.memory_space<vmem>> -> memref<128xi32, #tpu.memory_space<vmem>>
    %dma_wait3A_131 = arith.constant 0 : i32
    %dma_wait3A_132 = arith.constant 0 : i32
    %dma_wait3A_133 = tpu.memref_slice %arg2[%dma_wait3A_131, %dma_wait3A_132] : memref<100000x128xf32, #tpu.memory_space<hbm>> -> memref<100000x128xf32, #tpu.memory_space<hbm>>
    tpu.wait_indirect_dma semaphore(%arg11 : memref<!tpu.dma_semaphore, #tpu.memory_space<semaphore_mem>>) src(%dma_wait3A_133 : memref<100000x128xf32, #tpu.memory_space<hbm>>) dst(%arg7 : memref<128x128xf32, #tpu.memory_space<vmem>>)
    %add3A_134 = arith.constant 640 : i32
    %add3A_135 = arith.addi %mul3A_2, %add3A_134 : i32
    %dma_start3A_136 = arith.constant 0 : i32
    %dma_start3A_137 = tpu.memref_slice %arg4[%add3A_135, %dma_start3A_136] : memref<32768x128xf32, #tpu.memory_space<hbm>> -> memref<128x128xf32, #tpu.memory_space<hbm>>
    %dma_start3A_138 = arith.constant 0 : i32
    %dma_start3A_139 = tpu.memref_slice %arg4[%add3A_135, %dma_start3A_138] : memref<32768x128xf32, #tpu.memory_space<hbm>> -> memref<128x128xf32, #tpu.memory_space<hbm>>
    tpu.enqueue_dma source(%arg7 : memref<128x128xf32, #tpu.memory_space<vmem>>) target(%dma_start3A_139 : memref<128x128xf32, #tpu.memory_space<hbm>>) target_semaphore(%arg15 : memref<!tpu.dma_semaphore, #tpu.memory_space<semaphore_mem>>)
    %dma_wait3A_140 = arith.constant 0 : i32
    %dma_wait3A_141 = tpu.memref_slice %arg4[%add3A_87, %dma_wait3A_140] : memref<32768x128xf32, #tpu.memory_space<hbm>> -> memref<128x128xf32, #tpu.memory_space<hbm>>
    %dma_wait3A_142 = arith.constant 0 : i32
    %dma_wait3A_143 = tpu.memref_slice %arg4[%add3A_87, %dma_wait3A_142] : memref<32768x128xf32, #tpu.memory_space<hbm>> -> memref<128x128xf32, #tpu.memory_space<hbm>>
    tpu.wait_dma2 semaphore(%arg17 : memref<!tpu.dma_semaphore, #tpu.memory_space<semaphore_mem>>) src(%arg9 : memref<128x128xf32, #tpu.memory_space<vmem>>) dst(%dma_wait3A_143 : memref<128x128xf32, #tpu.memory_space<hbm>>)
    %dma_start3A_144 = arith.constant 7 : i32
    %dma_start3A_145 = arith.constant 0 : i32
    %dma_start3A_146 = tpu.memref_slice %arg5[%dma_start3A_144, %dma_start3A_145] : memref<8x128xi32, #tpu.memory_space<vmem>> -> memref<1x128xi32, #tpu.memory_space<vmem>>
    %dma_start3A_147 = tpu.memref_squeeze %dma_start3A_146 : memref<1x128xi32, #tpu.memory_space<vmem>> -> memref<128xi32, #tpu.memory_space<vmem>>
    %dma_start3A_148 = arith.constant 0 : i32
    %dma_start3A_149 = arith.constant 0 : i32
    %dma_start3A_150 = tpu.memref_slice %arg2[%dma_start3A_148, %dma_start3A_149] : memref<100000x128xf32, #tpu.memory_space<hbm>> -> memref<100000x128xf32, #tpu.memory_space<hbm>>
    tpu.enqueue_indirect_dma source(%dma_start3A_150 : memref<100000x128xf32, #tpu.memory_space<hbm>>) target(%arg9 : memref<128x128xf32, #tpu.memory_space<vmem>>) offsets(%dma_start3A_147 : memref<128xi32, #tpu.memory_space<vmem>>) semaphore(%arg13 : memref<!tpu.dma_semaphore, #tpu.memory_space<semaphore_mem>>)
    %dma_wait3A_151 = arith.constant 6 : i32
    %dma_wait3A_152 = arith.constant 0 : i32
    %dma_wait3A_153 = tpu.memref_slice %arg5[%dma_wait3A_151, %dma_wait3A_152] : memref<8x128xi32, #tpu.memory_space<vmem>> -> memref<1x128xi32, #tpu.memory_space<vmem>>
    %dma_wait3A_154 = tpu.memref_squeeze %dma_wait3A_153 : memref<1x128xi32, #tpu.memory_space<vmem>> -> memref<128xi32, #tpu.memory_space<vmem>>
    %dma_wait3A_155 = arith.constant 0 : i32
    %dma_wait3A_156 = arith.constant 0 : i32
    %dma_wait3A_157 = tpu.memref_slice %arg2[%dma_wait3A_155, %dma_wait3A_156] : memref<100000x128xf32, #tpu.memory_space<hbm>> -> memref<100000x128xf32, #tpu.memory_space<hbm>>
    tpu.wait_indirect_dma semaphore(%arg12 : memref<!tpu.dma_semaphore, #tpu.memory_space<semaphore_mem>>) src(%dma_wait3A_157 : memref<100000x128xf32, #tpu.memory_space<hbm>>) dst(%arg8 : memref<128x128xf32, #tpu.memory_space<vmem>>)
    %add3A_158 = arith.constant 768 : i32
    %add3A_159 = arith.addi %mul3A_2, %add3A_158 : i32
    %dma_start3A_160 = arith.constant 0 : i32
    %dma_start3A_161 = tpu.memref_slice %arg4[%add3A_159, %dma_start3A_160] : memref<32768x128xf32, #tpu.memory_space<hbm>> -> memref<128x128xf32, #tpu.memory_space<hbm>>
    %dma_start3A_162 = arith.constant 0 : i32
    %dma_start3A_163 = tpu.memref_slice %arg4[%add3A_159, %dma_start3A_162] : memref<32768x128xf32, #tpu.memory_space<hbm>> -> memref<128x128xf32, #tpu.memory_space<hbm>>
    tpu.enqueue_dma source(%arg8 : memref<128x128xf32, #tpu.memory_space<vmem>>) target(%dma_start3A_163 : memref<128x128xf32, #tpu.memory_space<hbm>>) target_semaphore(%arg16 : memref<!tpu.dma_semaphore, #tpu.memory_space<semaphore_mem>>)
    %dma_wait3A_164 = arith.constant 7 : i32
    %dma_wait3A_165 = arith.constant 0 : i32
    %dma_wait3A_166 = tpu.memref_slice %arg5[%dma_wait3A_164, %dma_wait3A_165] : memref<8x128xi32, #tpu.memory_space<vmem>> -> memref<1x128xi32, #tpu.memory_space<vmem>>
    %dma_wait3A_167 = tpu.memref_squeeze %dma_wait3A_166 : memref<1x128xi32, #tpu.memory_space<vmem>> -> memref<128xi32, #tpu.memory_space<vmem>>
    %dma_wait3A_168 = arith.constant 0 : i32
    %dma_wait3A_169 = arith.constant 0 : i32
    %dma_wait3A_170 = tpu.memref_slice %arg2[%dma_wait3A_168, %dma_wait3A_169] : memref<100000x128xf32, #tpu.memory_space<hbm>> -> memref<100000x128xf32, #tpu.memory_space<hbm>>
    tpu.wait_indirect_dma semaphore(%arg13 : memref<!tpu.dma_semaphore, #tpu.memory_space<semaphore_mem>>) src(%dma_wait3A_170 : memref<100000x128xf32, #tpu.memory_space<hbm>>) dst(%arg9 : memref<128x128xf32, #tpu.memory_space<vmem>>)
    %add3A_171 = arith.constant 896 : i32
    %add3A_172 = arith.addi %mul3A_2, %add3A_171 : i32
    %dma_start3A_173 = arith.constant 0 : i32
    %dma_start3A_174 = tpu.memref_slice %arg4[%add3A_172, %dma_start3A_173] : memref<32768x128xf32, #tpu.memory_space<hbm>> -> memref<128x128xf32, #tpu.memory_space<hbm>>
    %dma_start3A_175 = arith.constant 0 : i32
    %dma_start3A_176 = tpu.memref_slice %arg4[%add3A_172, %dma_start3A_175] : memref<32768x128xf32, #tpu.memory_space<hbm>> -> memref<128x128xf32, #tpu.memory_space<hbm>>
    tpu.enqueue_dma source(%arg9 : memref<128x128xf32, #tpu.memory_space<vmem>>) target(%dma_start3A_176 : memref<128x128xf32, #tpu.memory_space<hbm>>) target_semaphore(%arg17 : memref<!tpu.dma_semaphore, #tpu.memory_space<semaphore_mem>>)
    %dma_wait3A_177 = arith.constant 0 : i32
    %dma_wait3A_178 = tpu.memref_slice %arg4[%add3A_111, %dma_wait3A_177] : memref<32768x128xf32, #tpu.memory_space<hbm>> -> memref<128x128xf32, #tpu.memory_space<hbm>>
    %dma_wait3A_179 = arith.constant 0 : i32
    %dma_wait3A_180 = tpu.memref_slice %arg4[%add3A_111, %dma_wait3A_179] : memref<32768x128xf32, #tpu.memory_space<hbm>> -> memref<128x128xf32, #tpu.memory_space<hbm>>
    tpu.wait_dma2 semaphore(%arg14 : memref<!tpu.dma_semaphore, #tpu.memory_space<semaphore_mem>>) src(%arg6 : memref<128x128xf32, #tpu.memory_space<vmem>>) dst(%dma_wait3A_180 : memref<128x128xf32, #tpu.memory_space<hbm>>)
    %dma_wait3A_181 = arith.constant 0 : i32
    %dma_wait3A_182 = tpu.memref_slice %arg4[%add3A_135, %dma_wait3A_181] : memref<32768x128xf32, #tpu.memory_space<hbm>> -> memref<128x128xf32, #tpu.memory_space<hbm>>
    %dma_wait3A_183 = arith.constant 0 : i32
    %dma_wait3A_184 = tpu.memref_slice %arg4[%add3A_135, %dma_wait3A_183] : memref<32768x128xf32, #tpu.memory_space<hbm>> -> memref<128x128xf32, #tpu.memory_space<hbm>>
    tpu.wait_dma2 semaphore(%arg15 : memref<!tpu.dma_semaphore, #tpu.memory_space<semaphore_mem>>) src(%arg7 : memref<128x128xf32, #tpu.memory_space<vmem>>) dst(%dma_wait3A_184 : memref<128x128xf32, #tpu.memory_space<hbm>>)
    %dma_wait3A_185 = arith.constant 0 : i32
    %dma_wait3A_186 = tpu.memref_slice %arg4[%add3A_159, %dma_wait3A_185] : memref<32768x128xf32, #tpu.memory_space<hbm>> -> memref<128x128xf32, #tpu.memory_space<hbm>>
    %dma_wait3A_187 = arith.constant 0 : i32
    %dma_wait3A_188 = tpu.memref_slice %arg4[%add3A_159, %dma_wait3A_187] : memref<32768x128xf32, #tpu.memory_space<hbm>> -> memref<128x128xf32, #tpu.memory_space<hbm>>
    tpu.wait_dma2 semaphore(%arg16 : memref<!tpu.dma_semaphore, #tpu.memory_space<semaphore_mem>>) src(%arg8 : memref<128x128xf32, #tpu.memory_space<vmem>>) dst(%dma_wait3A_188 : memref<128x128xf32, #tpu.memory_space<hbm>>)
    %dma_wait3A_189 = arith.constant 0 : i32
    %dma_wait3A_190 = tpu.memref_slice %arg4[%add3A_172, %dma_wait3A_189] : memref<32768x128xf32, #tpu.memory_space<hbm>> -> memref<128x128xf32, #tpu.memory_space<hbm>>
    %dma_wait3A_191 = arith.constant 0 : i32
    %dma_wait3A_192 = tpu.memref_slice %arg4[%add3A_172, %dma_wait3A_191] : memref<32768x128xf32, #tpu.memory_space<hbm>> -> memref<128x128xf32, #tpu.memory_space<hbm>>
    tpu.wait_dma2 semaphore(%arg17 : memref<!tpu.dma_semaphore, #tpu.memory_space<semaphore_mem>>) src(%arg9 : memref<128x128xf32, #tpu.memory_space<vmem>>) dst(%dma_wait3A_192 : memref<128x128xf32, #tpu.memory_space<hbm>>)
    return
  }
}

#map = affine_map<(d0, d1) -> (0, 0)>
#map1 = affine_map<(d0, d1) -> (0, 0, 0)>
module attributes {stable_mosaic.version = 14 : i64} {
  func.func @body(%arg0: i32, %arg1: i32, %arg2: memref<100000x128xf32, #tpu.memory_space<hbm>>, %arg3: memref<32x8x128xi32, #tpu.memory_space<hbm>>, %arg4: memref<32768x128xf32, #tpu.memory_space<hbm>>, %arg5: memref<8x128xi32, #tpu.memory_space<vmem>>, %arg6: memref<128x128xf32, #tpu.memory_space<vmem>>, %arg7: memref<128x128xf32, #tpu.memory_space<vmem>>, %arg8: memref<128x128xf32, #tpu.memory_space<vmem>>, %arg9: memref<128x128xf32, #tpu.memory_space<vmem>>, %arg10: memref<!tpu.dma_semaphore, #tpu.memory_space<semaphore_mem>>, %arg11: memref<!tpu.dma_semaphore, #tpu.memory_space<semaphore_mem>>, %arg12: memref<!tpu.dma_semaphore, #tpu.memory_space<semaphore_mem>>, %arg13: memref<!tpu.dma_semaphore, #tpu.memory_space<semaphore_mem>>, %arg14: memref<!tpu.dma_semaphore, #tpu.memory_space<semaphore_mem>>, %arg15: memref<!tpu.dma_semaphore, #tpu.memory_space<semaphore_mem>>, %arg16: memref<!tpu.dma_semaphore, #tpu.memory_space<semaphore_mem>>, %arg17: memref<!tpu.dma_semaphore, #tpu.memory_space<semaphore_mem>>) attributes {dimension_semantics = [#tpu.dimension_semantics<core_parallel>, #tpu.dimension_semantics<subcore_parallel>], iteration_bounds = array<i64: 2, 16>, scalar_prefetch = 0 : i64, scratch_operands = 13 : i64, tpu.core_type = #tpu.core_type<sc_vector_subcore>, window_params = [{transform_indices = #map}, {transform_indices = #map1}, {transform_indices = #map}]} {
    %mul3A = arith.constant 2 : i32
    %mul3A_0 = arith.muli %arg1, %mul3A : i32
    %add3A = arith.addi %mul3A_0, %arg0 : i32
    %mul3A_1 = arith.constant 1024 : i32
    %mul3A_2 = arith.muli %add3A, %mul3A_1 : i32
    "tpu.region"() ({
      %run_scoped3A = tpu.sem_alloc : memref<!tpu.dma_semaphore, #tpu.memory_space<semaphore_mem>>
      %dma_start3A_193 = arith.constant 0 : i32
      %dma_start3A_194 = arith.constant 0 : i32
      %dma_start3A_195 = tpu.memref_slice %arg3[%add3A, %dma_start3A_193, %dma_start3A_194] : memref<32x8x128xi32, #tpu.memory_space<hbm>> -> memref<1x8x128xi32, #tpu.memory_space<hbm>>
      %dma_start3A_196 = tpu.memref_squeeze %dma_start3A_195 : memref<1x8x128xi32, #tpu.memory_space<hbm>> -> memref<8x128xi32, #tpu.memory_space<hbm>>
      %dma_start3A_197 = arith.constant 0 : i32
      %dma_start3A_198 = arith.constant 0 : i32
      %dma_start3A_199 = tpu.memref_slice %arg3[%add3A, %dma_start3A_197, %dma_start3A_198] : memref<32x8x128xi32, #tpu.memory_space<hbm>> -> memref<1x8x128xi32, #tpu.memory_space<hbm>>
      %dma_start3A_200 = tpu.memref_squeeze %dma_start3A_199 : memref<1x8x128xi32, #tpu.memory_space<hbm>> -> memref<8x128xi32, #tpu.memory_space<hbm>>
      tpu.enqueue_dma source(%dma_start3A_200 : memref<8x128xi32, #tpu.memory_space<hbm>>) target(%arg5 : memref<8x128xi32, #tpu.memory_space<vmem>>) target_semaphore(%run_scoped3A : memref<!tpu.dma_semaphore, #tpu.memory_space<semaphore_mem>>)
      %dma_wait3A_201 = arith.constant 0 : i32
      %dma_wait3A_202 = arith.constant 0 : i32
      %dma_wait3A_203 = tpu.memref_slice %arg3[%add3A, %dma_wait3A_201, %dma_wait3A_202] : memref<32x8x128xi32, #tpu.memory_space<hbm>> -> memref<1x8x128xi32, #tpu.memory_space<hbm>>
      %dma_wait3A_204 = tpu.memref_squeeze %dma_wait3A_203 : memref<1x8x128xi32, #tpu.memory_space<hbm>> -> memref<8x128xi32, #tpu.memory_space<hbm>>
      %dma_wait3A_205 = arith.constant 0 : i32
      %dma_wait3A_206 = arith.constant 0 : i32
      %dma_wait3A_207 = tpu.memref_slice %arg3[%add3A, %dma_wait3A_205, %dma_wait3A_206] : memref<32x8x128xi32, #tpu.memory_space<hbm>> -> memref<1x8x128xi32, #tpu.memory_space<hbm>>
      %dma_wait3A_208 = tpu.memref_squeeze %dma_wait3A_207 : memref<1x8x128xi32, #tpu.memory_space<hbm>> -> memref<8x128xi32, #tpu.memory_space<hbm>>
      tpu.wait_dma2 semaphore(%run_scoped3A : memref<!tpu.dma_semaphore, #tpu.memory_space<semaphore_mem>>) src(%dma_wait3A_208 : memref<8x128xi32, #tpu.memory_space<hbm>>) dst(%arg5 : memref<8x128xi32, #tpu.memory_space<vmem>>)
      tpu.yield
    }) : () -> ()
    %dma_start3A = arith.constant 0 : i32
    %dma_start3A_3 = arith.constant 0 : i32
    %dma_start3A_4 = tpu.memref_slice %arg5[%dma_start3A, %dma_start3A_3] : memref<8x128xi32, #tpu.memory_space<vmem>> -> memref<1x128xi32, #tpu.memory_space<vmem>>
    %dma_start3A_5 = tpu.memref_squeeze %dma_start3A_4 : memref<1x128xi32, #tpu.memory_space<vmem>> -> memref<128xi32, #tpu.memory_space<vmem>>
    %dma_start3A_6 = arith.constant 0 : i32
    %dma_start3A_7 = arith.constant 0 : i32
    %dma_start3A_8 = tpu.memref_slice %arg2[%dma_start3A_6, %dma_start3A_7] : memref<100000x128xf32, #tpu.memory_space<hbm>> -> memref<100000x128xf32, #tpu.memory_space<hbm>>
    tpu.enqueue_indirect_dma source(%dma_start3A_8 : memref<100000x128xf32, #tpu.memory_space<hbm>>) target(%arg6 : memref<128x128xf32, #tpu.memory_space<vmem>>) offsets(%dma_start3A_5 : memref<128xi32, #tpu.memory_space<vmem>>) semaphore(%arg10 : memref<!tpu.dma_semaphore, #tpu.memory_space<semaphore_mem>>)
    %dma_start3A_9 = arith.constant 1 : i32
    %dma_start3A_10 = arith.constant 0 : i32
    %dma_start3A_11 = tpu.memref_slice %arg5[%dma_start3A_9, %dma_start3A_10] : memref<8x128xi32, #tpu.memory_space<vmem>> -> memref<1x128xi32, #tpu.memory_space<vmem>>
    %dma_start3A_12 = tpu.memref_squeeze %dma_start3A_11 : memref<1x128xi32, #tpu.memory_space<vmem>> -> memref<128xi32, #tpu.memory_space<vmem>>
    %dma_start3A_13 = arith.constant 0 : i32
    %dma_start3A_14 = arith.constant 0 : i32
    %dma_start3A_15 = tpu.memref_slice %arg2[%dma_start3A_13, %dma_start3A_14] : memref<100000x128xf32, #tpu.memory_space<hbm>> -> memref<100000x128xf32, #tpu.memory_space<hbm>>
    tpu.enqueue_indirect_dma source(%dma_start3A_15 : memref<100000x128xf32, #tpu.memory_space<hbm>>) target(%arg7 : memref<128x128xf32, #tpu.memory_space<vmem>>) offsets(%dma_start3A_12 : memref<128xi32, #tpu.memory_space<vmem>>) semaphore(%arg11 : memref<!tpu.dma_semaphore, #tpu.memory_space<semaphore_mem>>)
    %dma_wait3A = arith.constant 0 : i32
    %dma_wait3A_16 = arith.constant 0 : i32
    %dma_wait3A_17 = tpu.memref_slice %arg5[%dma_wait3A, %dma_wait3A_16] : memref<8x128xi32, #tpu.memory_space<vmem>> -> memref<1x128xi32, #tpu.memory_space<vmem>>
    %dma_wait3A_18 = tpu.memref_squeeze %dma_wait3A_17 : memref<1x128xi32, #tpu.memory_space<vmem>> -> memref<128xi32, #tpu.memory_space<vmem>>
    %dma_wait3A_19 = arith.constant 0 : i32
    %dma_wait3A_20 = arith.constant 0 : i32
    %dma_wait3A_21 = tpu.memref_slice %arg2[%dma_wait3A_19, %dma_wait3A_20] : memref<100000x128xf32, #tpu.memory_space<hbm>> -> memref<100000x128xf32, #tpu.memory_space<hbm>>
    tpu.wait_indirect_dma semaphore(%arg10 : memref<!tpu.dma_semaphore, #tpu.memory_space<semaphore_mem>>) src(%dma_wait3A_21 : memref<100000x128xf32, #tpu.memory_space<hbm>>) dst(%arg6 : memref<128x128xf32, #tpu.memory_space<vmem>>)
    %add3A_22 = arith.constant 0 : i32
    %add3A_23 = arith.addi %mul3A_2, %add3A_22 : i32
    %dma_start3A_24 = arith.constant 0 : i32
    %dma_start3A_25 = tpu.memref_slice %arg4[%add3A_23, %dma_start3A_24] : memref<32768x128xf32, #tpu.memory_space<hbm>> -> memref<128x128xf32, #tpu.memory_space<hbm>>
    %dma_start3A_26 = arith.constant 0 : i32
    %dma_start3A_27 = tpu.memref_slice %arg4[%add3A_23, %dma_start3A_26] : memref<32768x128xf32, #tpu.memory_space<hbm>> -> memref<128x128xf32, #tpu.memory_space<hbm>>
    tpu.enqueue_dma source(%arg6 : memref<128x128xf32, #tpu.memory_space<vmem>>) target(%dma_start3A_27 : memref<128x128xf32, #tpu.memory_space<hbm>>) target_semaphore(%arg14 : memref<!tpu.dma_semaphore, #tpu.memory_space<semaphore_mem>>)
    %dma_start3A_28 = arith.constant 2 : i32
    %dma_start3A_29 = arith.constant 0 : i32
    %dma_start3A_30 = tpu.memref_slice %arg5[%dma_start3A_28, %dma_start3A_29] : memref<8x128xi32, #tpu.memory_space<vmem>> -> memref<1x128xi32, #tpu.memory_space<vmem>>
    %dma_start3A_31 = tpu.memref_squeeze %dma_start3A_30 : memref<1x128xi32, #tpu.memory_space<vmem>> -> memref<128xi32, #tpu.memory_space<vmem>>
    %dma_start3A_32 = arith.constant 0 : i32
    %dma_start3A_33 = arith.constant 0 : i32
    %dma_start3A_34 = tpu.memref_slice %arg2[%dma_start3A_32, %dma_start3A_33] : memref<100000x128xf32, #tpu.memory_space<hbm>> -> memref<100000x128xf32, #tpu.memory_space<hbm>>
    tpu.enqueue_indirect_dma source(%dma_start3A_34 : memref<100000x128xf32, #tpu.memory_space<hbm>>) target(%arg8 : memref<128x128xf32, #tpu.memory_space<vmem>>) offsets(%dma_start3A_31 : memref<128xi32, #tpu.memory_space<vmem>>) semaphore(%arg12 : memref<!tpu.dma_semaphore, #tpu.memory_space<semaphore_mem>>)
    %dma_wait3A_35 = arith.constant 1 : i32
    %dma_wait3A_36 = arith.constant 0 : i32
    %dma_wait3A_37 = tpu.memref_slice %arg5[%dma_wait3A_35, %dma_wait3A_36] : memref<8x128xi32, #tpu.memory_space<vmem>> -> memref<1x128xi32, #tpu.memory_space<vmem>>
    %dma_wait3A_38 = tpu.memref_squeeze %dma_wait3A_37 : memref<1x128xi32, #tpu.memory_space<vmem>> -> memref<128xi32, #tpu.memory_space<vmem>>
    %dma_wait3A_39 = arith.constant 0 : i32
    %dma_wait3A_40 = arith.constant 0 : i32
    %dma_wait3A_41 = tpu.memref_slice %arg2[%dma_wait3A_39, %dma_wait3A_40] : memref<100000x128xf32, #tpu.memory_space<hbm>> -> memref<100000x128xf32, #tpu.memory_space<hbm>>
    tpu.wait_indirect_dma semaphore(%arg11 : memref<!tpu.dma_semaphore, #tpu.memory_space<semaphore_mem>>) src(%dma_wait3A_41 : memref<100000x128xf32, #tpu.memory_space<hbm>>) dst(%arg7 : memref<128x128xf32, #tpu.memory_space<vmem>>)
    %add3A_42 = arith.constant 128 : i32
    %add3A_43 = arith.addi %mul3A_2, %add3A_42 : i32
    %dma_start3A_44 = arith.constant 0 : i32
    %dma_start3A_45 = tpu.memref_slice %arg4[%add3A_43, %dma_start3A_44] : memref<32768x128xf32, #tpu.memory_space<hbm>> -> memref<128x128xf32, #tpu.memory_space<hbm>>
    %dma_start3A_46 = arith.constant 0 : i32
    %dma_start3A_47 = tpu.memref_slice %arg4[%add3A_43, %dma_start3A_46] : memref<32768x128xf32, #tpu.memory_space<hbm>> -> memref<128x128xf32, #tpu.memory_space<hbm>>
    tpu.enqueue_dma source(%arg7 : memref<128x128xf32, #tpu.memory_space<vmem>>) target(%dma_start3A_47 : memref<128x128xf32, #tpu.memory_space<hbm>>) target_semaphore(%arg15 : memref<!tpu.dma_semaphore, #tpu.memory_space<semaphore_mem>>)
    %dma_start3A_48 = arith.constant 3 : i32
    %dma_start3A_49 = arith.constant 0 : i32
    %dma_start3A_50 = tpu.memref_slice %arg5[%dma_start3A_48, %dma_start3A_49] : memref<8x128xi32, #tpu.memory_space<vmem>> -> memref<1x128xi32, #tpu.memory_space<vmem>>
    %dma_start3A_51 = tpu.memref_squeeze %dma_start3A_50 : memref<1x128xi32, #tpu.memory_space<vmem>> -> memref<128xi32, #tpu.memory_space<vmem>>
    %dma_start3A_52 = arith.constant 0 : i32
    %dma_start3A_53 = arith.constant 0 : i32
    %dma_start3A_54 = tpu.memref_slice %arg2[%dma_start3A_52, %dma_start3A_53] : memref<100000x128xf32, #tpu.memory_space<hbm>> -> memref<100000x128xf32, #tpu.memory_space<hbm>>
    tpu.enqueue_indirect_dma source(%dma_start3A_54 : memref<100000x128xf32, #tpu.memory_space<hbm>>) target(%arg9 : memref<128x128xf32, #tpu.memory_space<vmem>>) offsets(%dma_start3A_51 : memref<128xi32, #tpu.memory_space<vmem>>) semaphore(%arg13 : memref<!tpu.dma_semaphore, #tpu.memory_space<semaphore_mem>>)
    %dma_wait3A_55 = arith.constant 2 : i32
    %dma_wait3A_56 = arith.constant 0 : i32
    %dma_wait3A_57 = tpu.memref_slice %arg5[%dma_wait3A_55, %dma_wait3A_56] : memref<8x128xi32, #tpu.memory_space<vmem>> -> memref<1x128xi32, #tpu.memory_space<vmem>>
    %dma_wait3A_58 = tpu.memref_squeeze %dma_wait3A_57 : memref<1x128xi32, #tpu.memory_space<vmem>> -> memref<128xi32, #tpu.memory_space<vmem>>
    %dma_wait3A_59 = arith.constant 0 : i32
    %dma_wait3A_60 = arith.constant 0 : i32
    %dma_wait3A_61 = tpu.memref_slice %arg2[%dma_wait3A_59, %dma_wait3A_60] : memref<100000x128xf32, #tpu.memory_space<hbm>> -> memref<100000x128xf32, #tpu.memory_space<hbm>>
    tpu.wait_indirect_dma semaphore(%arg12 : memref<!tpu.dma_semaphore, #tpu.memory_space<semaphore_mem>>) src(%dma_wait3A_61 : memref<100000x128xf32, #tpu.memory_space<hbm>>) dst(%arg8 : memref<128x128xf32, #tpu.memory_space<vmem>>)
    %add3A_62 = arith.constant 256 : i32
    %add3A_63 = arith.addi %mul3A_2, %add3A_62 : i32
    %dma_start3A_64 = arith.constant 0 : i32
    %dma_start3A_65 = tpu.memref_slice %arg4[%add3A_63, %dma_start3A_64] : memref<32768x128xf32, #tpu.memory_space<hbm>> -> memref<128x128xf32, #tpu.memory_space<hbm>>
    %dma_start3A_66 = arith.constant 0 : i32
    %dma_start3A_67 = tpu.memref_slice %arg4[%add3A_63, %dma_start3A_66] : memref<32768x128xf32, #tpu.memory_space<hbm>> -> memref<128x128xf32, #tpu.memory_space<hbm>>
    tpu.enqueue_dma source(%arg8 : memref<128x128xf32, #tpu.memory_space<vmem>>) target(%dma_start3A_67 : memref<128x128xf32, #tpu.memory_space<hbm>>) target_semaphore(%arg16 : memref<!tpu.dma_semaphore, #tpu.memory_space<semaphore_mem>>)
    %dma_wait3A_68 = arith.constant 0 : i32
    %dma_wait3A_69 = tpu.memref_slice %arg4[%add3A_23, %dma_wait3A_68] : memref<32768x128xf32, #tpu.memory_space<hbm>> -> memref<128x128xf32, #tpu.memory_space<hbm>>
    %dma_wait3A_70 = arith.constant 0 : i32
    %dma_wait3A_71 = tpu.memref_slice %arg4[%add3A_23, %dma_wait3A_70] : memref<32768x128xf32, #tpu.memory_space<hbm>> -> memref<128x128xf32, #tpu.memory_space<hbm>>
    tpu.wait_dma2 semaphore(%arg14 : memref<!tpu.dma_semaphore, #tpu.memory_space<semaphore_mem>>) src(%arg6 : memref<128x128xf32, #tpu.memory_space<vmem>>) dst(%dma_wait3A_71 : memref<128x128xf32, #tpu.memory_space<hbm>>)
    %dma_start3A_72 = arith.constant 4 : i32
    %dma_start3A_73 = arith.constant 0 : i32
    %dma_start3A_74 = tpu.memref_slice %arg5[%dma_start3A_72, %dma_start3A_73] : memref<8x128xi32, #tpu.memory_space<vmem>> -> memref<1x128xi32, #tpu.memory_space<vmem>>
    %dma_start3A_75 = tpu.memref_squeeze %dma_start3A_74 : memref<1x128xi32, #tpu.memory_space<vmem>> -> memref<128xi32, #tpu.memory_space<vmem>>
    %dma_start3A_76 = arith.constant 0 : i32
    %dma_start3A_77 = arith.constant 0 : i32
    %dma_start3A_78 = tpu.memref_slice %arg2[%dma_start3A_76, %dma_start3A_77] : memref<100000x128xf32, #tpu.memory_space<hbm>> -> memref<100000x128xf32, #tpu.memory_space<hbm>>
    tpu.enqueue_indirect_dma source(%dma_start3A_78 : memref<100000x128xf32, #tpu.memory_space<hbm>>) target(%arg6 : memref<128x128xf32, #tpu.memory_space<vmem>>) offsets(%dma_start3A_75 : memref<128xi32, #tpu.memory_space<vmem>>) semaphore(%arg10 : memref<!tpu.dma_semaphore, #tpu.memory_space<semaphore_mem>>)
    %dma_wait3A_79 = arith.constant 3 : i32
    %dma_wait3A_80 = arith.constant 0 : i32
    %dma_wait3A_81 = tpu.memref_slice %arg5[%dma_wait3A_79, %dma_wait3A_80] : memref<8x128xi32, #tpu.memory_space<vmem>> -> memref<1x128xi32, #tpu.memory_space<vmem>>
    %dma_wait3A_82 = tpu.memref_squeeze %dma_wait3A_81 : memref<1x128xi32, #tpu.memory_space<vmem>> -> memref<128xi32, #tpu.memory_space<vmem>>
    %dma_wait3A_83 = arith.constant 0 : i32
    %dma_wait3A_84 = arith.constant 0 : i32
    %dma_wait3A_85 = tpu.memref_slice %arg2[%dma_wait3A_83, %dma_wait3A_84] : memref<100000x128xf32, #tpu.memory_space<hbm>> -> memref<100000x128xf32, #tpu.memory_space<hbm>>
    tpu.wait_indirect_dma semaphore(%arg13 : memref<!tpu.dma_semaphore, #tpu.memory_space<semaphore_mem>>) src(%dma_wait3A_85 : memref<100000x128xf32, #tpu.memory_space<hbm>>) dst(%arg9 : memref<128x128xf32, #tpu.memory_space<vmem>>)
    %add3A_86 = arith.constant 384 : i32
    %add3A_87 = arith.addi %mul3A_2, %add3A_86 : i32
    %dma_start3A_88 = arith.constant 0 : i32
    %dma_start3A_89 = tpu.memref_slice %arg4[%add3A_87, %dma_start3A_88] : memref<32768x128xf32, #tpu.memory_space<hbm>> -> memref<128x128xf32, #tpu.memory_space<hbm>>
    %dma_start3A_90 = arith.constant 0 : i32
    %dma_start3A_91 = tpu.memref_slice %arg4[%add3A_87, %dma_start3A_90] : memref<32768x128xf32, #tpu.memory_space<hbm>> -> memref<128x128xf32, #tpu.memory_space<hbm>>
    tpu.enqueue_dma source(%arg9 : memref<128x128xf32, #tpu.memory_space<vmem>>) target(%dma_start3A_91 : memref<128x128xf32, #tpu.memory_space<hbm>>) target_semaphore(%arg17 : memref<!tpu.dma_semaphore, #tpu.memory_space<semaphore_mem>>)
    %dma_wait3A_92 = arith.constant 0 : i32
    %dma_wait3A_93 = tpu.memref_slice %arg4[%add3A_43, %dma_wait3A_92] : memref<32768x128xf32, #tpu.memory_space<hbm>> -> memref<128x128xf32, #tpu.memory_space<hbm>>
    %dma_wait3A_94 = arith.constant 0 : i32
    %dma_wait3A_95 = tpu.memref_slice %arg4[%add3A_43, %dma_wait3A_94] : memref<32768x128xf32, #tpu.memory_space<hbm>> -> memref<128x128xf32, #tpu.memory_space<hbm>>
    tpu.wait_dma2 semaphore(%arg15 : memref<!tpu.dma_semaphore, #tpu.memory_space<semaphore_mem>>) src(%arg7 : memref<128x128xf32, #tpu.memory_space<vmem>>) dst(%dma_wait3A_95 : memref<128x128xf32, #tpu.memory_space<hbm>>)
    %dma_start3A_96 = arith.constant 5 : i32
    %dma_start3A_97 = arith.constant 0 : i32
    %dma_start3A_98 = tpu.memref_slice %arg5[%dma_start3A_96, %dma_start3A_97] : memref<8x128xi32, #tpu.memory_space<vmem>> -> memref<1x128xi32, #tpu.memory_space<vmem>>
    %dma_start3A_99 = tpu.memref_squeeze %dma_start3A_98 : memref<1x128xi32, #tpu.memory_space<vmem>> -> memref<128xi32, #tpu.memory_space<vmem>>
    %dma_start3A_100 = arith.constant 0 : i32
    %dma_start3A_101 = arith.constant 0 : i32
    %dma_start3A_102 = tpu.memref_slice %arg2[%dma_start3A_100, %dma_start3A_101] : memref<100000x128xf32, #tpu.memory_space<hbm>> -> memref<100000x128xf32, #tpu.memory_space<hbm>>
    tpu.enqueue_indirect_dma source(%dma_start3A_102 : memref<100000x128xf32, #tpu.memory_space<hbm>>) target(%arg7 : memref<128x128xf32, #tpu.memory_space<vmem>>) offsets(%dma_start3A_99 : memref<128xi32, #tpu.memory_space<vmem>>) semaphore(%arg11 : memref<!tpu.dma_semaphore, #tpu.memory_space<semaphore_mem>>)
    %dma_wait3A_103 = arith.constant 4 : i32
    %dma_wait3A_104 = arith.constant 0 : i32
    %dma_wait3A_105 = tpu.memref_slice %arg5[%dma_wait3A_103, %dma_wait3A_104] : memref<8x128xi32, #tpu.memory_space<vmem>> -> memref<1x128xi32, #tpu.memory_space<vmem>>
    %dma_wait3A_106 = tpu.memref_squeeze %dma_wait3A_105 : memref<1x128xi32, #tpu.memory_space<vmem>> -> memref<128xi32, #tpu.memory_space<vmem>>
    %dma_wait3A_107 = arith.constant 0 : i32
    %dma_wait3A_108 = arith.constant 0 : i32
    %dma_wait3A_109 = tpu.memref_slice %arg2[%dma_wait3A_107, %dma_wait3A_108] : memref<100000x128xf32, #tpu.memory_space<hbm>> -> memref<100000x128xf32, #tpu.memory_space<hbm>>
    tpu.wait_indirect_dma semaphore(%arg10 : memref<!tpu.dma_semaphore, #tpu.memory_space<semaphore_mem>>) src(%dma_wait3A_109 : memref<100000x128xf32, #tpu.memory_space<hbm>>) dst(%arg6 : memref<128x128xf32, #tpu.memory_space<vmem>>)
    %add3A_110 = arith.constant 512 : i32
    %add3A_111 = arith.addi %mul3A_2, %add3A_110 : i32
    %dma_start3A_112 = arith.constant 0 : i32
    %dma_start3A_113 = tpu.memref_slice %arg4[%add3A_111, %dma_start3A_112] : memref<32768x128xf32, #tpu.memory_space<hbm>> -> memref<128x128xf32, #tpu.memory_space<hbm>>
    %dma_start3A_114 = arith.constant 0 : i32
    %dma_start3A_115 = tpu.memref_slice %arg4[%add3A_111, %dma_start3A_114] : memref<32768x128xf32, #tpu.memory_space<hbm>> -> memref<128x128xf32, #tpu.memory_space<hbm>>
    tpu.enqueue_dma source(%arg6 : memref<128x128xf32, #tpu.memory_space<vmem>>) target(%dma_start3A_115 : memref<128x128xf32, #tpu.memory_space<hbm>>) target_semaphore(%arg14 : memref<!tpu.dma_semaphore, #tpu.memory_space<semaphore_mem>>)
    %dma_wait3A_116 = arith.constant 0 : i32
    %dma_wait3A_117 = tpu.memref_slice %arg4[%add3A_63, %dma_wait3A_116] : memref<32768x128xf32, #tpu.memory_space<hbm>> -> memref<128x128xf32, #tpu.memory_space<hbm>>
    %dma_wait3A_118 = arith.constant 0 : i32
    %dma_wait3A_119 = tpu.memref_slice %arg4[%add3A_63, %dma_wait3A_118] : memref<32768x128xf32, #tpu.memory_space<hbm>> -> memref<128x128xf32, #tpu.memory_space<hbm>>
    tpu.wait_dma2 semaphore(%arg16 : memref<!tpu.dma_semaphore, #tpu.memory_space<semaphore_mem>>) src(%arg8 : memref<128x128xf32, #tpu.memory_space<vmem>>) dst(%dma_wait3A_119 : memref<128x128xf32, #tpu.memory_space<hbm>>)
    %dma_start3A_120 = arith.constant 6 : i32
    %dma_start3A_121 = arith.constant 0 : i32
    %dma_start3A_122 = tpu.memref_slice %arg5[%dma_start3A_120, %dma_start3A_121] : memref<8x128xi32, #tpu.memory_space<vmem>> -> memref<1x128xi32, #tpu.memory_space<vmem>>
    %dma_start3A_123 = tpu.memref_squeeze %dma_start3A_122 : memref<1x128xi32, #tpu.memory_space<vmem>> -> memref<128xi32, #tpu.memory_space<vmem>>
    %dma_start3A_124 = arith.constant 0 : i32
    %dma_start3A_125 = arith.constant 0 : i32
    %dma_start3A_126 = tpu.memref_slice %arg2[%dma_start3A_124, %dma_start3A_125] : memref<100000x128xf32, #tpu.memory_space<hbm>> -> memref<100000x128xf32, #tpu.memory_space<hbm>>
    tpu.enqueue_indirect_dma source(%dma_start3A_126 : memref<100000x128xf32, #tpu.memory_space<hbm>>) target(%arg8 : memref<128x128xf32, #tpu.memory_space<vmem>>) offsets(%dma_start3A_123 : memref<128xi32, #tpu.memory_space<vmem>>) semaphore(%arg12 : memref<!tpu.dma_semaphore, #tpu.memory_space<semaphore_mem>>)
    %dma_wait3A_127 = arith.constant 5 : i32
    %dma_wait3A_128 = arith.constant 0 : i32
    %dma_wait3A_129 = tpu.memref_slice %arg5[%dma_wait3A_127, %dma_wait3A_128] : memref<8x128xi32, #tpu.memory_space<vmem>> -> memref<1x128xi32, #tpu.memory_space<vmem>>
    %dma_wait3A_130 = tpu.memref_squeeze %dma_wait3A_129 : memref<1x128xi32, #tpu.memory_space<vmem>> -> memref<128xi32, #tpu.memory_space<vmem>>
    %dma_wait3A_131 = arith.constant 0 : i32
    %dma_wait3A_132 = arith.constant 0 : i32
    %dma_wait3A_133 = tpu.memref_slice %arg2[%dma_wait3A_131, %dma_wait3A_132] : memref<100000x128xf32, #tpu.memory_space<hbm>> -> memref<100000x128xf32, #tpu.memory_space<hbm>>
    tpu.wait_indirect_dma semaphore(%arg11 : memref<!tpu.dma_semaphore, #tpu.memory_space<semaphore_mem>>) src(%dma_wait3A_133 : memref<100000x128xf32, #tpu.memory_space<hbm>>) dst(%arg7 : memref<128x128xf32, #tpu.memory_space<vmem>>)
    %add3A_134 = arith.constant 640 : i32
    %add3A_135 = arith.addi %mul3A_2, %add3A_134 : i32
    %dma_start3A_136 = arith.constant 0 : i32
    %dma_start3A_137 = tpu.memref_slice %arg4[%add3A_135, %dma_start3A_136] : memref<32768x128xf32, #tpu.memory_space<hbm>> -> memref<128x128xf32, #tpu.memory_space<hbm>>
    %dma_start3A_138 = arith.constant 0 : i32
    %dma_start3A_139 = tpu.memref_slice %arg4[%add3A_135, %dma_start3A_138] : memref<32768x128xf32, #tpu.memory_space<hbm>> -> memref<128x128xf32, #tpu.memory_space<hbm>>
    tpu.enqueue_dma source(%arg7 : memref<128x128xf32, #tpu.memory_space<vmem>>) target(%dma_start3A_139 : memref<128x128xf32, #tpu.memory_space<hbm>>) target_semaphore(%arg15 : memref<!tpu.dma_semaphore, #tpu.memory_space<semaphore_mem>>)
    %dma_wait3A_140 = arith.constant 0 : i32
    %dma_wait3A_141 = tpu.memref_slice %arg4[%add3A_87, %dma_wait3A_140] : memref<32768x128xf32, #tpu.memory_space<hbm>> -> memref<128x128xf32, #tpu.memory_space<hbm>>
    %dma_wait3A_142 = arith.constant 0 : i32
    %dma_wait3A_143 = tpu.memref_slice %arg4[%add3A_87, %dma_wait3A_142] : memref<32768x128xf32, #tpu.memory_space<hbm>> -> memref<128x128xf32, #tpu.memory_space<hbm>>
    tpu.wait_dma2 semaphore(%arg17 : memref<!tpu.dma_semaphore, #tpu.memory_space<semaphore_mem>>) src(%arg9 : memref<128x128xf32, #tpu.memory_space<vmem>>) dst(%dma_wait3A_143 : memref<128x128xf32, #tpu.memory_space<hbm>>)
    %dma_start3A_144 = arith.constant 7 : i32
    %dma_start3A_145 = arith.constant 0 : i32
    %dma_start3A_146 = tpu.memref_slice %arg5[%dma_start3A_144, %dma_start3A_145] : memref<8x128xi32, #tpu.memory_space<vmem>> -> memref<1x128xi32, #tpu.memory_space<vmem>>
    %dma_start3A_147 = tpu.memref_squeeze %dma_start3A_146 : memref<1x128xi32, #tpu.memory_space<vmem>> -> memref<128xi32, #tpu.memory_space<vmem>>
    %dma_start3A_148 = arith.constant 0 : i32
    %dma_start3A_149 = arith.constant 0 : i32
    %dma_start3A_150 = tpu.memref_slice %arg2[%dma_start3A_148, %dma_start3A_149] : memref<100000x128xf32, #tpu.memory_space<hbm>> -> memref<100000x128xf32, #tpu.memory_space<hbm>>
    tpu.enqueue_indirect_dma source(%dma_start3A_150 : memref<100000x128xf32, #tpu.memory_space<hbm>>) target(%arg9 : memref<128x128xf32, #tpu.memory_space<vmem>>) offsets(%dma_start3A_147 : memref<128xi32, #tpu.memory_space<vmem>>) semaphore(%arg13 : memref<!tpu.dma_semaphore, #tpu.memory_space<semaphore_mem>>)
    %dma_wait3A_151 = arith.constant 6 : i32
    %dma_wait3A_152 = arith.constant 0 : i32
    %dma_wait3A_153 = tpu.memref_slice %arg5[%dma_wait3A_151, %dma_wait3A_152] : memref<8x128xi32, #tpu.memory_space<vmem>> -> memref<1x128xi32, #tpu.memory_space<vmem>>
    %dma_wait3A_154 = tpu.memref_squeeze %dma_wait3A_153 : memref<1x128xi32, #tpu.memory_space<vmem>> -> memref<128xi32, #tpu.memory_space<vmem>>
    %dma_wait3A_155 = arith.constant 0 : i32
    %dma_wait3A_156 = arith.constant 0 : i32
    %dma_wait3A_157 = tpu.memref_slice %arg2[%dma_wait3A_155, %dma_wait3A_156] : memref<100000x128xf32, #tpu.memory_space<hbm>> -> memref<100000x128xf32, #tpu.memory_space<hbm>>
    tpu.wait_indirect_dma semaphore(%arg12 : memref<!tpu.dma_semaphore, #tpu.memory_space<semaphore_mem>>) src(%dma_wait3A_157 : memref<100000x128xf32, #tpu.memory_space<hbm>>) dst(%arg8 : memref<128x128xf32, #tpu.memory_space<vmem>>)
    %add3A_158 = arith.constant 768 : i32
    %add3A_159 = arith.addi %mul3A_2, %add3A_158 : i32
    %dma_start3A_160 = arith.constant 0 : i32
    %dma_start3A_161 = tpu.memref_slice %arg4[%add3A_159, %dma_start3A_160] : memref<32768x128xf32, #tpu.memory_space<hbm>> -> memref<128x128xf32, #tpu.memory_space<hbm>>
    %dma_start3A_162 = arith.constant 0 : i32
    %dma_start3A_163 = tpu.memref_slice %arg4[%add3A_159, %dma_start3A_162] : memref<32768x128xf32, #tpu.memory_space<hbm>> -> memref<128x128xf32, #tpu.memory_space<hbm>>
    tpu.enqueue_dma source(%arg8 : memref<128x128xf32, #tpu.memory_space<vmem>>) target(%dma_start3A_163 : memref<128x128xf32, #tpu.memory_space<hbm>>) target_semaphore(%arg16 : memref<!tpu.dma_semaphore, #tpu.memory_space<semaphore_mem>>)
    %dma_wait3A_164 = arith.constant 7 : i32
    %dma_wait3A_165 = arith.constant 0 : i32
    %dma_wait3A_166 = tpu.memref_slice %arg5[%dma_wait3A_164, %dma_wait3A_165] : memref<8x128xi32, #tpu.memory_space<vmem>> -> memref<1x128xi32, #tpu.memory_space<vmem>>
    %dma_wait3A_167 = tpu.memref_squeeze %dma_wait3A_166 : memref<1x128xi32, #tpu.memory_space<vmem>> -> memref<128xi32, #tpu.memory_space<vmem>>
    %dma_wait3A_168 = arith.constant 0 : i32
    %dma_wait3A_169 = arith.constant 0 : i32
    %dma_wait3A_170 = tpu.memref_slice %arg2[%dma_wait3A_168, %dma_wait3A_169] : memref<100000x128xf32, #tpu.memory_space<hbm>> -> memref<100000x128xf32, #tpu.memory_space<hbm>>
    tpu.wait_indirect_dma semaphore(%arg13 : memref<!tpu.dma_semaphore, #tpu.memory_space<semaphore_mem>>) src(%dma_wait3A_170 : memref<100000x128xf32, #tpu.memory_space<hbm>>) dst(%arg9 : memref<128x128xf32, #tpu.memory_space<vmem>>)
    %add3A_171 = arith.constant 896 : i32
    %add3A_172 = arith.addi %mul3A_2, %add3A_171 : i32
    %dma_start3A_173 = arith.constant 0 : i32
    %dma_start3A_174 = tpu.memref_slice %arg4[%add3A_172, %dma_start3A_173] : memref<32768x128xf32, #tpu.memory_space<hbm>> -> memref<128x128xf32, #tpu.memory_space<hbm>>
    %dma_start3A_175 = arith.constant 0 : i32
    %dma_start3A_176 = tpu.memref_slice %arg4[%add3A_172, %dma_start3A_175] : memref<32768x128xf32, #tpu.memory_space<hbm>> -> memref<128x128xf32, #tpu.memory_space<hbm>>
    tpu.enqueue_dma source(%arg9 : memref<128x128xf32, #tpu.memory_space<vmem>>) target(%dma_start3A_176 : memref<128x128xf32, #tpu.memory_space<hbm>>) target_semaphore(%arg17 : memref<!tpu.dma_semaphore, #tpu.memory_space<semaphore_mem>>)
    %dma_wait3A_177 = arith.constant 0 : i32
    %dma_wait3A_178 = tpu.memref_slice %arg4[%add3A_111, %dma_wait3A_177] : memref<32768x128xf32, #tpu.memory_space<hbm>> -> memref<128x128xf32, #tpu.memory_space<hbm>>
    %dma_wait3A_179 = arith.constant 0 : i32
    %dma_wait3A_180 = tpu.memref_slice %arg4[%add3A_111, %dma_wait3A_179] : memref<32768x128xf32, #tpu.memory_space<hbm>> -> memref<128x128xf32, #tpu.memory_space<hbm>>
    tpu.wait_dma2 semaphore(%arg14 : memref<!tpu.dma_semaphore, #tpu.memory_space<semaphore_mem>>) src(%arg6 : memref<128x128xf32, #tpu.memory_space<vmem>>) dst(%dma_wait3A_180 : memref<128x128xf32, #tpu.memory_space<hbm>>)
    %dma_wait3A_181 = arith.constant 0 : i32
    %dma_wait3A_182 = tpu.memref_slice %arg4[%add3A_135, %dma_wait3A_181] : memref<32768x128xf32, #tpu.memory_space<hbm>> -> memref<128x128xf32, #tpu.memory_space<hbm>>
    %dma_wait3A_183 = arith.constant 0 : i32
    %dma_wait3A_184 = tpu.memref_slice %arg4[%add3A_135, %dma_wait3A_183] : memref<32768x128xf32, #tpu.memory_space<hbm>> -> memref<128x128xf32, #tpu.memory_space<hbm>>
    tpu.wait_dma2 semaphore(%arg15 : memref<!tpu.dma_semaphore, #tpu.memory_space<semaphore_mem>>) src(%arg7 : memref<128x128xf32, #tpu.memory_space<vmem>>) dst(%dma_wait3A_184 : memref<128x128xf32, #tpu.memory_space<hbm>>)
    %dma_wait3A_185 = arith.constant 0 : i32
    %dma_wait3A_186 = tpu.memref_slice %arg4[%add3A_159, %dma_wait3A_185] : memref<32768x128xf32, #tpu.memory_space<hbm>> -> memref<128x128xf32, #tpu.memory_space<hbm>>
    %dma_wait3A_187 = arith.constant 0 : i32
    %dma_wait3A_188 = tpu.memref_slice %arg4[%add3A_159, %dma_wait3A_187] : memref<32768x128xf32, #tpu.memory_space<hbm>> -> memref<128x128xf32, #tpu.memory_space<hbm>>
    tpu.wait_dma2 semaphore(%arg16 : memref<!tpu.dma_semaphore, #tpu.memory_space<semaphore_mem>>) src(%arg8 : memref<128x128xf32, #tpu.memory_space<vmem>>) dst(%dma_wait3A_188 : memref<128x128xf32, #tpu.memory_space<hbm>>)
    %dma_wait3A_189 = arith.constant 0 : i32
    %dma_wait3A_190 = tpu.memref_slice %arg4[%add3A_172, %dma_wait3A_189] : memref<32768x128xf32, #tpu.memory_space<hbm>> -> memref<128x128xf32, #tpu.memory_space<hbm>>
    %dma_wait3A_191 = arith.constant 0 : i32
    %dma_wait3A_192 = tpu.memref_slice %arg4[%add3A_172, %dma_wait3A_191] : memref<32768x128xf32, #tpu.memory_space<hbm>> -> memref<128x128xf32, #tpu.memory_space<hbm>>
    tpu.wait_dma2 semaphore(%arg17 : memref<!tpu.dma_semaphore, #tpu.memory_space<semaphore_mem>>) src(%arg9 : memref<128x128xf32, #tpu.memory_space<vmem>>) dst(%dma_wait3A_192 : memref<128x128xf32, #tpu.memory_space<hbm>>)
    return
  }
}

module attributes {stable_mosaic.version = 14 : i64} {
  func.func @body(%arg0: i32, %arg1: memref<16x1024x128xf32, #tpu.memory_space<vmem>>, %arg2: memref<16x16x128xf32, #tpu.memory_space<vmem>>, %arg3: memref<16x16x1xf32, #tpu.memory_space<vmem>>, %arg4: memref<16x16x1xf32, #tpu.memory_space<vmem>>, %arg5: memref<16x1x128xf32, #tpu.memory_space<vmem>>, %arg6: memref<16x1x1024xf32, #tpu.memory_space<vmem>>) attributes {dimension_semantics = [#tpu.dimension_semantics<arbitrary>], iteration_bounds = array<i64: 2>, scalar_prefetch = 0 : i64, scratch_operands = 0 : i64, tpu.core_type = #tpu.core_type<tc>, window_params = [{transform_indices = @transform_0, window_bounds = array<i64: 16, 1024, 128>}, {transform_indices = @transform_1, window_bounds = array<i64: 16, 16, 128>}, {transform_indices = @transform_2, window_bounds = array<i64: 16, 16, 1>}, {transform_indices = @transform_3, window_bounds = array<i64: 16, 16, 1>}, {transform_indices = @transform_4, window_bounds = array<i64: 16, 1, 128>}, {transform_indices = @transform_5, window_bounds = array<i64: 16, 1, 1024>}]} {
    %get3A = arith.constant 0 : index
    %get3A_0 = arith.constant 0 : index
    %get3A_1 = arith.constant 0 : index
    %get3A_2 = vector.load %arg1[%get3A, %get3A_0, %get3A_1] : memref<16x1024x128xf32, #tpu.memory_space<vmem>>, vector<1x1024x128xf32>
    %get3A_3 = vector.shape_cast %get3A_2 : vector<1x1024x128xf32> to vector<1024x128xf32>
    %get3A_4 = arith.constant 0 : index
    %get3A_5 = arith.constant 0 : index
    %get3A_6 = arith.constant 0 : index
    %get3A_7 = vector.load %arg2[%get3A_4, %get3A_5, %get3A_6] : memref<16x16x128xf32, #tpu.memory_space<vmem>>, vector<1x16x128xf32>
    %get3A_8 = vector.shape_cast %get3A_7 : vector<1x16x128xf32> to vector<16x128xf32>
    %get3A_9 = arith.constant 0 : index
    %get3A_10 = arith.constant 0 : index
    %get3A_11 = arith.constant 0 : index
    %get3A_12 = vector.load %arg3[%get3A_9, %get3A_10, %get3A_11] : memref<16x16x1xf32, #tpu.memory_space<vmem>>, vector<1x16x1xf32>
    %get3A_13 = vector.shape_cast %get3A_12 : vector<1x16x1xf32> to vector<16x1xf32>
    %get3A_14 = arith.constant 0 : index
    %get3A_15 = arith.constant 0 : index
    %get3A_16 = arith.constant 0 : index
    %get3A_17 = vector.load %arg4[%get3A_14, %get3A_15, %get3A_16] : memref<16x16x1xf32, #tpu.memory_space<vmem>>, vector<1x16x1xf32>
    %get3A_18 = vector.shape_cast %get3A_17 : vector<1x16x1xf32> to vector<16x1xf32>
    %dot_general3A = arith.constant dense<0.000000e+00> : vector<16x1024xf32>
    %dot_general3A_19 = tpu.matmul %get3A_8, %get3A_3, %dot_general3A {dimension_numbers = #tpu.dot_dimension_numbers<[1], [1], [0], [0], [0, 0, 1, 0], [], []>, transpose_lhs_hint = false} : vector<16x128xf32>, vector<1024x128xf32>, vector<16x1024xf32> -> vector<16x1024xf32>
    %add3A = vector.broadcast %get3A_13 : vector<16x1xf32> to vector<16x1024xf32>
    %add3A_20 = arith.addf %dot_general3A_19, %add3A : vector<16x1024xf32>
    %ge3A = arith.constant 0.000000e+00 : f32
    %ge3A_21 = vector.broadcast %ge3A : f32 to vector<16x1024xf32>
    %ge3A_22 = arith.cmpf oge, %add3A_20, %ge3A_21 : vector<16x1024xf32>
    %mul3A = arith.constant 0.00999999977 : f32
    %mul3A_23 = vector.broadcast %mul3A : f32 to vector<16x1024xf32>
    %mul3A_24 = arith.mulf %mul3A_23, %add3A_20 : vector<16x1024xf32>
    %select_n3A = arith.select %ge3A_22, %add3A_20, %mul3A_24 : vector<16x1024xi1>, vector<16x1024xf32>
    %dot_general3A_25 = arith.constant dense<0.000000e+00> : vector<1x1024xf32>
    %dot_general3A_26 = tpu.matmul %get3A_18, %select_n3A, %dot_general3A_25 {dimension_numbers = #tpu.dot_dimension_numbers<[0], [0], [1], [1], [0, 1, 1, 1], [], []>, transpose_lhs_hint = false} : vector<16x1xf32>, vector<16x1024xf32>, vector<1x1024xf32> -> vector<1x1024xf32>
    %exp3A = math.exp %dot_general3A_26 : vector<1x1024xf32>
    %reduce_sum3A = vector.shape_cast %exp3A : vector<1x1024xf32> to vector<1x1x1024xf32>
    %reduce_sum3A_27 = arith.constant dense<0.000000e+00> : vector<1xf32>
    %reduce_sum3A_28 = vector.multi_reduction <add>, %reduce_sum3A, %reduce_sum3A_27 [1, 2] : vector<1x1x1024xf32> to vector<1xf32>
    %reduce_sum3A_29 = vector.shape_cast %reduce_sum3A_28 : vector<1xf32> to vector<1x1x1xf32>
    %reduce_sum3A_30 = vector.extract %reduce_sum3A_29[0, 0, 0] : f32 from vector<1x1x1xf32>
    %div3A = arith.constant 1.000000e+00 : f32
    %div3A_31 = arith.divf %div3A, %reduce_sum3A_30 : f32
    %dot_general3A_32 = arith.constant dense<0.000000e+00> : vector<1x128xf32>
    %dot_general3A_33 = tpu.matmul %exp3A, %get3A_3, %dot_general3A_32 {dimension_numbers = #tpu.dot_dimension_numbers<[1], [0], [0], [1], [0, 0, 1, 1], [], []>, transpose_lhs_hint = false} : vector<1x1024xf32>, vector<1024x128xf32>, vector<1x128xf32> -> vector<1x128xf32>
    %mul3A_34 = vector.broadcast %div3A_31 : f32 to vector<1x128xf32>
    %mul3A_35 = arith.mulf %dot_general3A_33, %mul3A_34 : vector<1x128xf32>
    %ge3A_36 = arith.constant 0.000000e+00 : f32
    %ge3A_37 = vector.broadcast %ge3A_36 : f32 to vector<1x128xf32>
    %ge3A_38 = arith.cmpf oge, %mul3A_35, %ge3A_37 : vector<1x128xf32>
    %mul3A_39 = arith.constant 0.00999999977 : f32
    %mul3A_40 = vector.broadcast %mul3A_39 : f32 to vector<1x128xf32>
    %mul3A_41 = arith.mulf %mul3A_40, %mul3A_35 : vector<1x128xf32>
    %select_n3A_42 = arith.select %ge3A_38, %mul3A_35, %mul3A_41 : vector<1x128xi1>, vector<1x128xf32>
    %tanh3A = math.tanh %select_n3A_42 : vector<1x128xf32>
    %swap3A = arith.constant 0 : index
    %swap3A_43 = arith.constant 0 : index
    %swap3A_44 = arith.constant 0 : index
    %swap3A_45 = vector.load %arg5[%swap3A, %swap3A_43, %swap3A_44] : memref<16x1x128xf32, #tpu.memory_space<vmem>>, vector<1x1x128xf32>
    %swap3A_46 = vector.shape_cast %swap3A_45 : vector<1x1x128xf32> to vector<1x128xf32>
    %swap3A_47 = vector.shape_cast %tanh3A : vector<1x128xf32> to vector<1x1x128xf32>
    tpu.vector_store %arg5[%swap3A, %swap3A_43, %swap3A_44], %swap3A_47 {strides = array<i32>} : memref<16x1x128xf32, #tpu.memory_space<vmem>>, vector<1x1x128xf32>,
    %mul3A_48 = vector.broadcast %div3A_31 : f32 to vector<1x1024xf32>
    %mul3A_49 = arith.mulf %exp3A, %mul3A_48 : vector<1x1024xf32>
    %swap3A_50 = arith.constant 0 : index
    %swap3A_51 = arith.constant 0 : index
    %swap3A_52 = arith.constant 0 : index
    %swap3A_53 = vector.load %arg6[%swap3A_50, %swap3A_51, %swap3A_52] : memref<16x1x1024xf32, #tpu.memory_space<vmem>>, vector<1x1x1024xf32>
    %swap3A_54 = vector.shape_cast %swap3A_53 : vector<1x1x1024xf32> to vector<1x1024xf32>
    %swap3A_55 = vector.shape_cast %mul3A_49 : vector<1x1024xf32> to vector<1x1x1024xf32>
    tpu.vector_store %arg6[%swap3A_50, %swap3A_51, %swap3A_52], %swap3A_55 {strides = array<i32>} : memref<16x1x1024xf32, #tpu.memory_space<vmem>>, vector<1x1x1024xf32>,
    %get3A_56 = arith.constant 1 : index
    %get3A_57 = arith.constant 0 : index
    %get3A_58 = arith.constant 0 : index
    %get3A_59 = vector.load %arg1[%get3A_56, %get3A_57, %get3A_58] : memref<16x1024x128xf32, #tpu.memory_space<vmem>>, vector<1x1024x128xf32>
    %get3A_60 = vector.shape_cast %get3A_59 : vector<1x1024x128xf32> to vector<1024x128xf32>
    %get3A_61 = arith.constant 1 : index
    %get3A_62 = arith.constant 0 : index
    %get3A_63 = arith.constant 0 : index
    %get3A_64 = vector.load %arg2[%get3A_61, %get3A_62, %get3A_63] : memref<16x16x128xf32, #tpu.memory_space<vmem>>, vector<1x16x128xf32>
    %get3A_65 = vector.shape_cast %get3A_64 : vector<1x16x128xf32> to vector<16x128xf32>
    %get3A_66 = arith.constant 1 : index
    %get3A_67 = arith.constant 0 : index
    %get3A_68 = arith.constant 0 : index
    %get3A_69 = vector.load %arg3[%get3A_66, %get3A_67, %get3A_68] : memref<16x16x1xf32, #tpu.memory_space<vmem>>, vector<1x16x1xf32>
    %get3A_70 = vector.shape_cast %get3A_69 : vector<1x16x1xf32> to vector<16x1xf32>
    %get3A_71 = arith.constant 1 : index
    %get3A_72 = arith.constant 0 : index
    %get3A_73 = arith.constant 0 : index
    %get3A_74 = vector.load %arg4[%get3A_71, %get3A_72, %get3A_73] : memref<16x16x1xf32, #tpu.memory_space<vmem>>, vector<1x16x1xf32>
    %get3A_75 = vector.shape_cast %get3A_74 : vector<1x16x1xf32> to vector<16x1xf32>
    %dot_general3A_76 = arith.constant dense<0.000000e+00> : vector<16x1024xf32>
    %dot_general3A_77 = tpu.matmul %get3A_65, %get3A_60, %dot_general3A_76 {dimension_numbers = #tpu.dot_dimension_numbers<[1], [1], [0], [0], [0, 0, 1, 0], [], []>, transpose_lhs_hint = false} : vector<16x128xf32>, vector<1024x128xf32>, vector<16x1024xf32> -> vector<16x1024xf32>
    %add3A_78 = vector.broadcast %get3A_70 : vector<16x1xf32> to vector<16x1024xf32>
    %add3A_79 = arith.addf %dot_general3A_77, %add3A_78 : vector<16x1024xf32>
    %ge3A_80 = arith.constant 0.000000e+00 : f32
    %ge3A_81 = vector.broadcast %ge3A_80 : f32 to vector<16x1024xf32>
    %ge3A_82 = arith.cmpf oge, %add3A_79, %ge3A_81 : vector<16x1024xf32>
    %mul3A_83 = arith.constant 0.00999999977 : f32
    %mul3A_84 = vector.broadcast %mul3A_83 : f32 to vector<16x1024xf32>
    %mul3A_85 = arith.mulf %mul3A_84, %add3A_79 : vector<16x1024xf32>
    %select_n3A_86 = arith.select %ge3A_82, %add3A_79, %mul3A_85 : vector<16x1024xi1>, vector<16x1024xf32>
    %dot_general3A_87 = arith.constant dense<0.000000e+00> : vector<1x1024xf32>
    %dot_general3A_88 = tpu.matmul %get3A_75, %select_n3A_86, %dot_general3A_87 {dimension_numbers = #tpu.dot_dimension_numbers<[0], [0], [1], [1], [0, 1, 1, 1], [], []>, transpose_lhs_hint = false} : vector<16x1xf32>, vector<16x1024xf32>, vector<1x1024xf32> -> vector<1x1024xf32>
    %exp3A_89 = math.exp %dot_general3A_88 : vector<1x1024xf32>
    %reduce_sum3A_90 = vector.shape_cast %exp3A_89 : vector<1x1024xf32> to vector<1x1x1024xf32>
    %reduce_sum3A_91 = arith.constant dense<0.000000e+00> : vector<1xf32>
    %reduce_sum3A_92 = vector.multi_reduction <add>, %reduce_sum3A_90, %reduce_sum3A_91 [1, 2] : vector<1x1x1024xf32> to vector<1xf32>
    %reduce_sum3A_93 = vector.shape_cast %reduce_sum3A_92 : vector<1xf32> to vector<1x1x1xf32>
    %reduce_sum3A_94 = vector.extract %reduce_sum3A_93[0, 0, 0] : f32 from vector<1x1x1xf32>
    %div3A_95 = arith.constant 1.000000e+00 : f32
    %div3A_96 = arith.divf %div3A_95, %reduce_sum3A_94 : f32
    %dot_general3A_97 = arith.constant dense<0.000000e+00> : vector<1x128xf32>
    %dot_general3A_98 = tpu.matmul %exp3A_89, %get3A_60, %dot_general3A_97 {dimension_numbers = #tpu.dot_dimension_numbers<[1], [0], [0], [1], [0, 0, 1, 1], [], []>, transpose_lhs_hint = false} : vector<1x1024xf32>, vector<1024x128xf32>, vector<1x128xf32> -> vector<1x128xf32>
    %mul3A_99 = vector.broadcast %div3A_96 : f32 to vector<1x128xf32>
    %mul3A_100 = arith.mulf %dot_general3A_98, %mul3A_99 : vector<1x128xf32>
    %ge3A_101 = arith.constant 0.000000e+00 : f32
    %ge3A_102 = vector.broadcast %ge3A_101 : f32 to vector<1x128xf32>
    %ge3A_103 = arith.cmpf oge, %mul3A_100, %ge3A_102 : vector<1x128xf32>
    %mul3A_104 = arith.constant 0.00999999977 : f32
    %mul3A_105 = vector.broadcast %mul3A_104 : f32 to vector<1x128xf32>
    %mul3A_106 = arith.mulf %mul3A_105, %mul3A_100 : vector<1x128xf32>
    %select_n3A_107 = arith.select %ge3A_103, %mul3A_100, %mul3A_106 : vector<1x128xi1>, vector<1x128xf32>
    %tanh3A_108 = math.tanh %select_n3A_107 : vector<1x128xf32>
    %swap3A_109 = arith.constant 1 : index
    %swap3A_110 = arith.constant 0 : index
    %swap3A_111 = arith.constant 0 : index
    %swap3A_112 = vector.load %arg5[%swap3A_109, %swap3A_110, %swap3A_111] : memref<16x1x128xf32, #tpu.memory_space<vmem>>, vector<1x1x128xf32>
    %swap3A_113 = vector.shape_cast %swap3A_112 : vector<1x1x128xf32> to vector<1x128xf32>
    %swap3A_114 = vector.shape_cast %tanh3A_108 : vector<1x128xf32> to vector<1x1x128xf32>
    tpu.vector_store %arg5[%swap3A_109, %swap3A_110, %swap3A_111], %swap3A_114 {strides = array<i32>} : memref<16x1x128xf32, #tpu.memory_space<vmem>>, vector<1x1x128xf32>,
    %mul3A_115 = vector.broadcast %div3A_96 : f32 to vector<1x1024xf32>
    %mul3A_116 = arith.mulf %exp3A_89, %mul3A_115 : vector<1x1024xf32>
    %swap3A_117 = arith.constant 1 : index
    %swap3A_118 = arith.constant 0 : index
    %swap3A_119 = arith.constant 0 : index
    %swap3A_120 = vector.load %arg6[%swap3A_117, %swap3A_118, %swap3A_119] : memref<16x1x1024xf32, #tpu.memory_space<vmem>>, vector<1x1x1024xf32>
    %swap3A_121 = vector.shape_cast %swap3A_120 : vector<1x1x1024xf32> to vector<1x1024xf32>
    %swap3A_122 = vector.shape_cast %mul3A_116 : vector<1x1024xf32> to vector<1x1x1024xf32>
    tpu.vector_store %arg6[%swap3A_117, %swap3A_118, %swap3A_119], %swap3A_122 {strides = array<i32>} : memref<16x1x1024xf32, #tpu.memory_space<vmem>>, vector<1x1x1024xf32>,
    %get3A_123 = arith.constant 2 : index
    %get3A_124 = arith.constant 0 : index
    %get3A_125 = arith.constant 0 : index
    %get3A_126 = vector.load %arg1[%get3A_123, %get3A_124, %get3A_125] : memref<16x1024x128xf32, #tpu.memory_space<vmem>>, vector<1x1024x128xf32>
    %get3A_127 = vector.shape_cast %get3A_126 : vector<1x1024x128xf32> to vector<1024x128xf32>
    %get3A_128 = arith.constant 2 : index
    %get3A_129 = arith.constant 0 : index
    %get3A_130 = arith.constant 0 : index
    %get3A_131 = vector.load %arg2[%get3A_128, %get3A_129, %get3A_130] : memref<16x16x128xf32, #tpu.memory_space<vmem>>, vector<1x16x128xf32>
    %get3A_132 = vector.shape_cast %get3A_131 : vector<1x16x128xf32> to vector<16x128xf32>
    %get3A_133 = arith.constant 2 : index
    %get3A_134 = arith.constant 0 : index
    %get3A_135 = arith.constant 0 : index
    %get3A_136 = vector.load %arg3[%get3A_133, %get3A_134, %get3A_135] : memref<16x16x1xf32, #tpu.memory_space<vmem>>, vector<1x16x1xf32>
    %get3A_137 = vector.shape_cast %get3A_136 : vector<1x16x1xf32> to vector<16x1xf32>
    %get3A_138 = arith.constant 2 : index
    %get3A_139 = arith.constant 0 : index
    %get3A_140 = arith.constant 0 : index
    %get3A_141 = vector.load %arg4[%get3A_138, %get3A_139, %get3A_140] : memref<16x16x1xf32, #tpu.memory_space<vmem>>, vector<1x16x1xf32>
    %get3A_142 = vector.shape_cast %get3A_141 : vector<1x16x1xf32> to vector<16x1xf32>
    %dot_general3A_143 = arith.constant dense<0.000000e+00> : vector<16x1024xf32>
    %dot_general3A_144 = tpu.matmul %get3A_132, %get3A_127, %dot_general3A_143 {dimension_numbers = #tpu.dot_dimension_numbers<[1], [1], [0], [0], [0, 0, 1, 0], [], []>, transpose_lhs_hint = false} : vector<16x128xf32>, vector<1024x128xf32>, vector<16x1024xf32> -> vector<16x1024xf32>
    %add3A_145 = vector.broadcast %get3A_137 : vector<16x1xf32> to vector<16x1024xf32>
    %add3A_146 = arith.addf %dot_general3A_144, %add3A_145 : vector<16x1024xf32>
    %ge3A_147 = arith.constant 0.000000e+00 : f32
    %ge3A_148 = vector.broadcast %ge3A_147 : f32 to vector<16x1024xf32>
    %ge3A_149 = arith.cmpf oge, %add3A_146, %ge3A_148 : vector<16x1024xf32>
    %mul3A_150 = arith.constant 0.00999999977 : f32
    %mul3A_151 = vector.broadcast %mul3A_150 : f32 to vector<16x1024xf32>
    %mul3A_152 = arith.mulf %mul3A_151, %add3A_146 : vector<16x1024xf32>
    %select_n3A_153 = arith.select %ge3A_149, %add3A_146, %mul3A_152 : vector<16x1024xi1>, vector<16x1024xf32>
    %dot_general3A_154 = arith.constant dense<0.000000e+00> : vector<1x1024xf32>
    %dot_general3A_155 = tpu.matmul %get3A_142, %select_n3A_153, %dot_general3A_154 {dimension_numbers = #tpu.dot_dimension_numbers<[0], [0], [1], [1], [0, 1, 1, 1], [], []>, transpose_lhs_hint = false} : vector<16x1xf32>, vector<16x1024xf32>, vector<1x1024xf32> -> vector<1x1024xf32>
    %exp3A_156 = math.exp %dot_general3A_155 : vector<1x1024xf32>
    %reduce_sum3A_157 = vector.shape_cast %exp3A_156 : vector<1x1024xf32> to vector<1x1x1024xf32>
    %reduce_sum3A_158 = arith.constant dense<0.000000e+00> : vector<1xf32>
    %reduce_sum3A_159 = vector.multi_reduction <add>, %reduce_sum3A_157, %reduce_sum3A_158 [1, 2] : vector<1x1x1024xf32> to vector<1xf32>
    %reduce_sum3A_160 = vector.shape_cast %reduce_sum3A_159 : vector<1xf32> to vector<1x1x1xf32>
    %reduce_sum3A_161 = vector.extract %reduce_sum3A_160[0, 0, 0] : f32 from vector<1x1x1xf32>
    %div3A_162 = arith.constant 1.000000e+00 : f32
    %div3A_163 = arith.divf %div3A_162, %reduce_sum3A_161 : f32
    %dot_general3A_164 = arith.constant dense<0.000000e+00> : vector<1x128xf32>
    %dot_general3A_165 = tpu.matmul %exp3A_156, %get3A_127, %dot_general3A_164 {dimension_numbers = #tpu.dot_dimension_numbers<[1], [0], [0], [1], [0, 0, 1, 1], [], []>, transpose_lhs_hint = false} : vector<1x1024xf32>, vector<1024x128xf32>, vector<1x128xf32> -> vector<1x128xf32>
    %mul3A_166 = vector.broadcast %div3A_163 : f32 to vector<1x128xf32>
    %mul3A_167 = arith.mulf %dot_general3A_165, %mul3A_166 : vector<1x128xf32>
    %ge3A_168 = arith.constant 0.000000e+00 : f32
    %ge3A_169 = vector.broadcast %ge3A_168 : f32 to vector<1x128xf32>
    %ge3A_170 = arith.cmpf oge, %mul3A_167, %ge3A_169 : vector<1x128xf32>
    %mul3A_171 = arith.constant 0.00999999977 : f32
    %mul3A_172 = vector.broadcast %mul3A_171 : f32 to vector<1x128xf32>
    %mul3A_173 = arith.mulf %mul3A_172, %mul3A_167 : vector<1x128xf32>
    %select_n3A_174 = arith.select %ge3A_170, %mul3A_167, %mul3A_173 : vector<1x128xi1>, vector<1x128xf32>
    %tanh3A_175 = math.tanh %select_n3A_174 : vector<1x128xf32>
    %swap3A_176 = arith.constant 2 : index
    %swap3A_177 = arith.constant 0 : index
    %swap3A_178 = arith.constant 0 : index
    %swap3A_179 = vector.load %arg5[%swap3A_176, %swap3A_177, %swap3A_178] : memref<16x1x128xf32, #tpu.memory_space<vmem>>, vector<1x1x128xf32>
    %swap3A_180 = vector.shape_cast %swap3A_179 : vector<1x1x128xf32> to vector<1x128xf32>
    %swap3A_181 = vector.shape_cast %tanh3A_175 : vector<1x128xf32> to vector<1x1x128xf32>
    tpu.vector_store %arg5[%swap3A_176, %swap3A_177, %swap3A_178], %swap3A_181 {strides = array<i32>} : memref<16x1x128xf32, #tpu.memory_space<vmem>>, vector<1x1x128xf32>,
    %mul3A_182 = vector.broadcast %div3A_163 : f32 to vector<1x1024xf32>
    %mul3A_183 = arith.mulf %exp3A_156, %mul3A_182 : vector<1x1024xf32>
    %swap3A_184 = arith.constant 2 : index
    %swap3A_185 = arith.constant 0 : index
    %swap3A_186 = arith.constant 0 : index
    %swap3A_187 = vector.load %arg6[%swap3A_184, %swap3A_185, %swap3A_186] : memref<16x1x1024xf32, #tpu.memory_space<vmem>>, vector<1x1x1024xf32>
    %swap3A_188 = vector.shape_cast %swap3A_187 : vector<1x1x1024xf32> to vector<1x1024xf32>
    %swap3A_189 = vector.shape_cast %mul3A_183 : vector<1x1024xf32> to vector<1x1x1024xf32>
    tpu.vector_store %arg6[%swap3A_184, %swap3A_185, %swap3A_186], %swap3A_189 {strides = array<i32>} : memref<16x1x1024xf32, #tpu.memory_space<vmem>>, vector<1x1x1024xf32>,
    %get3A_190 = arith.constant 3 : index
    %get3A_191 = arith.constant 0 : index
    %get3A_192 = arith.constant 0 : index
    %get3A_193 = vector.load %arg1[%get3A_190, %get3A_191, %get3A_192] : memref<16x1024x128xf32, #tpu.memory_space<vmem>>, vector<1x1024x128xf32>
    %get3A_194 = vector.shape_cast %get3A_193 : vector<1x1024x128xf32> to vector<1024x128xf32>
    %get3A_195 = arith.constant 3 : index
    %get3A_196 = arith.constant 0 : index
    %get3A_197 = arith.constant 0 : index
    %get3A_198 = vector.load %arg2[%get3A_195, %get3A_196, %get3A_197] : memref<16x16x128xf32, #tpu.memory_space<vmem>>, vector<1x16x128xf32>
    %get3A_199 = vector.shape_cast %get3A_198 : vector<1x16x128xf32> to vector<16x128xf32>
    %get3A_200 = arith.constant 3 : index
    %get3A_201 = arith.constant 0 : index
    %get3A_202 = arith.constant 0 : index
    %get3A_203 = vector.load %arg3[%get3A_200, %get3A_201, %get3A_202] : memref<16x16x1xf32, #tpu.memory_space<vmem>>, vector<1x16x1xf32>
    %get3A_204 = vector.shape_cast %get3A_203 : vector<1x16x1xf32> to vector<16x1xf32>
    %get3A_205 = arith.constant 3 : index
    %get3A_206 = arith.constant 0 : index
    %get3A_207 = arith.constant 0 : index
    %get3A_208 = vector.load %arg4[%get3A_205, %get3A_206, %get3A_207] : memref<16x16x1xf32, #tpu.memory_space<vmem>>, vector<1x16x1xf32>
    %get3A_209 = vector.shape_cast %get3A_208 : vector<1x16x1xf32> to vector<16x1xf32>
    %dot_general3A_210 = arith.constant dense<0.000000e+00> : vector<16x1024xf32>
    %dot_general3A_211 = tpu.matmul %get3A_199, %get3A_194, %dot_general3A_210 {dimension_numbers = #tpu.dot_dimension_numbers<[1], [1], [0], [0], [0, 0, 1, 0], [], []>, transpose_lhs_hint = false} : vector<16x128xf32>, vector<1024x128xf32>, vector<16x1024xf32> -> vector<16x1024xf32>
    %add3A_212 = vector.broadcast %get3A_204 : vector<16x1xf32> to vector<16x1024xf32>
    %add3A_213 = arith.addf %dot_general3A_211, %add3A_212 : vector<16x1024xf32>
    %ge3A_214 = arith.constant 0.000000e+00 : f32
    %ge3A_215 = vector.broadcast %ge3A_214 : f32 to vector<16x1024xf32>
    %ge3A_216 = arith.cmpf oge, %add3A_213, %ge3A_215 : vector<16x1024xf32>
    %mul3A_217 = arith.constant 0.00999999977 : f32
    %mul3A_218 = vector.broadcast %mul3A_217 : f32 to vector<16x1024xf32>
    %mul3A_219 = arith.mulf %mul3A_218, %add3A_213 : vector<16x1024xf32>
    %select_n3A_220 = arith.select %ge3A_216, %add3A_213, %mul3A_219 : vector<16x1024xi1>, vector<16x1024xf32>
    %dot_general3A_221 = arith.constant dense<0.000000e+00> : vector<1x1024xf32>
    %dot_general3A_222 = tpu.matmul %get3A_209, %select_n3A_220, %dot_general3A_221 {dimension_numbers = #tpu.dot_dimension_numbers<[0], [0], [1], [1], [0, 1, 1, 1], [], []>, transpose_lhs_hint = false} : vector<16x1xf32>, vector<16x1024xf32>, vector<1x1024xf32> -> vector<1x1024xf32>
    %exp3A_223 = math.exp %dot_general3A_222 : vector<1x1024xf32>
    %reduce_sum3A_224 = vector.shape_cast %exp3A_223 : vector<1x1024xf32> to vector<1x1x1024xf32>
    %reduce_sum3A_225 = arith.constant dense<0.000000e+00> : vector<1xf32>
    %reduce_sum3A_226 = vector.multi_reduction <add>, %reduce_sum3A_224, %reduce_sum3A_225 [1, 2] : vector<1x1x1024xf32> to vector<1xf32>
    %reduce_sum3A_227 = vector.shape_cast %reduce_sum3A_226 : vector<1xf32> to vector<1x1x1xf32>
    %reduce_sum3A_228 = vector.extract %reduce_sum3A_227[0, 0, 0] : f32 from vector<1x1x1xf32>
    %div3A_229 = arith.constant 1.000000e+00 : f32
    %div3A_230 = arith.divf %div3A_229, %reduce_sum3A_228 : f32
    %dot_general3A_231 = arith.constant dense<0.000000e+00> : vector<1x128xf32>
    %dot_general3A_232 = tpu.matmul %exp3A_223, %get3A_194, %dot_general3A_231 {dimension_numbers = #tpu.dot_dimension_numbers<[1], [0], [0], [1], [0, 0, 1, 1], [], []>, transpose_lhs_hint = false} : vector<1x1024xf32>, vector<1024x128xf32>, vector<1x128xf32> -> vector<1x128xf32>
    %mul3A_233 = vector.broadcast %div3A_230 : f32 to vector<1x128xf32>
    %mul3A_234 = arith.mulf %dot_general3A_232, %mul3A_233 : vector<1x128xf32>
    %ge3A_235 = arith.constant 0.000000e+00 : f32
    %ge3A_236 = vector.broadcast %ge3A_235 : f32 to vector<1x128xf32>
    %ge3A_237 = arith.cmpf oge, %mul3A_234, %ge3A_236 : vector<1x128xf32>
    %mul3A_238 = arith.constant 0.00999999977 : f32
    %mul3A_239 = vector.broadcast %mul3A_238 : f32 to vector<1x128xf32>
    %mul3A_240 = arith.mulf %mul3A_239, %mul3A_234 : vector<1x128xf32>
    %select_n3A_241 = arith.select %ge3A_237, %mul3A_234, %mul3A_240 : vector<1x128xi1>, vector<1x128xf32>
    %tanh3A_242 = math.tanh %select_n3A_241 : vector<1x128xf32>
    %swap3A_243 = arith.constant 3 : index
    %swap3A_244 = arith.constant 0 : index
    %swap3A_245 = arith.constant 0 : index
    %swap3A_246 = vector.load %arg5[%swap3A_243, %swap3A_244, %swap3A_245] : memref<16x1x128xf32, #tpu.memory_space<vmem>>, vector<1x1x128xf32>
    %swap3A_247 = vector.shape_cast %swap3A_246 : vector<1x1x128xf32> to vector<1x128xf32>
    %swap3A_248 = vector.shape_cast %tanh3A_242 : vector<1x128xf32> to vector<1x1x128xf32>
    tpu.vector_store %arg5[%swap3A_243, %swap3A_244, %swap3A_245], %swap3A_248 {strides = array<i32>} : memref<16x1x128xf32, #tpu.memory_space<vmem>>, vector<1x1x128xf32>,
    %mul3A_249 = vector.broadcast %div3A_230 : f32 to vector<1x1024xf32>
    %mul3A_250 = arith.mulf %exp3A_223, %mul3A_249 : vector<1x1024xf32>
    %swap3A_251 = arith.constant 3 : index
    %swap3A_252 = arith.constant 0 : index
    %swap3A_253 = arith.constant 0 : index
    %swap3A_254 = vector.load %arg6[%swap3A_251, %swap3A_252, %swap3A_253] : memref<16x1x1024xf32, #tpu.memory_space<vmem>>, vector<1x1x1024xf32>
    %swap3A_255 = vector.shape_cast %swap3A_254 : vector<1x1x1024xf32> to vector<1x1024xf32>
    %swap3A_256 = vector.shape_cast %mul3A_250 : vector<1x1024xf32> to vector<1x1x1024xf32>
    tpu.vector_store %arg6[%swap3A_251, %swap3A_252, %swap3A_253], %swap3A_256 {strides = array<i32>} : memref<16x1x1024xf32, #tpu.memory_space<vmem>>, vector<1x1x1024xf32>,
    %get3A_257 = arith.constant 4 : index
    %get3A_258 = arith.constant 0 : index
    %get3A_259 = arith.constant 0 : index
    %get3A_260 = vector.load %arg1[%get3A_257, %get3A_258, %get3A_259] : memref<16x1024x128xf32, #tpu.memory_space<vmem>>, vector<1x1024x128xf32>
    %get3A_261 = vector.shape_cast %get3A_260 : vector<1x1024x128xf32> to vector<1024x128xf32>
    %get3A_262 = arith.constant 4 : index
    %get3A_263 = arith.constant 0 : index
    %get3A_264 = arith.constant 0 : index
    %get3A_265 = vector.load %arg2[%get3A_262, %get3A_263, %get3A_264] : memref<16x16x128xf32, #tpu.memory_space<vmem>>, vector<1x16x128xf32>
    %get3A_266 = vector.shape_cast %get3A_265 : vector<1x16x128xf32> to vector<16x128xf32>
    %get3A_267 = arith.constant 4 : index
    %get3A_268 = arith.constant 0 : index
    %get3A_269 = arith.constant 0 : index
    %get3A_270 = vector.load %arg3[%get3A_267, %get3A_268, %get3A_269] : memref<16x16x1xf32, #tpu.memory_space<vmem>>, vector<1x16x1xf32>
    %get3A_271 = vector.shape_cast %get3A_270 : vector<1x16x1xf32> to vector<16x1xf32>
    %get3A_272 = arith.constant 4 : index
    %get3A_273 = arith.constant 0 : index
    %get3A_274 = arith.constant 0 : index
    %get3A_275 = vector.load %arg4[%get3A_272, %get3A_273, %get3A_274] : memref<16x16x1xf32, #tpu.memory_space<vmem>>, vector<1x16x1xf32>
    %get3A_276 = vector.shape_cast %get3A_275 : vector<1x16x1xf32> to vector<16x1xf32>
    %dot_general3A_277 = arith.constant dense<0.000000e+00> : vector<16x1024xf32>
    %dot_general3A_278 = tpu.matmul %get3A_266, %get3A_261, %dot_general3A_277 {dimension_numbers = #tpu.dot_dimension_numbers<[1], [1], [0], [0], [0, 0, 1, 0], [], []>, transpose_lhs_hint = false} : vector<16x128xf32>, vector<1024x128xf32>, vector<16x1024xf32> -> vector<16x1024xf32>
    %add3A_279 = vector.broadcast %get3A_271 : vector<16x1xf32> to vector<16x1024xf32>
    %add3A_280 = arith.addf %dot_general3A_278, %add3A_279 : vector<16x1024xf32>
    %ge3A_281 = arith.constant 0.000000e+00 : f32
    %ge3A_282 = vector.broadcast %ge3A_281 : f32 to vector<16x1024xf32>
    %ge3A_283 = arith.cmpf oge, %add3A_280, %ge3A_282 : vector<16x1024xf32>
    %mul3A_284 = arith.constant 0.00999999977 : f32
    %mul3A_285 = vector.broadcast %mul3A_284 : f32 to vector<16x1024xf32>
    %mul3A_286 = arith.mulf %mul3A_285, %add3A_280 : vector<16x1024xf32>
    %select_n3A_287 = arith.select %ge3A_283, %add3A_280, %mul3A_286 : vector<16x1024xi1>, vector<16x1024xf32>
    %dot_general3A_288 = arith.constant dense<0.000000e+00> : vector<1x1024xf32>
    %dot_general3A_289 = tpu.matmul %get3A_276, %select_n3A_287, %dot_general3A_288 {dimension_numbers = #tpu.dot_dimension_numbers<[0], [0], [1], [1], [0, 1, 1, 1], [], []>, transpose_lhs_hint = false} : vector<16x1xf32>, vector<16x1024xf32>, vector<1x1024xf32> -> vector<1x1024xf32>
    %exp3A_290 = math.exp %dot_general3A_289 : vector<1x1024xf32>
    %reduce_sum3A_291 = vector.shape_cast %exp3A_290 : vector<1x1024xf32> to vector<1x1x1024xf32>
    %reduce_sum3A_292 = arith.constant dense<0.000000e+00> : vector<1xf32>
    %reduce_sum3A_293 = vector.multi_reduction <add>, %reduce_sum3A_291, %reduce_sum3A_292 [1, 2] : vector<1x1x1024xf32> to vector<1xf32>
    %reduce_sum3A_294 = vector.shape_cast %reduce_sum3A_293 : vector<1xf32> to vector<1x1x1xf32>
    %reduce_sum3A_295 = vector.extract %reduce_sum3A_294[0, 0, 0] : f32 from vector<1x1x1xf32>
    %div3A_296 = arith.constant 1.000000e+00 : f32
    %div3A_297 = arith.divf %div3A_296, %reduce_sum3A_295 : f32
    %dot_general3A_298 = arith.constant dense<0.000000e+00> : vector<1x128xf32>
    %dot_general3A_299 = tpu.matmul %exp3A_290, %get3A_261, %dot_general3A_298 {dimension_numbers = #tpu.dot_dimension_numbers<[1], [0], [0], [1], [0, 0, 1, 1], [], []>, transpose_lhs_hint = false} : vector<1x1024xf32>, vector<1024x128xf32>, vector<1x128xf32> -> vector<1x128xf32>
    %mul3A_300 = vector.broadcast %div3A_297 : f32 to vector<1x128xf32>
    %mul3A_301 = arith.mulf %dot_general3A_299, %mul3A_300 : vector<1x128xf32>
    %ge3A_302 = arith.constant 0.000000e+00 : f32
    %ge3A_303 = vector.broadcast %ge3A_302 : f32 to vector<1x128xf32>
    %ge3A_304 = arith.cmpf oge, %mul3A_301, %ge3A_303 : vector<1x128xf32>
    %mul3A_305 = arith.constant 0.00999999977 : f32
    %mul3A_306 = vector.broadcast %mul3A_305 : f32 to vector<1x128xf32>
    %mul3A_307 = arith.mulf %mul3A_306, %mul3A_301 : vector<1x128xf32>
    %select_n3A_308 = arith.select %ge3A_304, %mul3A_301, %mul3A_307 : vector<1x128xi1>, vector<1x128xf32>
    %tanh3A_309 = math.tanh %select_n3A_308 : vector<1x128xf32>
    %swap3A_310 = arith.constant 4 : index
    %swap3A_311 = arith.constant 0 : index
    %swap3A_312 = arith.constant 0 : index
    %swap3A_313 = vector.load %arg5[%swap3A_310, %swap3A_311, %swap3A_312] : memref<16x1x128xf32, #tpu.memory_space<vmem>>, vector<1x1x128xf32>
    %swap3A_314 = vector.shape_cast %swap3A_313 : vector<1x1x128xf32> to vector<1x128xf32>
    %swap3A_315 = vector.shape_cast %tanh3A_309 : vector<1x128xf32> to vector<1x1x128xf32>
    tpu.vector_store %arg5[%swap3A_310, %swap3A_311, %swap3A_312], %swap3A_315 {strides = array<i32>} : memref<16x1x128xf32, #tpu.memory_space<vmem>>, vector<1x1x128xf32>,
    %mul3A_316 = vector.broadcast %div3A_297 : f32 to vector<1x1024xf32>
    %mul3A_317 = arith.mulf %exp3A_290, %mul3A_316 : vector<1x1024xf32>
    %swap3A_318 = arith.constant 4 : index
    %swap3A_319 = arith.constant 0 : index
    %swap3A_320 = arith.constant 0 : index
    %swap3A_321 = vector.load %arg6[%swap3A_318, %swap3A_319, %swap3A_320] : memref<16x1x1024xf32, #tpu.memory_space<vmem>>, vector<1x1x1024xf32>
    %swap3A_322 = vector.shape_cast %swap3A_321 : vector<1x1x1024xf32> to vector<1x1024xf32>
    %swap3A_323 = vector.shape_cast %mul3A_317 : vector<1x1024xf32> to vector<1x1x1024xf32>
    tpu.vector_store %arg6[%swap3A_318, %swap3A_319, %swap3A_320], %swap3A_323 {strides = array<i32>} : memref<16x1x1024xf32, #tpu.memory_space<vmem>>, vector<1x1x1024xf32>,
    %get3A_324 = arith.constant 5 : index
    %get3A_325 = arith.constant 0 : index
    %get3A_326 = arith.constant 0 : index
    %get3A_327 = vector.load %arg1[%get3A_324, %get3A_325, %get3A_326] : memref<16x1024x128xf32, #tpu.memory_space<vmem>>, vector<1x1024x128xf32>
    %get3A_328 = vector.shape_cast %get3A_327 : vector<1x1024x128xf32> to vector<1024x128xf32>
    %get3A_329 = arith.constant 5 : index
    %get3A_330 = arith.constant 0 : index
    %get3A_331 = arith.constant 0 : index
    %get3A_332 = vector.load %arg2[%get3A_329, %get3A_330, %get3A_331] : memref<16x16x128xf32, #tpu.memory_space<vmem>>, vector<1x16x128xf32>
    %get3A_333 = vector.shape_cast %get3A_332 : vector<1x16x128xf32> to vector<16x128xf32>
    %get3A_334 = arith.constant 5 : index
    %get3A_335 = arith.constant 0 : index
    %get3A_336 = arith.constant 0 : index
    %get3A_337 = vector.load %arg3[%get3A_334, %get3A_335, %get3A_336] : memref<16x16x1xf32, #tpu.memory_space<vmem>>, vector<1x16x1xf32>
    %get3A_338 = vector.shape_cast %get3A_337 : vector<1x16x1xf32> to vector<16x1xf32>
    %get3A_339 = arith.constant 5 : index
    %get3A_340 = arith.constant 0 : index
    %get3A_341 = arith.constant 0 : index
    %get3A_342 = vector.load %arg4[%get3A_339, %get3A_340, %get3A_341] : memref<16x16x1xf32, #tpu.memory_space<vmem>>, vector<1x16x1xf32>
    %get3A_343 = vector.shape_cast %get3A_342 : vector<1x16x1xf32> to vector<16x1xf32>
    %dot_general3A_344 = arith.constant dense<0.000000e+00> : vector<16x1024xf32>
    %dot_general3A_345 = tpu.matmul %get3A_333, %get3A_328, %dot_general3A_344 {dimension_numbers = #tpu.dot_dimension_numbers<[1], [1], [0], [0], [0, 0, 1, 0], [], []>, transpose_lhs_hint = false} : vector<16x128xf32>, vector<1024x128xf32>, vector<16x1024xf32> -> vector<16x1024xf32>
    %add3A_346 = vector.broadcast %get3A_338 : vector<16x1xf32> to vector<16x1024xf32>
    %add3A_347 = arith.addf %dot_general3A_345, %add3A_346 : vector<16x1024xf32>
    %ge3A_348 = arith.constant 0.000000e+00 : f32
    %ge3A_349 = vector.broadcast %ge3A_348 : f32 to vector<16x1024xf32>
    %ge3A_350 = arith.cmpf oge, %add3A_347, %ge3A_349 : vector<16x1024xf32>
    %mul3A_351 = arith.constant 0.00999999977 : f32
    %mul3A_352 = vector.broadcast %mul3A_351 : f32 to vector<16x1024xf32>
    %mul3A_353 = arith.mulf %mul3A_352, %add3A_347 : vector<16x1024xf32>
    %select_n3A_354 = arith.select %ge3A_350, %add3A_347, %mul3A_353 : vector<16x1024xi1>, vector<16x1024xf32>
    %dot_general3A_355 = arith.constant dense<0.000000e+00> : vector<1x1024xf32>
    %dot_general3A_356 = tpu.matmul %get3A_343, %select_n3A_354, %dot_general3A_355 {dimension_numbers = #tpu.dot_dimension_numbers<[0], [0], [1], [1], [0, 1, 1, 1], [], []>, transpose_lhs_hint = false} : vector<16x1xf32>, vector<16x1024xf32>, vector<1x1024xf32> -> vector<1x1024xf32>
    %exp3A_357 = math.exp %dot_general3A_356 : vector<1x1024xf32>
    %reduce_sum3A_358 = vector.shape_cast %exp3A_357 : vector<1x1024xf32> to vector<1x1x1024xf32>
    %reduce_sum3A_359 = arith.constant dense<0.000000e+00> : vector<1xf32>
    %reduce_sum3A_360 = vector.multi_reduction <add>, %reduce_sum3A_358, %reduce_sum3A_359 [1, 2] : vector<1x1x1024xf32> to vector<1xf32>
    %reduce_sum3A_361 = vector.shape_cast %reduce_sum3A_360 : vector<1xf32> to vector<1x1x1xf32>
    %reduce_sum3A_362 = vector.extract %reduce_sum3A_361[0, 0, 0] : f32 from vector<1x1x1xf32>
    %div3A_363 = arith.constant 1.000000e+00 : f32
    %div3A_364 = arith.divf %div3A_363, %reduce_sum3A_362 : f32
    %dot_general3A_365 = arith.constant dense<0.000000e+00> : vector<1x128xf32>
    %dot_general3A_366 = tpu.matmul %exp3A_357, %get3A_328, %dot_general3A_365 {dimension_numbers = #tpu.dot_dimension_numbers<[1], [0], [0], [1], [0, 0, 1, 1], [], []>, transpose_lhs_hint = false} : vector<1x1024xf32>, vector<1024x128xf32>, vector<1x128xf32> -> vector<1x128xf32>
    %mul3A_367 = vector.broadcast %div3A_364 : f32 to vector<1x128xf32>
    %mul3A_368 = arith.mulf %dot_general3A_366, %mul3A_367 : vector<1x128xf32>
    %ge3A_369 = arith.constant 0.000000e+00 : f32
    %ge3A_370 = vector.broadcast %ge3A_369 : f32 to vector<1x128xf32>
    %ge3A_371 = arith.cmpf oge, %mul3A_368, %ge3A_370 : vector<1x128xf32>
    %mul3A_372 = arith.constant 0.00999999977 : f32
    %mul3A_373 = vector.broadcast %mul3A_372 : f32 to vector<1x128xf32>
    %mul3A_374 = arith.mulf %mul3A_373, %mul3A_368 : vector<1x128xf32>
    %select_n3A_375 = arith.select %ge3A_371, %mul3A_368, %mul3A_374 : vector<1x128xi1>, vector<1x128xf32>
    %tanh3A_376 = math.tanh %select_n3A_375 : vector<1x128xf32>
    %swap3A_377 = arith.constant 5 : index
    %swap3A_378 = arith.constant 0 : index
    %swap3A_379 = arith.constant 0 : index
    %swap3A_380 = vector.load %arg5[%swap3A_377, %swap3A_378, %swap3A_379] : memref<16x1x128xf32, #tpu.memory_space<vmem>>, vector<1x1x128xf32>
    %swap3A_381 = vector.shape_cast %swap3A_380 : vector<1x1x128xf32> to vector<1x128xf32>
    %swap3A_382 = vector.shape_cast %tanh3A_376 : vector<1x128xf32> to vector<1x1x128xf32>
    tpu.vector_store %arg5[%swap3A_377, %swap3A_378, %swap3A_379], %swap3A_382 {strides = array<i32>} : memref<16x1x128xf32, #tpu.memory_space<vmem>>, vector<1x1x128xf32>,
    %mul3A_383 = vector.broadcast %div3A_364 : f32 to vector<1x1024xf32>
    %mul3A_384 = arith.mulf %exp3A_357, %mul3A_383 : vector<1x1024xf32>
    %swap3A_385 = arith.constant 5 : index
    %swap3A_386 = arith.constant 0 : index
    %swap3A_387 = arith.constant 0 : index
    %swap3A_388 = vector.load %arg6[%swap3A_385, %swap3A_386, %swap3A_387] : memref<16x1x1024xf32, #tpu.memory_space<vmem>>, vector<1x1x1024xf32>
    %swap3A_389 = vector.shape_cast %swap3A_388 : vector<1x1x1024xf32> to vector<1x1024xf32>
    %swap3A_390 = vector.shape_cast %mul3A_384 : vector<1x1024xf32> to vector<1x1x1024xf32>
    tpu.vector_store %arg6[%swap3A_385, %swap3A_386, %swap3A_387], %swap3A_390 {strides = array<i32>} : memref<16x1x1024xf32, #tpu.memory_space<vmem>>, vector<1x1x1024xf32>,
    %get3A_391 = arith.constant 6 : index
    %get3A_392 = arith.constant 0 : index
    %get3A_393 = arith.constant 0 : index
    %get3A_394 = vector.load %arg1[%get3A_391, %get3A_392, %get3A_393] : memref<16x1024x128xf32, #tpu.memory_space<vmem>>, vector<1x1024x128xf32>
    %get3A_395 = vector.shape_cast %get3A_394 : vector<1x1024x128xf32> to vector<1024x128xf32>
    %get3A_396 = arith.constant 6 : index
    %get3A_397 = arith.constant 0 : index
    %get3A_398 = arith.constant 0 : index
    %get3A_399 = vector.load %arg2[%get3A_396, %get3A_397, %get3A_398] : memref<16x16x128xf32, #tpu.memory_space<vmem>>, vector<1x16x128xf32>
    %get3A_400 = vector.shape_cast %get3A_399 : vector<1x16x128xf32> to vector<16x128xf32>
    %get3A_401 = arith.constant 6 : index
    %get3A_402 = arith.constant 0 : index
    %get3A_403 = arith.constant 0 : index
    %get3A_404 = vector.load %arg3[%get3A_401, %get3A_402, %get3A_403] : memref<16x16x1xf32, #tpu.memory_space<vmem>>, vector<1x16x1xf32>
    %get3A_405 = vector.shape_cast %get3A_404 : vector<1x16x1xf32> to vector<16x1xf32>
    %get3A_406 = arith.constant 6 : index
    %get3A_407 = arith.constant 0 : index
    %get3A_408 = arith.constant 0 : index
    %get3A_409 = vector.load %arg4[%get3A_406, %get3A_407, %get3A_408] : memref<16x16x1xf32, #tpu.memory_space<vmem>>, vector<1x16x1xf32>
    %get3A_410 = vector.shape_cast %get3A_409 : vector<1x16x1xf32> to vector<16x1xf32>
    %dot_general3A_411 = arith.constant dense<0.000000e+00> : vector<16x1024xf32>
    %dot_general3A_412 = tpu.matmul %get3A_400, %get3A_395, %dot_general3A_411 {dimension_numbers = #tpu.dot_dimension_numbers<[1], [1], [0], [0], [0, 0, 1, 0], [], []>, transpose_lhs_hint = false} : vector<16x128xf32>, vector<1024x128xf32>, vector<16x1024xf32> -> vector<16x1024xf32>
    %add3A_413 = vector.broadcast %get3A_405 : vector<16x1xf32> to vector<16x1024xf32>
    %add3A_414 = arith.addf %dot_general3A_412, %add3A_413 : vector<16x1024xf32>
    %ge3A_415 = arith.constant 0.000000e+00 : f32
    %ge3A_416 = vector.broadcast %ge3A_415 : f32 to vector<16x1024xf32>
    %ge3A_417 = arith.cmpf oge, %add3A_414, %ge3A_416 : vector<16x1024xf32>
    %mul3A_418 = arith.constant 0.00999999977 : f32
    %mul3A_419 = vector.broadcast %mul3A_418 : f32 to vector<16x1024xf32>
    %mul3A_420 = arith.mulf %mul3A_419, %add3A_414 : vector<16x1024xf32>
    %select_n3A_421 = arith.select %ge3A_417, %add3A_414, %mul3A_420 : vector<16x1024xi1>, vector<16x1024xf32>
    %dot_general3A_422 = arith.constant dense<0.000000e+00> : vector<1x1024xf32>
    %dot_general3A_423 = tpu.matmul %get3A_410, %select_n3A_421, %dot_general3A_422 {dimension_numbers = #tpu.dot_dimension_numbers<[0], [0], [1], [1], [0, 1, 1, 1], [], []>, transpose_lhs_hint = false} : vector<16x1xf32>, vector<16x1024xf32>, vector<1x1024xf32> -> vector<1x1024xf32>
    %exp3A_424 = math.exp %dot_general3A_423 : vector<1x1024xf32>
    %reduce_sum3A_425 = vector.shape_cast %exp3A_424 : vector<1x1024xf32> to vector<1x1x1024xf32>
    %reduce_sum3A_426 = arith.constant dense<0.000000e+00> : vector<1xf32>
    %reduce_sum3A_427 = vector.multi_reduction <add>, %reduce_sum3A_425, %reduce_sum3A_426 [1, 2] : vector<1x1x1024xf32> to vector<1xf32>
    %reduce_sum3A_428 = vector.shape_cast %reduce_sum3A_427 : vector<1xf32> to vector<1x1x1xf32>
    %reduce_sum3A_429 = vector.extract %reduce_sum3A_428[0, 0, 0] : f32 from vector<1x1x1xf32>
    %div3A_430 = arith.constant 1.000000e+00 : f32
    %div3A_431 = arith.divf %div3A_430, %reduce_sum3A_429 : f32
    %dot_general3A_432 = arith.constant dense<0.000000e+00> : vector<1x128xf32>
    %dot_general3A_433 = tpu.matmul %exp3A_424, %get3A_395, %dot_general3A_432 {dimension_numbers = #tpu.dot_dimension_numbers<[1], [0], [0], [1], [0, 0, 1, 1], [], []>, transpose_lhs_hint = false} : vector<1x1024xf32>, vector<1024x128xf32>, vector<1x128xf32> -> vector<1x128xf32>
    %mul3A_434 = vector.broadcast %div3A_431 : f32 to vector<1x128xf32>
    %mul3A_435 = arith.mulf %dot_general3A_433, %mul3A_434 : vector<1x128xf32>
    %ge3A_436 = arith.constant 0.000000e+00 : f32
    %ge3A_437 = vector.broadcast %ge3A_436 : f32 to vector<1x128xf32>
    %ge3A_438 = arith.cmpf oge, %mul3A_435, %ge3A_437 : vector<1x128xf32>
    %mul3A_439 = arith.constant 0.00999999977 : f32
    %mul3A_440 = vector.broadcast %mul3A_439 : f32 to vector<1x128xf32>
    %mul3A_441 = arith.mulf %mul3A_440, %mul3A_435 : vector<1x128xf32>
    %select_n3A_442 = arith.select %ge3A_438, %mul3A_435, %mul3A_441 : vector<1x128xi1>, vector<1x128xf32>
    %tanh3A_443 = math.tanh %select_n3A_442 : vector<1x128xf32>
    %swap3A_444 = arith.constant 6 : index
    %swap3A_445 = arith.constant 0 : index
    %swap3A_446 = arith.constant 0 : index
    %swap3A_447 = vector.load %arg5[%swap3A_444, %swap3A_445, %swap3A_446] : memref<16x1x128xf32, #tpu.memory_space<vmem>>, vector<1x1x128xf32>
    %swap3A_448 = vector.shape_cast %swap3A_447 : vector<1x1x128xf32> to vector<1x128xf32>
    %swap3A_449 = vector.shape_cast %tanh3A_443 : vector<1x128xf32> to vector<1x1x128xf32>
    tpu.vector_store %arg5[%swap3A_444, %swap3A_445, %swap3A_446], %swap3A_449 {strides = array<i32>} : memref<16x1x128xf32, #tpu.memory_space<vmem>>, vector<1x1x128xf32>,
    %mul3A_450 = vector.broadcast %div3A_431 : f32 to vector<1x1024xf32>
    %mul3A_451 = arith.mulf %exp3A_424, %mul3A_450 : vector<1x1024xf32>
    %swap3A_452 = arith.constant 6 : index
    %swap3A_453 = arith.constant 0 : index
    %swap3A_454 = arith.constant 0 : index
    %swap3A_455 = vector.load %arg6[%swap3A_452, %swap3A_453, %swap3A_454] : memref<16x1x1024xf32, #tpu.memory_space<vmem>>, vector<1x1x1024xf32>
    %swap3A_456 = vector.shape_cast %swap3A_455 : vector<1x1x1024xf32> to vector<1x1024xf32>
    %swap3A_457 = vector.shape_cast %mul3A_451 : vector<1x1024xf32> to vector<1x1x1024xf32>
    tpu.vector_store %arg6[%swap3A_452, %swap3A_453, %swap3A_454], %swap3A_457 {strides = array<i32>} : memref<16x1x1024xf32, #tpu.memory_space<vmem>>, vector<1x1x1024xf32>,
    %get3A_458 = arith.constant 7 : index
    %get3A_459 = arith.constant 0 : index
    %get3A_460 = arith.constant 0 : index
    %get3A_461 = vector.load %arg1[%get3A_458, %get3A_459, %get3A_460] : memref<16x1024x128xf32, #tpu.memory_space<vmem>>, vector<1x1024x128xf32>
    %get3A_462 = vector.shape_cast %get3A_461 : vector<1x1024x128xf32> to vector<1024x128xf32>
    %get3A_463 = arith.constant 7 : index
    %get3A_464 = arith.constant 0 : index
    %get3A_465 = arith.constant 0 : index
    %get3A_466 = vector.load %arg2[%get3A_463, %get3A_464, %get3A_465] : memref<16x16x128xf32, #tpu.memory_space<vmem>>, vector<1x16x128xf32>
    %get3A_467 = vector.shape_cast %get3A_466 : vector<1x16x128xf32> to vector<16x128xf32>
    %get3A_468 = arith.constant 7 : index
    %get3A_469 = arith.constant 0 : index
    %get3A_470 = arith.constant 0 : index
    %get3A_471 = vector.load %arg3[%get3A_468, %get3A_469, %get3A_470] : memref<16x16x1xf32, #tpu.memory_space<vmem>>, vector<1x16x1xf32>
    %get3A_472 = vector.shape_cast %get3A_471 : vector<1x16x1xf32> to vector<16x1xf32>
    %get3A_473 = arith.constant 7 : index
    %get3A_474 = arith.constant 0 : index
    %get3A_475 = arith.constant 0 : index
    %get3A_476 = vector.load %arg4[%get3A_473, %get3A_474, %get3A_475] : memref<16x16x1xf32, #tpu.memory_space<vmem>>, vector<1x16x1xf32>
    %get3A_477 = vector.shape_cast %get3A_476 : vector<1x16x1xf32> to vector<16x1xf32>
    %dot_general3A_478 = arith.constant dense<0.000000e+00> : vector<16x1024xf32>
    %dot_general3A_479 = tpu.matmul %get3A_467, %get3A_462, %dot_general3A_478 {dimension_numbers = #tpu.dot_dimension_numbers<[1], [1], [0], [0], [0, 0, 1, 0], [], []>, transpose_lhs_hint = false} : vector<16x128xf32>, vector<1024x128xf32>, vector<16x1024xf32> -> vector<16x1024xf32>
    %add3A_480 = vector.broadcast %get3A_472 : vector<16x1xf32> to vector<16x1024xf32>
    %add3A_481 = arith.addf %dot_general3A_479, %add3A_480 : vector<16x1024xf32>
    %ge3A_482 = arith.constant 0.000000e+00 : f32
    %ge3A_483 = vector.broadcast %ge3A_482 : f32 to vector<16x1024xf32>
    %ge3A_484 = arith.cmpf oge, %add3A_481, %ge3A_483 : vector<16x1024xf32>
    %mul3A_485 = arith.constant 0.00999999977 : f32
    %mul3A_486 = vector.broadcast %mul3A_485 : f32 to vector<16x1024xf32>
    %mul3A_487 = arith.mulf %mul3A_486, %add3A_481 : vector<16x1024xf32>
    %select_n3A_488 = arith.select %ge3A_484, %add3A_481, %mul3A_487 : vector<16x1024xi1>, vector<16x1024xf32>
    %dot_general3A_489 = arith.constant dense<0.000000e+00> : vector<1x1024xf32>
    %dot_general3A_490 = tpu.matmul %get3A_477, %select_n3A_488, %dot_general3A_489 {dimension_numbers = #tpu.dot_dimension_numbers<[0], [0], [1], [1], [0, 1, 1, 1], [], []>, transpose_lhs_hint = false} : vector<16x1xf32>, vector<16x1024xf32>, vector<1x1024xf32> -> vector<1x1024xf32>
    %exp3A_491 = math.exp %dot_general3A_490 : vector<1x1024xf32>
    %reduce_sum3A_492 = vector.shape_cast %exp3A_491 : vector<1x1024xf32> to vector<1x1x1024xf32>
    %reduce_sum3A_493 = arith.constant dense<0.000000e+00> : vector<1xf32>
    %reduce_sum3A_494 = vector.multi_reduction <add>, %reduce_sum3A_492, %reduce_sum3A_493 [1, 2] : vector<1x1x1024xf32> to vector<1xf32>
    %reduce_sum3A_495 = vector.shape_cast %reduce_sum3A_494 : vector<1xf32> to vector<1x1x1xf32>
    %reduce_sum3A_496 = vector.extract %reduce_sum3A_495[0, 0, 0] : f32 from vector<1x1x1xf32>
    %div3A_497 = arith.constant 1.000000e+00 : f32
    %div3A_498 = arith.divf %div3A_497, %reduce_sum3A_496 : f32
    %dot_general3A_499 = arith.constant dense<0.000000e+00> : vector<1x128xf32>
    %dot_general3A_500 = tpu.matmul %exp3A_491, %get3A_462, %dot_general3A_499 {dimension_numbers = #tpu.dot_dimension_numbers<[1], [0], [0], [1], [0, 0, 1, 1], [], []>, transpose_lhs_hint = false} : vector<1x1024xf32>, vector<1024x128xf32>, vector<1x128xf32> -> vector<1x128xf32>
    %mul3A_501 = vector.broadcast %div3A_498 : f32 to vector<1x128xf32>
    %mul3A_502 = arith.mulf %dot_general3A_500, %mul3A_501 : vector<1x128xf32>
    %ge3A_503 = arith.constant 0.000000e+00 : f32
    %ge3A_504 = vector.broadcast %ge3A_503 : f32 to vector<1x128xf32>
    %ge3A_505 = arith.cmpf oge, %mul3A_502, %ge3A_504 : vector<1x128xf32>
    %mul3A_506 = arith.constant 0.00999999977 : f32
    %mul3A_507 = vector.broadcast %mul3A_506 : f32 to vector<1x128xf32>
    %mul3A_508 = arith.mulf %mul3A_507, %mul3A_502 : vector<1x128xf32>
    %select_n3A_509 = arith.select %ge3A_505, %mul3A_502, %mul3A_508 : vector<1x128xi1>, vector<1x128xf32>
    %tanh3A_510 = math.tanh %select_n3A_509 : vector<1x128xf32>
    %swap3A_511 = arith.constant 7 : index
    %swap3A_512 = arith.constant 0 : index
    %swap3A_513 = arith.constant 0 : index
    %swap3A_514 = vector.load %arg5[%swap3A_511, %swap3A_512, %swap3A_513] : memref<16x1x128xf32, #tpu.memory_space<vmem>>, vector<1x1x128xf32>
    %swap3A_515 = vector.shape_cast %swap3A_514 : vector<1x1x128xf32> to vector<1x128xf32>
    %swap3A_516 = vector.shape_cast %tanh3A_510 : vector<1x128xf32> to vector<1x1x128xf32>
    tpu.vector_store %arg5[%swap3A_511, %swap3A_512, %swap3A_513], %swap3A_516 {strides = array<i32>} : memref<16x1x128xf32, #tpu.memory_space<vmem>>, vector<1x1x128xf32>,
    %mul3A_517 = vector.broadcast %div3A_498 : f32 to vector<1x1024xf32>
    %mul3A_518 = arith.mulf %exp3A_491, %mul3A_517 : vector<1x1024xf32>
    %swap3A_519 = arith.constant 7 : index
    %swap3A_520 = arith.constant 0 : index
    %swap3A_521 = arith.constant 0 : index
    %swap3A_522 = vector.load %arg6[%swap3A_519, %swap3A_520, %swap3A_521] : memref<16x1x1024xf32, #tpu.memory_space<vmem>>, vector<1x1x1024xf32>
    %swap3A_523 = vector.shape_cast %swap3A_522 : vector<1x1x1024xf32> to vector<1x1024xf32>
    %swap3A_524 = vector.shape_cast %mul3A_518 : vector<1x1024xf32> to vector<1x1x1024xf32>
    tpu.vector_store %arg6[%swap3A_519, %swap3A_520, %swap3A_521], %swap3A_524 {strides = array<i32>} : memref<16x1x1024xf32, #tpu.memory_space<vmem>>, vector<1x1x1024xf32>,
    %get3A_525 = arith.constant 8 : index
    %get3A_526 = arith.constant 0 : index
    %get3A_527 = arith.constant 0 : index
    %get3A_528 = vector.load %arg1[%get3A_525, %get3A_526, %get3A_527] : memref<16x1024x128xf32, #tpu.memory_space<vmem>>, vector<1x1024x128xf32>
    %get3A_529 = vector.shape_cast %get3A_528 : vector<1x1024x128xf32> to vector<1024x128xf32>
    %get3A_530 = arith.constant 8 : index
    %get3A_531 = arith.constant 0 : index
    %get3A_532 = arith.constant 0 : index
    %get3A_533 = vector.load %arg2[%get3A_530, %get3A_531, %get3A_532] : memref<16x16x128xf32, #tpu.memory_space<vmem>>, vector<1x16x128xf32>
    %get3A_534 = vector.shape_cast %get3A_533 : vector<1x16x128xf32> to vector<16x128xf32>
    %get3A_535 = arith.constant 8 : index
    %get3A_536 = arith.constant 0 : index
    %get3A_537 = arith.constant 0 : index
    %get3A_538 = vector.load %arg3[%get3A_535, %get3A_536, %get3A_537] : memref<16x16x1xf32, #tpu.memory_space<vmem>>, vector<1x16x1xf32>
    %get3A_539 = vector.shape_cast %get3A_538 : vector<1x16x1xf32> to vector<16x1xf32>
    %get3A_540 = arith.constant 8 : index
    %get3A_541 = arith.constant 0 : index
    %get3A_542 = arith.constant 0 : index
    %get3A_543 = vector.load %arg4[%get3A_540, %get3A_541, %get3A_542] : memref<16x16x1xf32, #tpu.memory_space<vmem>>, vector<1x16x1xf32>
    %get3A_544 = vector.shape_cast %get3A_543 : vector<1x16x1xf32> to vector<16x1xf32>
    %dot_general3A_545 = arith.constant dense<0.000000e+00> : vector<16x1024xf32>
    %dot_general3A_546 = tpu.matmul %get3A_534, %get3A_529, %dot_general3A_545 {dimension_numbers = #tpu.dot_dimension_numbers<[1], [1], [0], [0], [0, 0, 1, 0], [], []>, transpose_lhs_hint = false} : vector<16x128xf32>, vector<1024x128xf32>, vector<16x1024xf32> -> vector<16x1024xf32>
    %add3A_547 = vector.broadcast %get3A_539 : vector<16x1xf32> to vector<16x1024xf32>
    %add3A_548 = arith.addf %dot_general3A_546, %add3A_547 : vector<16x1024xf32>
    %ge3A_549 = arith.constant 0.000000e+00 : f32
    %ge3A_550 = vector.broadcast %ge3A_549 : f32 to vector<16x1024xf32>
    %ge3A_551 = arith.cmpf oge, %add3A_548, %ge3A_550 : vector<16x1024xf32>
    %mul3A_552 = arith.constant 0.00999999977 : f32
    %mul3A_553 = vector.broadcast %mul3A_552 : f32 to vector<16x1024xf32>
    %mul3A_554 = arith.mulf %mul3A_553, %add3A_548 : vector<16x1024xf32>
    %select_n3A_555 = arith.select %ge3A_551, %add3A_548, %mul3A_554 : vector<16x1024xi1>, vector<16x1024xf32>
    %dot_general3A_556 = arith.constant dense<0.000000e+00> : vector<1x1024xf32>
    %dot_general3A_557 = tpu.matmul %get3A_544, %select_n3A_555, %dot_general3A_556 {dimension_numbers = #tpu.dot_dimension_numbers<[0], [0], [1], [1], [0, 1, 1, 1], [], []>, transpose_lhs_hint = false} : vector<16x1xf32>, vector<16x1024xf32>, vector<1x1024xf32> -> vector<1x1024xf32>
    %exp3A_558 = math.exp %dot_general3A_557 : vector<1x1024xf32>
    %reduce_sum3A_559 = vector.shape_cast %exp3A_558 : vector<1x1024xf32> to vector<1x1x1024xf32>
    %reduce_sum3A_560 = arith.constant dense<0.000000e+00> : vector<1xf32>
    %reduce_sum3A_561 = vector.multi_reduction <add>, %reduce_sum3A_559, %reduce_sum3A_560 [1, 2] : vector<1x1x1024xf32> to vector<1xf32>
    %reduce_sum3A_562 = vector.shape_cast %reduce_sum3A_561 : vector<1xf32> to vector<1x1x1xf32>
    %reduce_sum3A_563 = vector.extract %reduce_sum3A_562[0, 0, 0] : f32 from vector<1x1x1xf32>
    %div3A_564 = arith.constant 1.000000e+00 : f32
    %div3A_565 = arith.divf %div3A_564, %reduce_sum3A_563 : f32
    %dot_general3A_566 = arith.constant dense<0.000000e+00> : vector<1x128xf32>
    %dot_general3A_567 = tpu.matmul %exp3A_558, %get3A_529, %dot_general3A_566 {dimension_numbers = #tpu.dot_dimension_numbers<[1], [0], [0], [1], [0, 0, 1, 1], [], []>, transpose_lhs_hint = false} : vector<1x1024xf32>, vector<1024x128xf32>, vector<1x128xf32> -> vector<1x128xf32>
    %mul3A_568 = vector.broadcast %div3A_565 : f32 to vector<1x128xf32>
    %mul3A_569 = arith.mulf %dot_general3A_567, %mul3A_568 : vector<1x128xf32>
    %ge3A_570 = arith.constant 0.000000e+00 : f32
    %ge3A_571 = vector.broadcast %ge3A_570 : f32 to vector<1x128xf32>
    %ge3A_572 = arith.cmpf oge, %mul3A_569, %ge3A_571 : vector<1x128xf32>
    %mul3A_573 = arith.constant 0.00999999977 : f32
    %mul3A_574 = vector.broadcast %mul3A_573 : f32 to vector<1x128xf32>
    %mul3A_575 = arith.mulf %mul3A_574, %mul3A_569 : vector<1x128xf32>
    %select_n3A_576 = arith.select %ge3A_572, %mul3A_569, %mul3A_575 : vector<1x128xi1>, vector<1x128xf32>
    %tanh3A_577 = math.tanh %select_n3A_576 : vector<1x128xf32>
    %swap3A_578 = arith.constant 8 : index
    %swap3A_579 = arith.constant 0 : index
    %swap3A_580 = arith.constant 0 : index
    %swap3A_581 = vector.load %arg5[%swap3A_578, %swap3A_579, %swap3A_580] : memref<16x1x128xf32, #tpu.memory_space<vmem>>, vector<1x1x128xf32>
    %swap3A_582 = vector.shape_cast %swap3A_581 : vector<1x1x128xf32> to vector<1x128xf32>
    %swap3A_583 = vector.shape_cast %tanh3A_577 : vector<1x128xf32> to vector<1x1x128xf32>
    tpu.vector_store %arg5[%swap3A_578, %swap3A_579, %swap3A_580], %swap3A_583 {strides = array<i32>} : memref<16x1x128xf32, #tpu.memory_space<vmem>>, vector<1x1x128xf32>,
    %mul3A_584 = vector.broadcast %div3A_565 : f32 to vector<1x1024xf32>
    %mul3A_585 = arith.mulf %exp3A_558, %mul3A_584 : vector<1x1024xf32>
    %swap3A_586 = arith.constant 8 : index
    %swap3A_587 = arith.constant 0 : index
    %swap3A_588 = arith.constant 0 : index
    %swap3A_589 = vector.load %arg6[%swap3A_586, %swap3A_587, %swap3A_588] : memref<16x1x1024xf32, #tpu.memory_space<vmem>>, vector<1x1x1024xf32>
    %swap3A_590 = vector.shape_cast %swap3A_589 : vector<1x1x1024xf32> to vector<1x1024xf32>
    %swap3A_591 = vector.shape_cast %mul3A_585 : vector<1x1024xf32> to vector<1x1x1024xf32>
    tpu.vector_store %arg6[%swap3A_586, %swap3A_587, %swap3A_588], %swap3A_591 {strides = array<i32>} : memref<16x1x1024xf32, #tpu.memory_space<vmem>>, vector<1x1x1024xf32>,
    %get3A_592 = arith.constant 9 : index
    %get3A_593 = arith.constant 0 : index
    %get3A_594 = arith.constant 0 : index
    %get3A_595 = vector.load %arg1[%get3A_592, %get3A_593, %get3A_594] : memref<16x1024x128xf32, #tpu.memory_space<vmem>>, vector<1x1024x128xf32>
    %get3A_596 = vector.shape_cast %get3A_595 : vector<1x1024x128xf32> to vector<1024x128xf32>
    %get3A_597 = arith.constant 9 : index
    %get3A_598 = arith.constant 0 : index
    %get3A_599 = arith.constant 0 : index
    %get3A_600 = vector.load %arg2[%get3A_597, %get3A_598, %get3A_599] : memref<16x16x128xf32, #tpu.memory_space<vmem>>, vector<1x16x128xf32>
    %get3A_601 = vector.shape_cast %get3A_600 : vector<1x16x128xf32> to vector<16x128xf32>
    %get3A_602 = arith.constant 9 : index
    %get3A_603 = arith.constant 0 : index
    %get3A_604 = arith.constant 0 : index
    %get3A_605 = vector.load %arg3[%get3A_602, %get3A_603, %get3A_604] : memref<16x16x1xf32, #tpu.memory_space<vmem>>, vector<1x16x1xf32>
    %get3A_606 = vector.shape_cast %get3A_605 : vector<1x16x1xf32> to vector<16x1xf32>
    %get3A_607 = arith.constant 9 : index
    %get3A_608 = arith.constant 0 : index
    %get3A_609 = arith.constant 0 : index
    %get3A_610 = vector.load %arg4[%get3A_607, %get3A_608, %get3A_609] : memref<16x16x1xf32, #tpu.memory_space<vmem>>, vector<1x16x1xf32>
    %get3A_611 = vector.shape_cast %get3A_610 : vector<1x16x1xf32> to vector<16x1xf32>
    %dot_general3A_612 = arith.constant dense<0.000000e+00> : vector<16x1024xf32>
    %dot_general3A_613 = tpu.matmul %get3A_601, %get3A_596, %dot_general3A_612 {dimension_numbers = #tpu.dot_dimension_numbers<[1], [1], [0], [0], [0, 0, 1, 0], [], []>, transpose_lhs_hint = false} : vector<16x128xf32>, vector<1024x128xf32>, vector<16x1024xf32> -> vector<16x1024xf32>
    %add3A_614 = vector.broadcast %get3A_606 : vector<16x1xf32> to vector<16x1024xf32>
    %add3A_615 = arith.addf %dot_general3A_613, %add3A_614 : vector<16x1024xf32>
    %ge3A_616 = arith.constant 0.000000e+00 : f32
    %ge3A_617 = vector.broadcast %ge3A_616 : f32 to vector<16x1024xf32>
    %ge3A_618 = arith.cmpf oge, %add3A_615, %ge3A_617 : vector<16x1024xf32>
    %mul3A_619 = arith.constant 0.00999999977 : f32
    %mul3A_620 = vector.broadcast %mul3A_619 : f32 to vector<16x1024xf32>
    %mul3A_621 = arith.mulf %mul3A_620, %add3A_615 : vector<16x1024xf32>
    %select_n3A_622 = arith.select %ge3A_618, %add3A_615, %mul3A_621 : vector<16x1024xi1>, vector<16x1024xf32>
    %dot_general3A_623 = arith.constant dense<0.000000e+00> : vector<1x1024xf32>
    %dot_general3A_624 = tpu.matmul %get3A_611, %select_n3A_622, %dot_general3A_623 {dimension_numbers = #tpu.dot_dimension_numbers<[0], [0], [1], [1], [0, 1, 1, 1], [], []>, transpose_lhs_hint = false} : vector<16x1xf32>, vector<16x1024xf32>, vector<1x1024xf32> -> vector<1x1024xf32>
    %exp3A_625 = math.exp %dot_general3A_624 : vector<1x1024xf32>
    %reduce_sum3A_626 = vector.shape_cast %exp3A_625 : vector<1x1024xf32> to vector<1x1x1024xf32>
    %reduce_sum3A_627 = arith.constant dense<0.000000e+00> : vector<1xf32>
    %reduce_sum3A_628 = vector.multi_reduction <add>, %reduce_sum3A_626, %reduce_sum3A_627 [1, 2] : vector<1x1x1024xf32> to vector<1xf32>
    %reduce_sum3A_629 = vector.shape_cast %reduce_sum3A_628 : vector<1xf32> to vector<1x1x1xf32>
    %reduce_sum3A_630 = vector.extract %reduce_sum3A_629[0, 0, 0] : f32 from vector<1x1x1xf32>
    %div3A_631 = arith.constant 1.000000e+00 : f32
    %div3A_632 = arith.divf %div3A_631, %reduce_sum3A_630 : f32
    %dot_general3A_633 = arith.constant dense<0.000000e+00> : vector<1x128xf32>
    %dot_general3A_634 = tpu.matmul %exp3A_625, %get3A_596, %dot_general3A_633 {dimension_numbers = #tpu.dot_dimension_numbers<[1], [0], [0], [1], [0, 0, 1, 1], [], []>, transpose_lhs_hint = false} : vector<1x1024xf32>, vector<1024x128xf32>, vector<1x128xf32> -> vector<1x128xf32>
    %mul3A_635 = vector.broadcast %div3A_632 : f32 to vector<1x128xf32>
    %mul3A_636 = arith.mulf %dot_general3A_634, %mul3A_635 : vector<1x128xf32>
    %ge3A_637 = arith.constant 0.000000e+00 : f32
    %ge3A_638 = vector.broadcast %ge3A_637 : f32 to vector<1x128xf32>
    %ge3A_639 = arith.cmpf oge, %mul3A_636, %ge3A_638 : vector<1x128xf32>
    %mul3A_640 = arith.constant 0.00999999977 : f32
    %mul3A_641 = vector.broadcast %mul3A_640 : f32 to vector<1x128xf32>
    %mul3A_642 = arith.mulf %mul3A_641, %mul3A_636 : vector<1x128xf32>
    %select_n3A_643 = arith.select %ge3A_639, %mul3A_636, %mul3A_642 : vector<1x128xi1>, vector<1x128xf32>
    %tanh3A_644 = math.tanh %select_n3A_643 : vector<1x128xf32>
    %swap3A_645 = arith.constant 9 : index
    %swap3A_646 = arith.constant 0 : index
    %swap3A_647 = arith.constant 0 : index
    %swap3A_648 = vector.load %arg5[%swap3A_645, %swap3A_646, %swap3A_647] : memref<16x1x128xf32, #tpu.memory_space<vmem>>, vector<1x1x128xf32>
    %swap3A_649 = vector.shape_cast %swap3A_648 : vector<1x1x128xf32> to vector<1x128xf32>
    %swap3A_650 = vector.shape_cast %tanh3A_644 : vector<1x128xf32> to vector<1x1x128xf32>
    tpu.vector_store %arg5[%swap3A_645, %swap3A_646, %swap3A_647], %swap3A_650 {strides = array<i32>} : memref<16x1x128xf32, #tpu.memory_space<vmem>>, vector<1x1x128xf32>,
    %mul3A_651 = vector.broadcast %div3A_632 : f32 to vector<1x1024xf32>
    %mul3A_652 = arith.mulf %exp3A_625, %mul3A_651 : vector<1x1024xf32>
    %swap3A_653 = arith.constant 9 : index
    %swap3A_654 = arith.constant 0 : index
    %swap3A_655 = arith.constant 0 : index
    %swap3A_656 = vector.load %arg6[%swap3A_653, %swap3A_654, %swap3A_655] : memref<16x1x1024xf32, #tpu.memory_space<vmem>>, vector<1x1x1024xf32>
    %swap3A_657 = vector.shape_cast %swap3A_656 : vector<1x1x1024xf32> to vector<1x1024xf32>
    %swap3A_658 = vector.shape_cast %mul3A_652 : vector<1x1024xf32> to vector<1x1x1024xf32>
    tpu.vector_store %arg6[%swap3A_653, %swap3A_654, %swap3A_655], %swap3A_658 {strides = array<i32>} : memref<16x1x1024xf32, #tpu.memory_space<vmem>>, vector<1x1x1024xf32>,
    %get3A_659 = arith.constant 10 : index
    %get3A_660 = arith.constant 0 : index
    %get3A_661 = arith.constant 0 : index
    %get3A_662 = vector.load %arg1[%get3A_659, %get3A_660, %get3A_661] : memref<16x1024x128xf32, #tpu.memory_space<vmem>>, vector<1x1024x128xf32>
    %get3A_663 = vector.shape_cast %get3A_662 : vector<1x1024x128xf32> to vector<1024x128xf32>
    %get3A_664 = arith.constant 10 : index
    %get3A_665 = arith.constant 0 : index
    %get3A_666 = arith.constant 0 : index
    %get3A_667 = vector.load %arg2[%get3A_664, %get3A_665, %get3A_666] : memref<16x16x128xf32, #tpu.memory_space<vmem>>, vector<1x16x128xf32>
    %get3A_668 = vector.shape_cast %get3A_667 : vector<1x16x128xf32> to vector<16x128xf32>
    %get3A_669 = arith.constant 10 : index
    %get3A_670 = arith.constant 0 : index
    %get3A_671 = arith.constant 0 : index
    %get3A_672 = vector.load %arg3[%get3A_669, %get3A_670, %get3A_671] : memref<16x16x1xf32, #tpu.memory_space<vmem>>, vector<1x16x1xf32>
    %get3A_673 = vector.shape_cast %get3A_672 : vector<1x16x1xf32> to vector<16x1xf32>
    %get3A_674 = arith.constant 10 : index
    %get3A_675 = arith.constant 0 : index
    %get3A_676 = arith.constant 0 : index
    %get3A_677 = vector.load %arg4[%get3A_674, %get3A_675, %get3A_676] : memref<16x16x1xf32, #tpu.memory_space<vmem>>, vector<1x16x1xf32>
    %get3A_678 = vector.shape_cast %get3A_677 : vector<1x16x1xf32> to vector<16x1xf32>
    %dot_general3A_679 = arith.constant dense<0.000000e+00> : vector<16x1024xf32>
    %dot_general3A_680 = tpu.matmul %get3A_668, %get3A_663, %dot_general3A_679 {dimension_numbers = #tpu.dot_dimension_numbers<[1], [1], [0], [0], [0, 0, 1, 0], [], []>, transpose_lhs_hint = false} : vector<16x128xf32>, vector<1024x128xf32>, vector<16x1024xf32> -> vector<16x1024xf32>
    %add3A_681 = vector.broadcast %get3A_673 : vector<16x1xf32> to vector<16x1024xf32>
    %add3A_682 = arith.addf %dot_general3A_680, %add3A_681 : vector<16x1024xf32>
    %ge3A_683 = arith.constant 0.000000e+00 : f32
    %ge3A_684 = vector.broadcast %ge3A_683 : f32 to vector<16x1024xf32>
    %ge3A_685 = arith.cmpf oge, %add3A_682, %ge3A_684 : vector<16x1024xf32>
    %mul3A_686 = arith.constant 0.00999999977 : f32
    %mul3A_687 = vector.broadcast %mul3A_686 : f32 to vector<16x1024xf32>
    %mul3A_688 = arith.mulf %mul3A_687, %add3A_682 : vector<16x1024xf32>
    %select_n3A_689 = arith.select %ge3A_685, %add3A_682, %mul3A_688 : vector<16x1024xi1>, vector<16x1024xf32>
    %dot_general3A_690 = arith.constant dense<0.000000e+00> : vector<1x1024xf32>
    %dot_general3A_691 = tpu.matmul %get3A_678, %select_n3A_689, %dot_general3A_690 {dimension_numbers = #tpu.dot_dimension_numbers<[0], [0], [1], [1], [0, 1, 1, 1], [], []>, transpose_lhs_hint = false} : vector<16x1xf32>, vector<16x1024xf32>, vector<1x1024xf32> -> vector<1x1024xf32>
    %exp3A_692 = math.exp %dot_general3A_691 : vector<1x1024xf32>
    %reduce_sum3A_693 = vector.shape_cast %exp3A_692 : vector<1x1024xf32> to vector<1x1x1024xf32>
    %reduce_sum3A_694 = arith.constant dense<0.000000e+00> : vector<1xf32>
    %reduce_sum3A_695 = vector.multi_reduction <add>, %reduce_sum3A_693, %reduce_sum3A_694 [1, 2] : vector<1x1x1024xf32> to vector<1xf32>
    %reduce_sum3A_696 = vector.shape_cast %reduce_sum3A_695 : vector<1xf32> to vector<1x1x1xf32>
    %reduce_sum3A_697 = vector.extract %reduce_sum3A_696[0, 0, 0] : f32 from vector<1x1x1xf32>
    %div3A_698 = arith.constant 1.000000e+00 : f32
    %div3A_699 = arith.divf %div3A_698, %reduce_sum3A_697 : f32
    %dot_general3A_700 = arith.constant dense<0.000000e+00> : vector<1x128xf32>
    %dot_general3A_701 = tpu.matmul %exp3A_692, %get3A_663, %dot_general3A_700 {dimension_numbers = #tpu.dot_dimension_numbers<[1], [0], [0], [1], [0, 0, 1, 1], [], []>, transpose_lhs_hint = false} : vector<1x1024xf32>, vector<1024x128xf32>, vector<1x128xf32> -> vector<1x128xf32>
    %mul3A_702 = vector.broadcast %div3A_699 : f32 to vector<1x128xf32>
    %mul3A_703 = arith.mulf %dot_general3A_701, %mul3A_702 : vector<1x128xf32>
    %ge3A_704 = arith.constant 0.000000e+00 : f32
    %ge3A_705 = vector.broadcast %ge3A_704 : f32 to vector<1x128xf32>
    %ge3A_706 = arith.cmpf oge, %mul3A_703, %ge3A_705 : vector<1x128xf32>
    %mul3A_707 = arith.constant 0.00999999977 : f32
    %mul3A_708 = vector.broadcast %mul3A_707 : f32 to vector<1x128xf32>
    %mul3A_709 = arith.mulf %mul3A_708, %mul3A_703 : vector<1x128xf32>
    %select_n3A_710 = arith.select %ge3A_706, %mul3A_703, %mul3A_709 : vector<1x128xi1>, vector<1x128xf32>
    %tanh3A_711 = math.tanh %select_n3A_710 : vector<1x128xf32>
    %swap3A_712 = arith.constant 10 : index
    %swap3A_713 = arith.constant 0 : index
    %swap3A_714 = arith.constant 0 : index
    %swap3A_715 = vector.load %arg5[%swap3A_712, %swap3A_713, %swap3A_714] : memref<16x1x128xf32, #tpu.memory_space<vmem>>, vector<1x1x128xf32>
    %swap3A_716 = vector.shape_cast %swap3A_715 : vector<1x1x128xf32> to vector<1x128xf32>
    %swap3A_717 = vector.shape_cast %tanh3A_711 : vector<1x128xf32> to vector<1x1x128xf32>
    tpu.vector_store %arg5[%swap3A_712, %swap3A_713, %swap3A_714], %swap3A_717 {strides = array<i32>} : memref<16x1x128xf32, #tpu.memory_space<vmem>>, vector<1x1x128xf32>,
    %mul3A_718 = vector.broadcast %div3A_699 : f32 to vector<1x1024xf32>
    %mul3A_719 = arith.mulf %exp3A_692, %mul3A_718 : vector<1x1024xf32>
    %swap3A_720 = arith.constant 10 : index
    %swap3A_721 = arith.constant 0 : index
    %swap3A_722 = arith.constant 0 : index
    %swap3A_723 = vector.load %arg6[%swap3A_720, %swap3A_721, %swap3A_722] : memref<16x1x1024xf32, #tpu.memory_space<vmem>>, vector<1x1x1024xf32>
    %swap3A_724 = vector.shape_cast %swap3A_723 : vector<1x1x1024xf32> to vector<1x1024xf32>
    %swap3A_725 = vector.shape_cast %mul3A_719 : vector<1x1024xf32> to vector<1x1x1024xf32>
    tpu.vector_store %arg6[%swap3A_720, %swap3A_721, %swap3A_722], %swap3A_725 {strides = array<i32>} : memref<16x1x1024xf32, #tpu.memory_space<vmem>>, vector<1x1x1024xf32>,
    %get3A_726 = arith.constant 11 : index
    %get3A_727 = arith.constant 0 : index
    %get3A_728 = arith.constant 0 : index
    %get3A_729 = vector.load %arg1[%get3A_726, %get3A_727, %get3A_728] : memref<16x1024x128xf32, #tpu.memory_space<vmem>>, vector<1x1024x128xf32>
    %get3A_730 = vector.shape_cast %get3A_729 : vector<1x1024x128xf32> to vector<1024x128xf32>
    %get3A_731 = arith.constant 11 : index
    %get3A_732 = arith.constant 0 : index
    %get3A_733 = arith.constant 0 : index
    %get3A_734 = vector.load %arg2[%get3A_731, %get3A_732, %get3A_733] : memref<16x16x128xf32, #tpu.memory_space<vmem>>, vector<1x16x128xf32>
    %get3A_735 = vector.shape_cast %get3A_734 : vector<1x16x128xf32> to vector<16x128xf32>
    %get3A_736 = arith.constant 11 : index
    %get3A_737 = arith.constant 0 : index
    %get3A_738 = arith.constant 0 : index
    %get3A_739 = vector.load %arg3[%get3A_736, %get3A_737, %get3A_738] : memref<16x16x1xf32, #tpu.memory_space<vmem>>, vector<1x16x1xf32>
    %get3A_740 = vector.shape_cast %get3A_739 : vector<1x16x1xf32> to vector<16x1xf32>
    %get3A_741 = arith.constant 11 : index
    %get3A_742 = arith.constant 0 : index
    %get3A_743 = arith.constant 0 : index
    %get3A_744 = vector.load %arg4[%get3A_741, %get3A_742, %get3A_743] : memref<16x16x1xf32, #tpu.memory_space<vmem>>, vector<1x16x1xf32>
    %get3A_745 = vector.shape_cast %get3A_744 : vector<1x16x1xf32> to vector<16x1xf32>
    %dot_general3A_746 = arith.constant dense<0.000000e+00> : vector<16x1024xf32>
    %dot_general3A_747 = tpu.matmul %get3A_735, %get3A_730, %dot_general3A_746 {dimension_numbers = #tpu.dot_dimension_numbers<[1], [1], [0], [0], [0, 0, 1, 0], [], []>, transpose_lhs_hint = false} : vector<16x128xf32>, vector<1024x128xf32>, vector<16x1024xf32> -> vector<16x1024xf32>
    %add3A_748 = vector.broadcast %get3A_740 : vector<16x1xf32> to vector<16x1024xf32>
    %add3A_749 = arith.addf %dot_general3A_747, %add3A_748 : vector<16x1024xf32>
    %ge3A_750 = arith.constant 0.000000e+00 : f32
    %ge3A_751 = vector.broadcast %ge3A_750 : f32 to vector<16x1024xf32>
    %ge3A_752 = arith.cmpf oge, %add3A_749, %ge3A_751 : vector<16x1024xf32>
    %mul3A_753 = arith.constant 0.00999999977 : f32
    %mul3A_754 = vector.broadcast %mul3A_753 : f32 to vector<16x1024xf32>
    %mul3A_755 = arith.mulf %mul3A_754, %add3A_749 : vector<16x1024xf32>
    %select_n3A_756 = arith.select %ge3A_752, %add3A_749, %mul3A_755 : vector<16x1024xi1>, vector<16x1024xf32>
    %dot_general3A_757 = arith.constant dense<0.000000e+00> : vector<1x1024xf32>
    %dot_general3A_758 = tpu.matmul %get3A_745, %select_n3A_756, %dot_general3A_757 {dimension_numbers = #tpu.dot_dimension_numbers<[0], [0], [1], [1], [0, 1, 1, 1], [], []>, transpose_lhs_hint = false} : vector<16x1xf32>, vector<16x1024xf32>, vector<1x1024xf32> -> vector<1x1024xf32>
    %exp3A_759 = math.exp %dot_general3A_758 : vector<1x1024xf32>
    %reduce_sum3A_760 = vector.shape_cast %exp3A_759 : vector<1x1024xf32> to vector<1x1x1024xf32>
    %reduce_sum3A_761 = arith.constant dense<0.000000e+00> : vector<1xf32>
    %reduce_sum3A_762 = vector.multi_reduction <add>, %reduce_sum3A_760, %reduce_sum3A_761 [1, 2] : vector<1x1x1024xf32> to vector<1xf32>
    %reduce_sum3A_763 = vector.shape_cast %reduce_sum3A_762 : vector<1xf32> to vector<1x1x1xf32>
    %reduce_sum3A_764 = vector.extract %reduce_sum3A_763[0, 0, 0] : f32 from vector<1x1x1xf32>
    %div3A_765 = arith.constant 1.000000e+00 : f32
    %div3A_766 = arith.divf %div3A_765, %reduce_sum3A_764 : f32
    %dot_general3A_767 = arith.constant dense<0.000000e+00> : vector<1x128xf32>
    %dot_general3A_768 = tpu.matmul %exp3A_759, %get3A_730, %dot_general3A_767 {dimension_numbers = #tpu.dot_dimension_numbers<[1], [0], [0], [1], [0, 0, 1, 1], [], []>, transpose_lhs_hint = false} : vector<1x1024xf32>, vector<1024x128xf32>, vector<1x128xf32> -> vector<1x128xf32>
    %mul3A_769 = vector.broadcast %div3A_766 : f32 to vector<1x128xf32>
    %mul3A_770 = arith.mulf %dot_general3A_768, %mul3A_769 : vector<1x128xf32>
    %ge3A_771 = arith.constant 0.000000e+00 : f32
    %ge3A_772 = vector.broadcast %ge3A_771 : f32 to vector<1x128xf32>
    %ge3A_773 = arith.cmpf oge, %mul3A_770, %ge3A_772 : vector<1x128xf32>
    %mul3A_774 = arith.constant 0.00999999977 : f32
    %mul3A_775 = vector.broadcast %mul3A_774 : f32 to vector<1x128xf32>
    %mul3A_776 = arith.mulf %mul3A_775, %mul3A_770 : vector<1x128xf32>
    %select_n3A_777 = arith.select %ge3A_773, %mul3A_770, %mul3A_776 : vector<1x128xi1>, vector<1x128xf32>
    %tanh3A_778 = math.tanh %select_n3A_777 : vector<1x128xf32>
    %swap3A_779 = arith.constant 11 : index
    %swap3A_780 = arith.constant 0 : index
    %swap3A_781 = arith.constant 0 : index
    %swap3A_782 = vector.load %arg5[%swap3A_779, %swap3A_780, %swap3A_781] : memref<16x1x128xf32, #tpu.memory_space<vmem>>, vector<1x1x128xf32>
    %swap3A_783 = vector.shape_cast %swap3A_782 : vector<1x1x128xf32> to vector<1x128xf32>
    %swap3A_784 = vector.shape_cast %tanh3A_778 : vector<1x128xf32> to vector<1x1x128xf32>
    tpu.vector_store %arg5[%swap3A_779, %swap3A_780, %swap3A_781], %swap3A_784 {strides = array<i32>} : memref<16x1x128xf32, #tpu.memory_space<vmem>>, vector<1x1x128xf32>,
    %mul3A_785 = vector.broadcast %div3A_766 : f32 to vector<1x1024xf32>
    %mul3A_786 = arith.mulf %exp3A_759, %mul3A_785 : vector<1x1024xf32>
    %swap3A_787 = arith.constant 11 : index
    %swap3A_788 = arith.constant 0 : index
    %swap3A_789 = arith.constant 0 : index
    %swap3A_790 = vector.load %arg6[%swap3A_787, %swap3A_788, %swap3A_789] : memref<16x1x1024xf32, #tpu.memory_space<vmem>>, vector<1x1x1024xf32>
    %swap3A_791 = vector.shape_cast %swap3A_790 : vector<1x1x1024xf32> to vector<1x1024xf32>
    %swap3A_792 = vector.shape_cast %mul3A_786 : vector<1x1024xf32> to vector<1x1x1024xf32>
    tpu.vector_store %arg6[%swap3A_787, %swap3A_788, %swap3A_789], %swap3A_792 {strides = array<i32>} : memref<16x1x1024xf32, #tpu.memory_space<vmem>>, vector<1x1x1024xf32>,
    %get3A_793 = arith.constant 12 : index
    %get3A_794 = arith.constant 0 : index
    %get3A_795 = arith.constant 0 : index
    %get3A_796 = vector.load %arg1[%get3A_793, %get3A_794, %get3A_795] : memref<16x1024x128xf32, #tpu.memory_space<vmem>>, vector<1x1024x128xf32>
    %get3A_797 = vector.shape_cast %get3A_796 : vector<1x1024x128xf32> to vector<1024x128xf32>
    %get3A_798 = arith.constant 12 : index
    %get3A_799 = arith.constant 0 : index
    %get3A_800 = arith.constant 0 : index
    %get3A_801 = vector.load %arg2[%get3A_798, %get3A_799, %get3A_800] : memref<16x16x128xf32, #tpu.memory_space<vmem>>, vector<1x16x128xf32>
    %get3A_802 = vector.shape_cast %get3A_801 : vector<1x16x128xf32> to vector<16x128xf32>
    %get3A_803 = arith.constant 12 : index
    %get3A_804 = arith.constant 0 : index
    %get3A_805 = arith.constant 0 : index
    %get3A_806 = vector.load %arg3[%get3A_803, %get3A_804, %get3A_805] : memref<16x16x1xf32, #tpu.memory_space<vmem>>, vector<1x16x1xf32>
    %get3A_807 = vector.shape_cast %get3A_806 : vector<1x16x1xf32> to vector<16x1xf32>
    %get3A_808 = arith.constant 12 : index
    %get3A_809 = arith.constant 0 : index
    %get3A_810 = arith.constant 0 : index
    %get3A_811 = vector.load %arg4[%get3A_808, %get3A_809, %get3A_810] : memref<16x16x1xf32, #tpu.memory_space<vmem>>, vector<1x16x1xf32>
    %get3A_812 = vector.shape_cast %get3A_811 : vector<1x16x1xf32> to vector<16x1xf32>
    %dot_general3A_813 = arith.constant dense<0.000000e+00> : vector<16x1024xf32>
    %dot_general3A_814 = tpu.matmul %get3A_802, %get3A_797, %dot_general3A_813 {dimension_numbers = #tpu.dot_dimension_numbers<[1], [1], [0], [0], [0, 0, 1, 0], [], []>, transpose_lhs_hint = false} : vector<16x128xf32>, vector<1024x128xf32>, vector<16x1024xf32> -> vector<16x1024xf32>
    %add3A_815 = vector.broadcast %get3A_807 : vector<16x1xf32> to vector<16x1024xf32>
    %add3A_816 = arith.addf %dot_general3A_814, %add3A_815 : vector<16x1024xf32>
    %ge3A_817 = arith.constant 0.000000e+00 : f32
    %ge3A_818 = vector.broadcast %ge3A_817 : f32 to vector<16x1024xf32>
    %ge3A_819 = arith.cmpf oge, %add3A_816, %ge3A_818 : vector<16x1024xf32>
    %mul3A_820 = arith.constant 0.00999999977 : f32
    %mul3A_821 = vector.broadcast %mul3A_820 : f32 to vector<16x1024xf32>
    %mul3A_822 = arith.mulf %mul3A_821, %add3A_816 : vector<16x1024xf32>
    %select_n3A_823 = arith.select %ge3A_819, %add3A_816, %mul3A_822 : vector<16x1024xi1>, vector<16x1024xf32>
    %dot_general3A_824 = arith.constant dense<0.000000e+00> : vector<1x1024xf32>
    %dot_general3A_825 = tpu.matmul %get3A_812, %select_n3A_823, %dot_general3A_824 {dimension_numbers = #tpu.dot_dimension_numbers<[0], [0], [1], [1], [0, 1, 1, 1], [], []>, transpose_lhs_hint = false} : vector<16x1xf32>, vector<16x1024xf32>, vector<1x1024xf32> -> vector<1x1024xf32>
    %exp3A_826 = math.exp %dot_general3A_825 : vector<1x1024xf32>
    %reduce_sum3A_827 = vector.shape_cast %exp3A_826 : vector<1x1024xf32> to vector<1x1x1024xf32>
    %reduce_sum3A_828 = arith.constant dense<0.000000e+00> : vector<1xf32>
    %reduce_sum3A_829 = vector.multi_reduction <add>, %reduce_sum3A_827, %reduce_sum3A_828 [1, 2] : vector<1x1x1024xf32> to vector<1xf32>
    %reduce_sum3A_830 = vector.shape_cast %reduce_sum3A_829 : vector<1xf32> to vector<1x1x1xf32>
    %reduce_sum3A_831 = vector.extract %reduce_sum3A_830[0, 0, 0] : f32 from vector<1x1x1xf32>
    %div3A_832 = arith.constant 1.000000e+00 : f32
    %div3A_833 = arith.divf %div3A_832, %reduce_sum3A_831 : f32
    %dot_general3A_834 = arith.constant dense<0.000000e+00> : vector<1x128xf32>
    %dot_general3A_835 = tpu.matmul %exp3A_826, %get3A_797, %dot_general3A_834 {dimension_numbers = #tpu.dot_dimension_numbers<[1], [0], [0], [1], [0, 0, 1, 1], [], []>, transpose_lhs_hint = false} : vector<1x1024xf32>, vector<1024x128xf32>, vector<1x128xf32> -> vector<1x128xf32>
    %mul3A_836 = vector.broadcast %div3A_833 : f32 to vector<1x128xf32>
    %mul3A_837 = arith.mulf %dot_general3A_835, %mul3A_836 : vector<1x128xf32>
    %ge3A_838 = arith.constant 0.000000e+00 : f32
    %ge3A_839 = vector.broadcast %ge3A_838 : f32 to vector<1x128xf32>
    %ge3A_840 = arith.cmpf oge, %mul3A_837, %ge3A_839 : vector<1x128xf32>
    %mul3A_841 = arith.constant 0.00999999977 : f32
    %mul3A_842 = vector.broadcast %mul3A_841 : f32 to vector<1x128xf32>
    %mul3A_843 = arith.mulf %mul3A_842, %mul3A_837 : vector<1x128xf32>
    %select_n3A_844 = arith.select %ge3A_840, %mul3A_837, %mul3A_843 : vector<1x128xi1>, vector<1x128xf32>
    %tanh3A_845 = math.tanh %select_n3A_844 : vector<1x128xf32>
    %swap3A_846 = arith.constant 12 : index
    %swap3A_847 = arith.constant 0 : index
    %swap3A_848 = arith.constant 0 : index
    %swap3A_849 = vector.load %arg5[%swap3A_846, %swap3A_847, %swap3A_848] : memref<16x1x128xf32, #tpu.memory_space<vmem>>, vector<1x1x128xf32>
    %swap3A_850 = vector.shape_cast %swap3A_849 : vector<1x1x128xf32> to vector<1x128xf32>
    %swap3A_851 = vector.shape_cast %tanh3A_845 : vector<1x128xf32> to vector<1x1x128xf32>
    tpu.vector_store %arg5[%swap3A_846, %swap3A_847, %swap3A_848], %swap3A_851 {strides = array<i32>} : memref<16x1x128xf32, #tpu.memory_space<vmem>>, vector<1x1x128xf32>,
    %mul3A_852 = vector.broadcast %div3A_833 : f32 to vector<1x1024xf32>
    %mul3A_853 = arith.mulf %exp3A_826, %mul3A_852 : vector<1x1024xf32>
    %swap3A_854 = arith.constant 12 : index
    %swap3A_855 = arith.constant 0 : index
    %swap3A_856 = arith.constant 0 : index
    %swap3A_857 = vector.load %arg6[%swap3A_854, %swap3A_855, %swap3A_856] : memref<16x1x1024xf32, #tpu.memory_space<vmem>>, vector<1x1x1024xf32>
    %swap3A_858 = vector.shape_cast %swap3A_857 : vector<1x1x1024xf32> to vector<1x1024xf32>
    %swap3A_859 = vector.shape_cast %mul3A_853 : vector<1x1024xf32> to vector<1x1x1024xf32>
    tpu.vector_store %arg6[%swap3A_854, %swap3A_855, %swap3A_856], %swap3A_859 {strides = array<i32>} : memref<16x1x1024xf32, #tpu.memory_space<vmem>>, vector<1x1x1024xf32>,
    %get3A_860 = arith.constant 13 : index
    %get3A_861 = arith.constant 0 : index
    %get3A_862 = arith.constant 0 : index
    %get3A_863 = vector.load %arg1[%get3A_860, %get3A_861, %get3A_862] : memref<16x1024x128xf32, #tpu.memory_space<vmem>>, vector<1x1024x128xf32>
    %get3A_864 = vector.shape_cast %get3A_863 : vector<1x1024x128xf32> to vector<1024x128xf32>
    %get3A_865 = arith.constant 13 : index
    %get3A_866 = arith.constant 0 : index
    %get3A_867 = arith.constant 0 : index
    %get3A_868 = vector.load %arg2[%get3A_865, %get3A_866, %get3A_867] : memref<16x16x128xf32, #tpu.memory_space<vmem>>, vector<1x16x128xf32>
    %get3A_869 = vector.shape_cast %get3A_868 : vector<1x16x128xf32> to vector<16x128xf32>
    %get3A_870 = arith.constant 13 : index
    %get3A_871 = arith.constant 0 : index
    %get3A_872 = arith.constant 0 : index
    %get3A_873 = vector.load %arg3[%get3A_870, %get3A_871, %get3A_872] : memref<16x16x1xf32, #tpu.memory_space<vmem>>, vector<1x16x1xf32>
    %get3A_874 = vector.shape_cast %get3A_873 : vector<1x16x1xf32> to vector<16x1xf32>
    %get3A_875 = arith.constant 13 : index
    %get3A_876 = arith.constant 0 : index
    %get3A_877 = arith.constant 0 : index
    %get3A_878 = vector.load %arg4[%get3A_875, %get3A_876, %get3A_877] : memref<16x16x1xf32, #tpu.memory_space<vmem>>, vector<1x16x1xf32>
    %get3A_879 = vector.shape_cast %get3A_878 : vector<1x16x1xf32> to vector<16x1xf32>
    %dot_general3A_880 = arith.constant dense<0.000000e+00> : vector<16x1024xf32>
    %dot_general3A_881 = tpu.matmul %get3A_869, %get3A_864, %dot_general3A_880 {dimension_numbers = #tpu.dot_dimension_numbers<[1], [1], [0], [0], [0, 0, 1, 0], [], []>, transpose_lhs_hint = false} : vector<16x128xf32>, vector<1024x128xf32>, vector<16x1024xf32> -> vector<16x1024xf32>
    %add3A_882 = vector.broadcast %get3A_874 : vector<16x1xf32> to vector<16x1024xf32>
    %add3A_883 = arith.addf %dot_general3A_881, %add3A_882 : vector<16x1024xf32>
    %ge3A_884 = arith.constant 0.000000e+00 : f32
    %ge3A_885 = vector.broadcast %ge3A_884 : f32 to vector<16x1024xf32>
    %ge3A_886 = arith.cmpf oge, %add3A_883, %ge3A_885 : vector<16x1024xf32>
    %mul3A_887 = arith.constant 0.00999999977 : f32
    %mul3A_888 = vector.broadcast %mul3A_887 : f32 to vector<16x1024xf32>
    %mul3A_889 = arith.mulf %mul3A_888, %add3A_883 : vector<16x1024xf32>
    %select_n3A_890 = arith.select %ge3A_886, %add3A_883, %mul3A_889 : vector<16x1024xi1>, vector<16x1024xf32>
    %dot_general3A_891 = arith.constant dense<0.000000e+00> : vector<1x1024xf32>
    %dot_general3A_892 = tpu.matmul %get3A_879, %select_n3A_890, %dot_general3A_891 {dimension_numbers = #tpu.dot_dimension_numbers<[0], [0], [1], [1], [0, 1, 1, 1], [], []>, transpose_lhs_hint = false} : vector<16x1xf32>, vector<16x1024xf32>, vector<1x1024xf32> -> vector<1x1024xf32>
    %exp3A_893 = math.exp %dot_general3A_892 : vector<1x1024xf32>
    %reduce_sum3A_894 = vector.shape_cast %exp3A_893 : vector<1x1024xf32> to vector<1x1x1024xf32>
    %reduce_sum3A_895 = arith.constant dense<0.000000e+00> : vector<1xf32>
    %reduce_sum3A_896 = vector.multi_reduction <add>, %reduce_sum3A_894, %reduce_sum3A_895 [1, 2] : vector<1x1x1024xf32> to vector<1xf32>
    %reduce_sum3A_897 = vector.shape_cast %reduce_sum3A_896 : vector<1xf32> to vector<1x1x1xf32>
    %reduce_sum3A_898 = vector.extract %reduce_sum3A_897[0, 0, 0] : f32 from vector<1x1x1xf32>
    %div3A_899 = arith.constant 1.000000e+00 : f32
    %div3A_900 = arith.divf %div3A_899, %reduce_sum3A_898 : f32
    %dot_general3A_901 = arith.constant dense<0.000000e+00> : vector<1x128xf32>
    %dot_general3A_902 = tpu.matmul %exp3A_893, %get3A_864, %dot_general3A_901 {dimension_numbers = #tpu.dot_dimension_numbers<[1], [0], [0], [1], [0, 0, 1, 1], [], []>, transpose_lhs_hint = false} : vector<1x1024xf32>, vector<1024x128xf32>, vector<1x128xf32> -> vector<1x128xf32>
    %mul3A_903 = vector.broadcast %div3A_900 : f32 to vector<1x128xf32>
    %mul3A_904 = arith.mulf %dot_general3A_902, %mul3A_903 : vector<1x128xf32>
    %ge3A_905 = arith.constant 0.000000e+00 : f32
    %ge3A_906 = vector.broadcast %ge3A_905 : f32 to vector<1x128xf32>
    %ge3A_907 = arith.cmpf oge, %mul3A_904, %ge3A_906 : vector<1x128xf32>
    %mul3A_908 = arith.constant 0.00999999977 : f32
    %mul3A_909 = vector.broadcast %mul3A_908 : f32 to vector<1x128xf32>
    %mul3A_910 = arith.mulf %mul3A_909, %mul3A_904 : vector<1x128xf32>
    %select_n3A_911 = arith.select %ge3A_907, %mul3A_904, %mul3A_910 : vector<1x128xi1>, vector<1x128xf32>
    %tanh3A_912 = math.tanh %select_n3A_911 : vector<1x128xf32>
    %swap3A_913 = arith.constant 13 : index
    %swap3A_914 = arith.constant 0 : index
    %swap3A_915 = arith.constant 0 : index
    %swap3A_916 = vector.load %arg5[%swap3A_913, %swap3A_914, %swap3A_915] : memref<16x1x128xf32, #tpu.memory_space<vmem>>, vector<1x1x128xf32>
    %swap3A_917 = vector.shape_cast %swap3A_916 : vector<1x1x128xf32> to vector<1x128xf32>
    %swap3A_918 = vector.shape_cast %tanh3A_912 : vector<1x128xf32> to vector<1x1x128xf32>
    tpu.vector_store %arg5[%swap3A_913, %swap3A_914, %swap3A_915], %swap3A_918 {strides = array<i32>} : memref<16x1x128xf32, #tpu.memory_space<vmem>>, vector<1x1x128xf32>,
    %mul3A_919 = vector.broadcast %div3A_900 : f32 to vector<1x1024xf32>
    %mul3A_920 = arith.mulf %exp3A_893, %mul3A_919 : vector<1x1024xf32>
    %swap3A_921 = arith.constant 13 : index
    %swap3A_922 = arith.constant 0 : index
    %swap3A_923 = arith.constant 0 : index
    %swap3A_924 = vector.load %arg6[%swap3A_921, %swap3A_922, %swap3A_923] : memref<16x1x1024xf32, #tpu.memory_space<vmem>>, vector<1x1x1024xf32>
    %swap3A_925 = vector.shape_cast %swap3A_924 : vector<1x1x1024xf32> to vector<1x1024xf32>
    %swap3A_926 = vector.shape_cast %mul3A_920 : vector<1x1024xf32> to vector<1x1x1024xf32>
    tpu.vector_store %arg6[%swap3A_921, %swap3A_922, %swap3A_923], %swap3A_926 {strides = array<i32>} : memref<16x1x1024xf32, #tpu.memory_space<vmem>>, vector<1x1x1024xf32>,
    %get3A_927 = arith.constant 14 : index
    %get3A_928 = arith.constant 0 : index
    %get3A_929 = arith.constant 0 : index
    %get3A_930 = vector.load %arg1[%get3A_927, %get3A_928, %get3A_929] : memref<16x1024x128xf32, #tpu.memory_space<vmem>>, vector<1x1024x128xf32>
    %get3A_931 = vector.shape_cast %get3A_930 : vector<1x1024x128xf32> to vector<1024x128xf32>
    %get3A_932 = arith.constant 14 : index
    %get3A_933 = arith.constant 0 : index
    %get3A_934 = arith.constant 0 : index
    %get3A_935 = vector.load %arg2[%get3A_932, %get3A_933, %get3A_934] : memref<16x16x128xf32, #tpu.memory_space<vmem>>, vector<1x16x128xf32>
    %get3A_936 = vector.shape_cast %get3A_935 : vector<1x16x128xf32> to vector<16x128xf32>
    %get3A_937 = arith.constant 14 : index
    %get3A_938 = arith.constant 0 : index
    %get3A_939 = arith.constant 0 : index
    %get3A_940 = vector.load %arg3[%get3A_937, %get3A_938, %get3A_939] : memref<16x16x1xf32, #tpu.memory_space<vmem>>, vector<1x16x1xf32>
    %get3A_941 = vector.shape_cast %get3A_940 : vector<1x16x1xf32> to vector<16x1xf32>
    %get3A_942 = arith.constant 14 : index
    %get3A_943 = arith.constant 0 : index
    %get3A_944 = arith.constant 0 : index
    %get3A_945 = vector.load %arg4[%get3A_942, %get3A_943, %get3A_944] : memref<16x16x1xf32, #tpu.memory_space<vmem>>, vector<1x16x1xf32>
    %get3A_946 = vector.shape_cast %get3A_945 : vector<1x16x1xf32> to vector<16x1xf32>
    %dot_general3A_947 = arith.constant dense<0.000000e+00> : vector<16x1024xf32>
    %dot_general3A_948 = tpu.matmul %get3A_936, %get3A_931, %dot_general3A_947 {dimension_numbers = #tpu.dot_dimension_numbers<[1], [1], [0], [0], [0, 0, 1, 0], [], []>, transpose_lhs_hint = false} : vector<16x128xf32>, vector<1024x128xf32>, vector<16x1024xf32> -> vector<16x1024xf32>
    %add3A_949 = vector.broadcast %get3A_941 : vector<16x1xf32> to vector<16x1024xf32>
    %add3A_950 = arith.addf %dot_general3A_948, %add3A_949 : vector<16x1024xf32>
    %ge3A_951 = arith.constant 0.000000e+00 : f32
    %ge3A_952 = vector.broadcast %ge3A_951 : f32 to vector<16x1024xf32>
    %ge3A_953 = arith.cmpf oge, %add3A_950, %ge3A_952 : vector<16x1024xf32>
    %mul3A_954 = arith.constant 0.00999999977 : f32
    %mul3A_955 = vector.broadcast %mul3A_954 : f32 to vector<16x1024xf32>
    %mul3A_956 = arith.mulf %mul3A_955, %add3A_950 : vector<16x1024xf32>
    %select_n3A_957 = arith.select %ge3A_953, %add3A_950, %mul3A_956 : vector<16x1024xi1>, vector<16x1024xf32>
    %dot_general3A_958 = arith.constant dense<0.000000e+00> : vector<1x1024xf32>
    %dot_general3A_959 = tpu.matmul %get3A_946, %select_n3A_957, %dot_general3A_958 {dimension_numbers = #tpu.dot_dimension_numbers<[0], [0], [1], [1], [0, 1, 1, 1], [], []>, transpose_lhs_hint = false} : vector<16x1xf32>, vector<16x1024xf32>, vector<1x1024xf32> -> vector<1x1024xf32>
    %exp3A_960 = math.exp %dot_general3A_959 : vector<1x1024xf32>
    %reduce_sum3A_961 = vector.shape_cast %exp3A_960 : vector<1x1024xf32> to vector<1x1x1024xf32>
    %reduce_sum3A_962 = arith.constant dense<0.000000e+00> : vector<1xf32>
    %reduce_sum3A_963 = vector.multi_reduction <add>, %reduce_sum3A_961, %reduce_sum3A_962 [1, 2] : vector<1x1x1024xf32> to vector<1xf32>
    %reduce_sum3A_964 = vector.shape_cast %reduce_sum3A_963 : vector<1xf32> to vector<1x1x1xf32>
    %reduce_sum3A_965 = vector.extract %reduce_sum3A_964[0, 0, 0] : f32 from vector<1x1x1xf32>
    %div3A_966 = arith.constant 1.000000e+00 : f32
    %div3A_967 = arith.divf %div3A_966, %reduce_sum3A_965 : f32
    %dot_general3A_968 = arith.constant dense<0.000000e+00> : vector<1x128xf32>
    %dot_general3A_969 = tpu.matmul %exp3A_960, %get3A_931, %dot_general3A_968 {dimension_numbers = #tpu.dot_dimension_numbers<[1], [0], [0], [1], [0, 0, 1, 1], [], []>, transpose_lhs_hint = false} : vector<1x1024xf32>, vector<1024x128xf32>, vector<1x128xf32> -> vector<1x128xf32>
    %mul3A_970 = vector.broadcast %div3A_967 : f32 to vector<1x128xf32>
    %mul3A_971 = arith.mulf %dot_general3A_969, %mul3A_970 : vector<1x128xf32>
    %ge3A_972 = arith.constant 0.000000e+00 : f32
    %ge3A_973 = vector.broadcast %ge3A_972 : f32 to vector<1x128xf32>
    %ge3A_974 = arith.cmpf oge, %mul3A_971, %ge3A_973 : vector<1x128xf32>
    %mul3A_975 = arith.constant 0.00999999977 : f32
    %mul3A_976 = vector.broadcast %mul3A_975 : f32 to vector<1x128xf32>
    %mul3A_977 = arith.mulf %mul3A_976, %mul3A_971 : vector<1x128xf32>
    %select_n3A_978 = arith.select %ge3A_974, %mul3A_971, %mul3A_977 : vector<1x128xi1>, vector<1x128xf32>
    %tanh3A_979 = math.tanh %select_n3A_978 : vector<1x128xf32>
    %swap3A_980 = arith.constant 14 : index
    %swap3A_981 = arith.constant 0 : index
    %swap3A_982 = arith.constant 0 : index
    %swap3A_983 = vector.load %arg5[%swap3A_980, %swap3A_981, %swap3A_982] : memref<16x1x128xf32, #tpu.memory_space<vmem>>, vector<1x1x128xf32>
    %swap3A_984 = vector.shape_cast %swap3A_983 : vector<1x1x128xf32> to vector<1x128xf32>
    %swap3A_985 = vector.shape_cast %tanh3A_979 : vector<1x128xf32> to vector<1x1x128xf32>
    tpu.vector_store %arg5[%swap3A_980, %swap3A_981, %swap3A_982], %swap3A_985 {strides = array<i32>} : memref<16x1x128xf32, #tpu.memory_space<vmem>>, vector<1x1x128xf32>,
    %mul3A_986 = vector.broadcast %div3A_967 : f32 to vector<1x1024xf32>
    %mul3A_987 = arith.mulf %exp3A_960, %mul3A_986 : vector<1x1024xf32>
    %swap3A_988 = arith.constant 14 : index
    %swap3A_989 = arith.constant 0 : index
    %swap3A_990 = arith.constant 0 : index
    %swap3A_991 = vector.load %arg6[%swap3A_988, %swap3A_989, %swap3A_990] : memref<16x1x1024xf32, #tpu.memory_space<vmem>>, vector<1x1x1024xf32>
    %swap3A_992 = vector.shape_cast %swap3A_991 : vector<1x1x1024xf32> to vector<1x1024xf32>
    %swap3A_993 = vector.shape_cast %mul3A_987 : vector<1x1024xf32> to vector<1x1x1024xf32>
    tpu.vector_store %arg6[%swap3A_988, %swap3A_989, %swap3A_990], %swap3A_993 {strides = array<i32>} : memref<16x1x1024xf32, #tpu.memory_space<vmem>>, vector<1x1x1024xf32>,
    %get3A_994 = arith.constant 15 : index
    %get3A_995 = arith.constant 0 : index
    %get3A_996 = arith.constant 0 : index
    %get3A_997 = vector.load %arg1[%get3A_994, %get3A_995, %get3A_996] : memref<16x1024x128xf32, #tpu.memory_space<vmem>>, vector<1x1024x128xf32>
    %get3A_998 = vector.shape_cast %get3A_997 : vector<1x1024x128xf32> to vector<1024x128xf32>
    %get3A_999 = arith.constant 15 : index
    %get3A_1000 = arith.constant 0 : index
    %get3A_1001 = arith.constant 0 : index
    %get3A_1002 = vector.load %arg2[%get3A_999, %get3A_1000, %get3A_1001] : memref<16x16x128xf32, #tpu.memory_space<vmem>>, vector<1x16x128xf32>
    %get3A_1003 = vector.shape_cast %get3A_1002 : vector<1x16x128xf32> to vector<16x128xf32>
    %get3A_1004 = arith.constant 15 : index
    %get3A_1005 = arith.constant 0 : index
    %get3A_1006 = arith.constant 0 : index
    %get3A_1007 = vector.load %arg3[%get3A_1004, %get3A_1005, %get3A_1006] : memref<16x16x1xf32, #tpu.memory_space<vmem>>, vector<1x16x1xf32>
    %get3A_1008 = vector.shape_cast %get3A_1007 : vector<1x16x1xf32> to vector<16x1xf32>
    %get3A_1009 = arith.constant 15 : index
    %get3A_1010 = arith.constant 0 : index
    %get3A_1011 = arith.constant 0 : index
    %get3A_1012 = vector.load %arg4[%get3A_1009, %get3A_1010, %get3A_1011] : memref<16x16x1xf32, #tpu.memory_space<vmem>>, vector<1x16x1xf32>
    %get3A_1013 = vector.shape_cast %get3A_1012 : vector<1x16x1xf32> to vector<16x1xf32>
    %dot_general3A_1014 = arith.constant dense<0.000000e+00> : vector<16x1024xf32>
    %dot_general3A_1015 = tpu.matmul %get3A_1003, %get3A_998, %dot_general3A_1014 {dimension_numbers = #tpu.dot_dimension_numbers<[1], [1], [0], [0], [0, 0, 1, 0], [], []>, transpose_lhs_hint = false} : vector<16x128xf32>, vector<1024x128xf32>, vector<16x1024xf32> -> vector<16x1024xf32>
    %add3A_1016 = vector.broadcast %get3A_1008 : vector<16x1xf32> to vector<16x1024xf32>
    %add3A_1017 = arith.addf %dot_general3A_1015, %add3A_1016 : vector<16x1024xf32>
    %ge3A_1018 = arith.constant 0.000000e+00 : f32
    %ge3A_1019 = vector.broadcast %ge3A_1018 : f32 to vector<16x1024xf32>
    %ge3A_1020 = arith.cmpf oge, %add3A_1017, %ge3A_1019 : vector<16x1024xf32>
    %mul3A_1021 = arith.constant 0.00999999977 : f32
    %mul3A_1022 = vector.broadcast %mul3A_1021 : f32 to vector<16x1024xf32>
    %mul3A_1023 = arith.mulf %mul3A_1022, %add3A_1017 : vector<16x1024xf32>
    %select_n3A_1024 = arith.select %ge3A_1020, %add3A_1017, %mul3A_1023 : vector<16x1024xi1>, vector<16x1024xf32>
    %dot_general3A_1025 = arith.constant dense<0.000000e+00> : vector<1x1024xf32>
    %dot_general3A_1026 = tpu.matmul %get3A_1013, %select_n3A_1024, %dot_general3A_1025 {dimension_numbers = #tpu.dot_dimension_numbers<[0], [0], [1], [1], [0, 1, 1, 1], [], []>, transpose_lhs_hint = false} : vector<16x1xf32>, vector<16x1024xf32>, vector<1x1024xf32> -> vector<1x1024xf32>
    %exp3A_1027 = math.exp %dot_general3A_1026 : vector<1x1024xf32>
    %reduce_sum3A_1028 = vector.shape_cast %exp3A_1027 : vector<1x1024xf32> to vector<1x1x1024xf32>
    %reduce_sum3A_1029 = arith.constant dense<0.000000e+00> : vector<1xf32>
    %reduce_sum3A_1030 = vector.multi_reduction <add>, %reduce_sum3A_1028, %reduce_sum3A_1029 [1, 2] : vector<1x1x1024xf32> to vector<1xf32>
    %reduce_sum3A_1031 = vector.shape_cast %reduce_sum3A_1030 : vector<1xf32> to vector<1x1x1xf32>
    %reduce_sum3A_1032 = vector.extract %reduce_sum3A_1031[0, 0, 0] : f32 from vector<1x1x1xf32>
    %div3A_1033 = arith.constant 1.000000e+00 : f32
    %div3A_1034 = arith.divf %div3A_1033, %reduce_sum3A_1032 : f32
    %dot_general3A_1035 = arith.constant dense<0.000000e+00> : vector<1x128xf32>
    %dot_general3A_1036 = tpu.matmul %exp3A_1027, %get3A_998, %dot_general3A_1035 {dimension_numbers = #tpu.dot_dimension_numbers<[1], [0], [0], [1], [0, 0, 1, 1], [], []>, transpose_lhs_hint = false} : vector<1x1024xf32>, vector<1024x128xf32>, vector<1x128xf32> -> vector<1x128xf32>
    %mul3A_1037 = vector.broadcast %div3A_1034 : f32 to vector<1x128xf32>
    %mul3A_1038 = arith.mulf %dot_general3A_1036, %mul3A_1037 : vector<1x128xf32>
    %ge3A_1039 = arith.constant 0.000000e+00 : f32
    %ge3A_1040 = vector.broadcast %ge3A_1039 : f32 to vector<1x128xf32>
    %ge3A_1041 = arith.cmpf oge, %mul3A_1038, %ge3A_1040 : vector<1x128xf32>
    %mul3A_1042 = arith.constant 0.00999999977 : f32
    %mul3A_1043 = vector.broadcast %mul3A_1042 : f32 to vector<1x128xf32>
    %mul3A_1044 = arith.mulf %mul3A_1043, %mul3A_1038 : vector<1x128xf32>
    %select_n3A_1045 = arith.select %ge3A_1041, %mul3A_1038, %mul3A_1044 : vector<1x128xi1>, vector<1x128xf32>
    %tanh3A_1046 = math.tanh %select_n3A_1045 : vector<1x128xf32>
    %swap3A_1047 = arith.constant 15 : index
    %swap3A_1048 = arith.constant 0 : index
    %swap3A_1049 = arith.constant 0 : index
    %swap3A_1050 = vector.load %arg5[%swap3A_1047, %swap3A_1048, %swap3A_1049] : memref<16x1x128xf32, #tpu.memory_space<vmem>>, vector<1x1x128xf32>
    %swap3A_1051 = vector.shape_cast %swap3A_1050 : vector<1x1x128xf32> to vector<1x128xf32>
    %swap3A_1052 = vector.shape_cast %tanh3A_1046 : vector<1x128xf32> to vector<1x1x128xf32>
    tpu.vector_store %arg5[%swap3A_1047, %swap3A_1048, %swap3A_1049], %swap3A_1052 {strides = array<i32>} : memref<16x1x128xf32, #tpu.memory_space<vmem>>, vector<1x1x128xf32>,
    %mul3A_1053 = vector.broadcast %div3A_1034 : f32 to vector<1x1024xf32>
    %mul3A_1054 = arith.mulf %exp3A_1027, %mul3A_1053 : vector<1x1024xf32>
    %swap3A_1055 = arith.constant 15 : index
    %swap3A_1056 = arith.constant 0 : index
    %swap3A_1057 = arith.constant 0 : index
    %swap3A_1058 = vector.load %arg6[%swap3A_1055, %swap3A_1056, %swap3A_1057] : memref<16x1x1024xf32, #tpu.memory_space<vmem>>, vector<1x1x1024xf32>
    %swap3A_1059 = vector.shape_cast %swap3A_1058 : vector<1x1x1024xf32> to vector<1x1024xf32>
    %swap3A_1060 = vector.shape_cast %mul3A_1054 : vector<1x1024xf32> to vector<1x1x1024xf32>
    tpu.vector_store %arg6[%swap3A_1055, %swap3A_1056, %swap3A_1057], %swap3A_1060 {strides = array<i32>} : memref<16x1x1024xf32, #tpu.memory_space<vmem>>, vector<1x1x1024xf32>,
    return
  }
  func.func @transform_0(%arg0: i32) -> (i32, i32, i32) {
    %c0_i32 = arith.constant 0 : i32
    %c0_i32_0 = arith.constant 0 : i32
    %c0_i32_1 = arith.constant 0 : i32
    return %arg0, %c0_i32, %c0_i32_0 : i32, i32, i32
  }
  func.func @transform_1(%arg0: i32) -> (i32, i32, i32) {
    %c0_i32 = arith.constant 0 : i32
    %c0_i32_0 = arith.constant 0 : i32
    %c0_i32_1 = arith.constant 0 : i32
    return %arg0, %c0_i32, %c0_i32_0 : i32, i32, i32
  }
  func.func @transform_2(%arg0: i32) -> (i32, i32, i32) {
    %c0_i32 = arith.constant 0 : i32
    %c0_i32_0 = arith.constant 0 : i32
    %c0_i32_1 = arith.constant 0 : i32
    return %arg0, %c0_i32, %c0_i32_0 : i32, i32, i32
  }
  func.func @transform_3(%arg0: i32) -> (i32, i32, i32) {
    %c0_i32 = arith.constant 0 : i32
    %c0_i32_0 = arith.constant 0 : i32
    %c0_i32_1 = arith.constant 0 : i32
    return %arg0, %c0_i32, %c0_i32_0 : i32, i32, i32
  }
  func.func @transform_4(%arg0: i32) -> (i32, i32, i32) {
    %c0_i32 = arith.constant 0 : i32
    %c0_i32_0 = arith.constant 0 : i32
    %c0_i32_1 = arith.constant 0 : i32
    return %arg0, %c0_i32, %c0_i32_0 : i32, i32, i32
  }
  func.func @transform_5(%arg0: i32) -> (i32, i32, i32) {
    %c0_i32 = arith.constant 0 : i32
    %c0_i32_0 = arith.constant 0 : i32
    %c0_i32_1 = arith.constant 0 : i32
    return %arg0, %c0_i32, %c0_i32_0 : i32, i32, i32
  }
}

</mosaic_0001>

<sc_bundles>
// kernel: kernel.6.cloned.1.call-start
scs
__scs_entry_jumppad:
0x0: {  	(pc) =	sbr.rel $0x88, $3  }
0x1: {  	(tag) =	ssettag $0x0;
	lr =	simm.s32 $0x1  }
0x2: {  	[smem:$0x3F9C] =	sst lr;
	_ =	strace $0xD0000000  }
0x3: {  	_ = 	snop  }
0x4: {  	_ = 	snop  }
0x5: {  	_ = 	snop  }
0x6: {  	_ = 	snop  }
0x7: {  	_ = 	snop  }
__scs_overlays_trampoline_lowered:
0x8: {  	[smem:$0x3FAB] =	sst s0  }
0x9: {  	[smem:$0x3FAC] =	sst s1  }
0xa: {  	[smem:$0x3FAD] =	sst s2  }
0xb: {  	[smem:$0x3FAE] =	sst s3  }
0xc: {  	[smem:$0x3FAF] =	sst s4  }
0xd: {  	[smem:$0x3FB0] =	sst s5  }
0xe: {  	[smem:$0x3FB1] =	sst s6  }
0xf: {  	[smem:$0x3FB2] =	sst s7  }
0x10: {  	[smem:$0x3FB3] =	sst s8  }
0x11: {  	[smem:$0x3FB4] =	sst s9;
	s0 =	simm.s32 @!p0 $0x0  }
0x12: {  	s1 =	sld [smem:$0x3F9A];
	s0 =	simm.s32 @p0 $0x1  }
0x13: {  	[smem:$0x3FB5] =	sst s0;
	s0 =	simm.s32 @!p1 $0x0  }
0x14: {  	s2 =	sld [smem:$0x3F99];
	s0 =	simm.s32 @p1 $0x1  }
0x15: {  	[smem:$0x3FB6] =	sst s0;
	s0 =	simm.s32 @!p2 $0x0  }
0x16: {  	s3 =	sld [smem:$0x3FDB];
	s0 =	simm.s32 @p2 $0x1  }
0x17: {  	s4 =	simm.s32 $0x1BF5;
	[smem:$0x3FB8] =	sst s0  }
0x18: {  	s0 =	sld [smem:$0x3F9B];
	_ =	swait.ge [sflag:s4], $0x0  }
0x19: {  	s7 =	sld [smem:$0x3F9C]  }
0x1a: {  	s8 =	sadd.s32 $0xFFFFE003, lr  }
0x1b: {  	s9 =	sadd.s32 $0xFFFFFEF7, lr;
	s5 =	simm.s32 $0xFFFFFFFF;
	p2 =	slt.u32 s8, $0xFFFFF086  }
0x1c: {  	p1 =	slt.u32 s9, $0xF7A;
	s5 =	simm.s32 @!p2 $0x0  }
0x1d: {  	s5 =	simm.s32 @p1 $0x1;
	p0 =	seq.s32 s7, s2  }
0x1e: {  	s7 =	smul.u32 @!p0 $0xF7A, s2;
	p2 =	seq.s32 @!p0 s5, $0x0  }
0x1f: {  	s9 =	smul.u32 $0xF7A, s1;
	s8 =	simm.s32 @!p0 $0x1BF5;
	p2 =	por !p2, p0  }
0x20: {  	[sflag:s8] =	ssyncset.s32 @!p0 $0xFFFFF086;
	s6 =	sadd.s32 @!p0 s3, s7;
	s7 =	simm.s32 @!p0 $0x108  }
0x21: {  	s3 =	sadd.s32 s3, s9;
	s6 =	sadd.s32 @!p0 $0x88, s6;
	s7 =	simm.s32 @p2 $0x1082  }
0x22: {  	[simem:s7], [sflag:s8] =	dma.local @!p0 [hbm:s6], $0xF7A  }
0x23: {  	s9 =	sor.u32 $0xD0000000, s2;
	s6 =	simm.s32 $0x108;
	_ =	swait.ge @!p0 [sflag:s8], $0x0  }
0x24: {  	s3 =	sadd.s32 $0x88, s3;
	s6 =	simm.s32 @!p1 $0x1082;
	[sflag:s4] =	ssyncset.s32 $0xFFFFF086  }
0x25: {  	[simem:s6], [sflag:s4] =	dma.local [hbm:s3], $0xF7A  }
0x26: {  	[smem:$0x3F9C] =	sst s1;
	(tag) =	ssettag s2;
	_ =	strace s9  }
0x27: {  	s1 =	sld [smem:$0x3FAC]  }
0x28: {  	s2 =	sld [smem:$0x3FAD]  }
0x29: {  	s4 =	sld [smem:$0x3FAF]  }
0x2a: {  	p0 =	seq.s32 s5, $0x0;
	s5 =	sld [smem:$0x3FB0]  }
0x2b: {  	s6 =	sld [smem:$0x3FB1]  }
0x2c: {  	s7 =	sld [smem:$0x3FB2]  }
0x2d: {  	s3 =	simm.s32 $0x108;
	s8 =	sld [smem:$0x3FB3]  }
0x2e: {  	s3 =	simm.s32 @!p0 $0x1082;
	s9 =	sld [smem:$0x3FB4]  }
0x2f: {  	lr =	sadd.s32 s0, s3;
	s0 =	sld [smem:$0x3FAB]  }
0x30: {  	s3 =	sld [smem:$0x3FAE]  }
0x31: {  	[smem:$0x3FB7] =	sst s10  }
0x32: {  	s10 =	sld [smem:$0x3FB5];
	_ =	sdelay $0x3  }
0x33: {  	p0 =	seq.s32 s10, $0x1;
	s10 =	sld [smem:$0x3FB7];
	_ =	sdelay $0x3  }
0x34: {  	[smem:$0x3FB7] =	sst s10  }
0x35: {  	s10 =	sld [smem:$0x3FB6];
	_ =	sdelay $0x3  }
0x36: {  	p1 =	seq.s32 s10, $0x1;
	s10 =	sld [smem:$0x3FB7];
	_ =	sdelay $0x3  }
0x37: {  	[smem:$0x3FB7] =	sst s10  }
0x38: {  	s10 =	sld [smem:$0x3FB8]  }
0x39: {  	_ = 	snop;
	(pc) =	sbr.ind lr, $3  }
0x3a: {  	_ = 	snop  }
0x3b: {  	_ = 	snop  }
0x3c: {  	p2 =	seq.s32 s10, $0x1;
	s10 =	sld [smem:$0x3FB7]  }
0x3d: {  	_ =	shalt  }
0x3e: {  	_ =	shalt  }
0x3f: {  	_ =	shalt  }
0x40: {  	_ =	shalt  }
0x41: {  	_ =	shalt  }
0x42: {  	_ =	shalt  }
0x43: {  	_ =	shalt  }
0x44: {  	_ =	shalt  }
0x45: {  	_ =	shalt  }
0x46: {  	_ =	shalt  }
0x47: {  	_ =	shalt  }
0x48: {  	_ =	shalt  }
0x49: {  	_ =	shalt  }
0x4a: {  	_ =	shalt  }
0x4b: {  	_ =	shalt  }
0x4c: {  	_ =	shalt  }
0x4d: {  	_ =	shalt  }
0x4e: {  	_ =	shalt  }
0x4f: {  	_ =	shalt  }
0x50: {  	_ =	shalt  }
0x51: {  	_ =	shalt  }
0x52: {  	_ =	shalt  }
0x53: {  	_ =	shalt  }
0x54: {  	_ =	shalt  }
0x55: {  	_ =	shalt  }
0x56: {  	_ =	shalt  }
0x57: {  	_ =	shalt  }
0x58: {  	_ =	shalt  }
0x59: {  	_ =	shalt  }
0x5a: {  	_ =	shalt  }
0x5b: {  	_ =	shalt  }
0x5c: {  	_ =	shalt  }
0x5d: {  	_ =	shalt  }
0x5e: {  	_ =	shalt  }
0x5f: {  	_ =	shalt  }
0x60: {  	_ =	shalt  }
0x61: {  	_ =	shalt  }
0x62: {  	_ =	shalt  }
0x63: {  	_ =	shalt  }
0x64: {  	_ =	shalt  }
0x65: {  	_ =	shalt  }
0x66: {  	_ =	shalt  }
0x67: {  	_ =	shalt  }
0x68: {  	_ =	shalt  }
0x69: {  	_ =	shalt  }
0x6a: {  	_ =	shalt  }
0x6b: {  	_ =	shalt  }
0x6c: {  	_ =	shalt  }
0x6d: {  	_ =	shalt  }
0x6e: {  	_ =	shalt  }
0x6f: {  	_ =	shalt  }
0x70: {  	_ =	shalt  }
0x71: {  	_ =	shalt  }
0x72: {  	_ =	shalt  }
0x73: {  	_ =	shalt  }
0x74: {  	_ =	shalt  }
0x75: {  	_ =	shalt  }
0x76: {  	_ =	shalt  }
0x77: {  	_ =	shalt  }
0x78: {  	_ =	shalt  }
0x79: {  	_ =	shalt  }
0x7a: {  	_ =	shalt  }
0x7b: {  	_ =	shalt  }
0x7c: {  	_ =	shalt  }
0x7d: {  	_ =	shalt  }
0x7e: {  	_ =	shalt  }
0x7f: {  	_ =	shalt  }
0x80: {  	_ =	shalt  }
0x81: {  	_ =	shalt  }
0x82: {  	_ =	shalt  }
0x83: {  	_ =	shalt  }
0x84: {  	_ =	shalt  }
0x85: {  	_ =	shalt  }
0x86: {  	_ =	shalt  }
0x87: {  	_ =	shalt  }
.Lfunc_end0:
.L_simem_size_0:
called_computation_lowered:
.L_overlay_start_0:
0x88: {  	s2 =	sld [smem:$0x3FD9]  }
0x89: {  	s3 =	sld [smem:$0x3FFE];
	_ =	sdelay $0x1  }
0x8a: {  	s1 =	srdreg.scid  }
0x8b: {  	s0 =	sand.u32 $0x1, s1  }
0x8c: {  	s17 =	sshll.u32 s0, $0xA;
	s2 =	sadd.s32 s3, s2  }
0x8d: {  	s2 =	sadd.s32 s2, s17  }
0x8e: {  	[smem:$0x3FC3] =	sst s2  }
0x8f: {  	_ = 	snop  }
0x90: {  	s18 =	sld [smem:$0x3FC9];
	(tm) =	ssettm $0x1  }
0x91: {  	s19 =	sld [smem:$0x3FFB];
	_ =	sdelay $0x3  }
0x92: {  	_ =	strace s19  }
0x93: {  	s2 =	sld [smem:$0x3FFC];
	_ =	sdelay $0x3  }
0x94: {  	_ =	strace s2  }
0x95: {  	s2 =	sld [smem:$0x3FFD];
	_ =	sdelay $0x3  }
0x96: {  	_ =	strace s2  }
0x97: {  	_ =	strace $0x8FFFFFFF  }
0x98: {  	s20 =	sld [smem:$0x3FDB];
	_ =	sdelay $0x1  }
0x99: {  	s4 =	simm.s32 $_scs_section_size  }
0x9a: {  	s5 =	simm.s32 $_size__tile_overlayer_lowered;
	s6 =	simm.s32 $_tile_overlayer_lowered  }
0x9b: {  	s7 =	simm.s32 $0x1BFF;
	s21 =	sshll.u32 s6, $0x1;
	s4 =	sadd.s32 s4, s20  }
0x9c: {  	s22 =	simm.s32 $0x0;
	s5 =	sshll.u32 s5, $0x1;
	s6 =	sadd.s32 s21, s4  }
0x9d: {  	[timem:s22], [sflag:s7] =	dma.local [hbm:s6], s5  }
0x9e: {  	_ =	swait.ge [sflag:s7], s5  }
0x9f: {  	s5 =	ssub.s32 $0x0, s5;
	[sflag:s7] =	ssyncset.done $0x0  }
0xa0: {  	[sflag:s7] =	ssyncadd.s32 s5;
	_ =	sdelay $0x1  }
0xa1: {  	s23 =	simm.s32 $0x1B8B  }
0xa2: {  	_ =	swait.ge [sflag:s23], $0x1  }
0xa3: {  	[sflag:s23] =	ssyncset.done $0x0  }
0xa4: {  	[sflag:s23] =	ssyncadd.s32 $0xFFFFFFFF  }
0xa5: {  	s5 =	sld [smem:$0x0]  }
0xa6: {  	s6 =	sand.u32 $0xFFFFFFFE, s1  }
0xa7: {  	p0 =	sne.s32 s1, s6  }
0xa8: {  	s6 =	sshll.u32 @p0 s6, $0xE  }
0xa9: {  	s6 =	sadd.s32 @p0 $0x11B8D, s6;
	s7 =	sshll.u32 @p0 s5, $0x11  }
0xaa: {  	s6 =	sor.u32 @p0 s7, s6  }
0xab: {  	[sflag:s6] =	ssyncadd.remote.s32 @p0 $0x1;
	_ =	sdelay $0x1  }
0xac: {  	s6 =	simm.s32 @p0 $0x1B8D  }
0xad: {  	_ =	swait.eq @p0 [sflag:s6], $0x1  }
0xae: {  	[sflag:s6] =	ssyncadd.s32 @p0 $0xFFFFFFFF  }
0xaf: {  	s7 =	sshll.u32 @!p0 s1, $0xE  }
0xb0: {  	s7 =	sor.u32 @!p0 $0x4000, s7;
	s6 =	simm.s32 @!p0 $0x1B8D  }
0xb1: {  	s5 =	sshll.u32 @!p0 s5, $0x11;
	s7 =	sadd.s32 @!p0 $0x11B8D, s7;
	_ =	swait.eq @!p0 [sflag:s6], $0x1  }
0xb2: {  	s5 =	sor.u32 @!p0 s5, s7;
	[sflag:s6] =	ssyncadd.s32 @!p0 $0xFFFFFFFF  }
0xb3: {  	s25 =	simm.s32 $0x1B8E;
	s24 =	sld [smem:$0x3FFE];
	[sflag:s5] =	ssyncadd.remote.s32 @!p0 $0x1  }
0xb4: {  	s26 =	simm.s32 $execute0_lowered;
	[smem:$0x3FD2] =	sst s25  }
0xb5: {  	s6 =	sshll.u32 s26, $0x1;
	_ =	strace $0x80000049;
	[dreg:$0x1] =	wrdreg $0xFFFFFFFF  }
0xb6: {  	s28 =	simm.s32 $_size_execute0_lowered;
	s4 =	sadd.s32 s4, s6;
	[dreg:$0x0] =	wrdreg $0x0  }
0xb7: {  	s6 =	sshll.u32 s28, $0x1;
	[dreg:$0x2] =	wrdreg s4  }
0xb8: {  	[dreg:$0x3] =	wrdreg s6  }
0xb9: {  	[dreg:$0x4] =	wrdreg $0xC0  }
0xba: {  	_ =	task [dreg:s22], $0x5FFFF  }
0xbb: {  	[dreg:$0x1] =	wrdreg $0xFFFFFFFF  }
0xbc: {  	[dreg:$0x0] =	wrdreg $0x60  }
0xbd: {  	[dreg:$0x2] =	wrdreg s18  }
0xbe: {  	[dreg:$0x3] =	wrdreg s24  }
0xbf: {  	[dreg:$0x4] =	wrdreg $0x9  }
0xc0: {  	_ =	task.clear_ibuf [dreg:s22], $0x5FFFF;
	_ =	strace $0x90000049  }
0xc1: {  	s29 =	simm.s32 $0x9;
	_ =	strace $0x8000004B  }
0xc2: {  	_ =	swait.ge [sflag:s29], $0x1  }
0xc3: {  	[sflag:s29] =	ssyncadd.s32 $0xFFFFFFFF  }
0xc4: {  	_ =	strace $0x9000004B  }
0xc5: {  	_ =	sfence  }
0xc6: {  	s30 =	sld [smem:$0x0];
	_ =	sdelay $0x2  }
0xc7: {  	s31 =	sshll.u32 s1, $0xD;
	s1 =	sshrl.u32 s1, $0x2  }
0xc8: {  	s4 =	sand.u32 $0x4000, s31;
	s1 =	sadd.s32 s1, s30  }
0xc9: {  	s0 =	sor.u32 s4, s0;
	s1 =	sshll.u32 s1, $0x11  }
0xca: {  	s0 =	sor.u32 s1, s0  }
0xcb: {  	s0 =	sadd.s32 $0x8F2B, s0  }
0xcc: {  	[sflag:s0] =	ssyncadd.remote.s32 $0x1  }
0xcd: {  	_ =	sfence.sel $0xFFFF  }
0xce: {  	[dreg:$0x0] =	wrdreg $0xFFFFFFFF;
	(pc) =	sbr.abs _section_cstart, $3  }
0xcf: {  	[dreg:$0x1] =	wrdreg $0xFFFFFFFF  }
0xd0: {  	_ =	task.clear_ibuf [dreg:s22], $0x2FFFF;
	_ =	strace $0x9FFFFFFF  }
0xd1: {  	(tm) =	ssettm $0x7FFFFFFF  }
tec
execute0_lowered:
.L_overlay_start_1:
0x0: {  	(tag) =	ssettag $0x1  }
0x1: {  	s1 =	srdreg.scid  }
0x2: {  	s0 =	stileid.u32;
	s1 =	sand.u32 $0x1, s1  }
0x3: {  	s3 =	sshll.u32 s0, $0xB;
	s4 =	sshll.u32 s1, $0xA  }
0x4: {  	s2 =	rddreg [dreg:$0x0];
	s4 =	sor.u32 s4, s3  }
0x5: {  	s5 =	rddreg [dreg:$0x1];
	s6 =	sshrl.u32 s4, $0x3  }
0x6: {  	s3 =	simm.s32 $0x0;
	s4 =	sshll.u32 s4, $0x4;
	s6 =	sadd.s32 s6, s5  }
0x7: {  	[smem:$0x7FF] =	sst s3;
	s31 =	sadd.s32 s4, s5;
	s6 =	sadd.s32 $0x81C00, s6  }
0x8: {  	_ =	strace $0x8000004A;
	s4 =	sadd.s32 $0x82C00, s31;
	[dreg:$0x3] =	wrdreg s6  }
0x9: {  	[dreg:$0x4] =	wrdreg s4  }
0xa: {  	s4 =	simm.s32 $0x9;
	s26 =	rddreg [dreg:$0x3]  }
0xb: {  	[tilespmem:s3], [sflag:$0x9] =	stream.linear.gather [hbm4b:s26+s3], $0x400, $0x38;
	[tilespmem:$0x10400] =	vst v63  }
0xc: {  	_ =	swait.ge [sflag:s4], $0x400  }
0xd: {  	[sflag:s4] =	ssyncset.done $0x0  }
0xe: {  	s5 =	simm.s32 $0x80;
	s6 =	simm.s32 $0x400;
	[sflag:s4] =	ssyncadd.s32 $0xFFFFFC00  }
0xf: {  	[tilespmem:s6], [sflag:$0x1] =	stream.indirect.gather [hbm4b:s2+s5], $0x80, s3, s5, $0xb8;
	[tilespmem:$0x10400] =	vst v63  }
0x10: {  	s7 =	simm.s32 $0x4400;
	s8 =	simm.s32 $0x1  }
0x11: {  	[tilespmem:s7], [sflag:$0x2] =	stream.indirect.gather [hbm4b:s2+s5], $0x80, s5, s5, $0xb8;
	[tilespmem:$0x10400] =	vst v63  }
0x12: {  	_ =	swait.ge [sflag:s8], $0x4000  }
0x13: {  	[sflag:s8] =	ssyncset.done $0x0  }
0x14: {  	s9 =	rddreg [dreg:$0x4];
	[sflag:s8] =	ssyncadd.s32 $0xFFFFC000  }
0x15: {  	[hbm4b:s9+s3] =	stream.linear.scatter [tilespmem:s6], [sflag:$0x5], $0x4000, $0x38;
	[tilespmem:$0x10400] =	vst v63  }
0x16: {  	s10 =	simm.s32 $0x8400;
	s11 =	simm.s32 $0x2;
	s9 =	simm.s32 $0x100  }
0x17: {  	[tilespmem:s10], [sflag:$0x3] =	stream.indirect.gather [hbm4b:s2+s5], $0x80, s9, s5, $0xb8;
	[tilespmem:$0x10400] =	vst v63  }
0x18: {  	_ =	swait.ge [sflag:s11], $0x4000  }
0x19: {  	[sflag:s11] =	ssyncset.done $0x0  }
0x1a: {  	s12 =	sadd.s32 $0x83400, s31;
	[sflag:s11] =	ssyncadd.s32 $0xFFFFC000  }
0x1b: {  	[hbm4b:s12+s3] =	stream.linear.scatter [tilespmem:s7], [sflag:$0x6], $0x4000, $0x38;
	[tilespmem:$0x10400] =	vst v63  }
0x1c: {  	s13 =	simm.s32 $0x180;
	s14 =	simm.s32 $0xC400;
	s15 =	simm.s32 $0x3  }
0x1d: {  	[tilespmem:s14], [sflag:$0x4] =	stream.indirect.gather [hbm4b:s2+s5], $0x80, s13, s5, $0xb8;
	[tilespmem:$0x10400] =	vst v63  }
0x1e: {  	_ =	swait.ge [sflag:s15], $0x4000  }
0x1f: {  	[sflag:s15] =	ssyncset.done $0x0  }
0x20: {  	s17 =	simm.s32 $0x5;
	s16 =	sadd.s32 $0x83C00, s31;
	[sflag:s15] =	ssyncadd.s32 $0xFFFFC000  }
0x21: {  	[hbm4b:s16+s3] =	stream.linear.scatter [tilespmem:s10], [sflag:$0x7], $0x4000, $0x38;
	[tilespmem:$0x10400] =	vst v63  }
0x22: {  	_ =	swait.ge [sflag:s17], $0x4000  }
0x23: {  	[sflag:s17] =	ssyncset.done $0x0  }
0x24: {  	s18 =	simm.s32 $0x200;
	s19 =	simm.s32 $0x4;
	[sflag:s17] =	ssyncadd.s32 $0xFFFFC000  }
0x25: {  	[tilespmem:s6], [sflag:$0x1] =	stream.indirect.gather [hbm4b:s2+s5], $0x80, s18, s5, $0xb8;
	[tilespmem:$0x10400] =	vst v63  }
0x26: {  	_ =	swait.ge [sflag:s19], $0x4000  }
0x27: {  	[sflag:s19] =	ssyncset.done $0x0  }
0x28: {  	s21 =	simm.s32 $0x6;
	s20 =	sadd.s32 $0x84400, s31;
	[sflag:s19] =	ssyncadd.s32 $0xFFFFC000  }
0x29: {  	[hbm4b:s20+s3] =	stream.linear.scatter [tilespmem:s14], [sflag:$0x8], $0x4000, $0x38;
	[tilespmem:$0x10400] =	vst v63  }
0x2a: {  	_ =	swait.ge [sflag:s21], $0x4000  }
0x2b: {  	[sflag:s21] =	ssyncset.done $0x0  }
0x2c: {  	s22 =	simm.s32 $0x280;
	[sflag:s21] =	ssyncadd.s32 $0xFFFFC000  }
0x2d: {  	[tilespmem:s7], [sflag:$0x2] =	stream.indirect.gather [hbm4b:s2+s5], $0x80, s22, s5, $0xb8;
	[tilespmem:$0x10400] =	vst v63  }
0x2e: {  	_ =	swait.ge [sflag:s8], $0x4000  }
0x2f: {  	[sflag:s8] =	ssyncset.done $0x0  }
0x30: {  	s24 =	simm.s32 $0x7;
	s23 =	sadd.s32 $0x84C00, s31;
	[sflag:s8] =	ssyncadd.s32 $0xFFFFC000  }
0x31: {  	[hbm4b:s23+s3] =	stream.linear.scatter [tilespmem:s6], [sflag:$0x5], $0x4000, $0x38;
	[tilespmem:$0x10400] =	vst v63  }
0x32: {  	_ =	swait.ge [sflag:s24], $0x4000  }
0x33: {  	[sflag:s24] =	ssyncset.done $0x0  }
0x34: {  	s25 =	simm.s32 $0x300;
	[sflag:s24] =	ssyncadd.s32 $0xFFFFC000  }
0x35: {  	[tilespmem:s10], [sflag:$0x3] =	stream.indirect.gather [hbm4b:s2+s5], $0x80, s25, s5, $0xb8;
	[tilespmem:$0x10400] =	vst v63  }
0x36: {  	_ =	swait.ge [sflag:s11], $0x4000  }
0x37: {  	[sflag:s11] =	ssyncset.done $0x0  }
0x38: {  	s28 =	sadd.s32 $0x85400, s31;
	s26 =	simm.s32 $0x8;
	[sflag:s11] =	ssyncadd.s32 $0xFFFFC000  }
0x39: {  	[hbm4b:s28+s3] =	stream.linear.scatter [tilespmem:s7], [sflag:$0x6], $0x4000, $0x38;
	[tilespmem:$0x10400] =	vst v63  }
0x3a: {  	_ =	swait.ge [sflag:s26], $0x4000  }
0x3b: {  	[sflag:s26] =	ssyncset.done $0x0  }
0x3c: {  	s29 =	simm.s32 $0x380;
	[sflag:s26] =	ssyncadd.s32 $0xFFFFC000  }
0x3d: {  	[tilespmem:s14], [sflag:$0x4] =	stream.indirect.gather [hbm4b:s2+s5], $0x80, s29, s5, $0xb8;
	[tilespmem:$0x10400] =	vst v63  }
0x3e: {  	_ =	swait.ge [sflag:s15], $0x4000  }
0x3f: {  	[sflag:s15] =	ssyncset.done $0x0  }
0x40: {  	s30 =	sadd.s32 $0x85C00, s31;
	[sflag:s15] =	ssyncadd.s32 $0xFFFFC000  }
0x41: {  	[hbm4b:s30+s3] =	stream.linear.scatter [tilespmem:s10], [sflag:$0x7], $0x4000, $0x38;
	[tilespmem:$0x10400] =	vst v63  }
0x42: {  	_ =	swait.ge [sflag:s19], $0x4000  }
0x43: {  	[sflag:s19] =	ssyncset.done $0x0  }
0x44: {  	s31 =	sadd.s32 $0x86400, s31;
	[sflag:s19] =	ssyncadd.s32 $0xFFFFC000  }
0x45: {  	[hbm4b:s31+s3] =	stream.linear.scatter [tilespmem:s14], [sflag:$0x8], $0x4000, $0x38;
	[tilespmem:$0x10400] =	vst v63  }
0x46: {  	s1 =	ssub.s32 $0x2, s1;
	_ =	swait.ge [sflag:s17], $0x4000  }
0x47: {  	s0 =	sshrl.u32 s1, $0x1;
	[sflag:s17] =	ssyncset.done $0x0  }
0x48: {  	s0 =	ssub.s32 s1, s0;
	[sflag:s17] =	ssyncadd.s32 $0xFFFFC000  }
0x49: {  	s0 =	smax.u32 s0, $0x1;
	_ =	swait.ge [sflag:s21], $0x4000  }
0x4a: {  	p0 =	sne.s32 s0, $0x1;
	[sflag:s21] =	ssyncset.done $0x0  }
.Ltmp0:
0x4b: {  	[sflag:s21] =	ssyncadd.s32 $0xFFFFC000;
	(pc) =	sbr.rel @!p0 .LBB2_2-.Ltmp0, $4  }
0x4c: {  	_ =	swait.ge [sflag:s24], $0x4000  }
0x4d: {  	[sflag:s24] =	ssyncset.done $0x0  }
0x4e: {  	[sflag:s24] =	ssyncadd.s32 $0xFFFFC000  }
0x4f: {  	s1 =	sadd.s32 $0xFFFFFFFF, s0;
	_ =	swait.ge [sflag:s26], $0x4000  }
.LBB2_1:
0x50: {  	[sflag:s26] =	ssyncset.done $0x0  }
0x51: {  	s0 =	rddreg [dreg:$0x3];
	[sflag:s26] =	ssyncadd.s32 $0xFFFFC000  }
0x52: {  	[tilespmem:s3], [sflag:$0x9] =	stream.linear.gather [hbm4b:s0+s3], $0x400, $0x38;
	[tilespmem:$0x10400] =	vst v63  }
0x53: {  	_ =	swait.ge [sflag:s4], $0x400  }
0x54: {  	[sflag:s4] =	ssyncset.done $0x0  }
0x55: {  	[sflag:s4] =	ssyncadd.s32 $0xFFFFFC00  }
0x56: {  	[tilespmem:s6], [sflag:$0x1] =	stream.indirect.gather [hbm4b:s2+s5], $0x80, s3, s5, $0xb8;
	[tilespmem:$0x10400] =	vst v63  }
0x57: {  	_ = 	snop  }
0x58: {  	[tilespmem:s7], [sflag:$0x2] =	stream.indirect.gather [hbm4b:s2+s5], $0x80, s5, s5, $0xb8;
	[tilespmem:$0x10400] =	vst v63  }
0x59: {  	_ =	swait.ge [sflag:s8], $0x4000  }
0x5a: {  	[sflag:s8] =	ssyncset.done $0x0  }
0x5b: {  	s0 =	rddreg [dreg:$0x4];
	[sflag:s8] =	ssyncadd.s32 $0xFFFFC000  }
0x5c: {  	[hbm4b:s0+s3] =	stream.linear.scatter [tilespmem:s6], [sflag:$0x5], $0x4000, $0x38;
	[tilespmem:$0x10400] =	vst v63  }
0x5d: {  	_ = 	snop  }
0x5e: {  	[tilespmem:s10], [sflag:$0x3] =	stream.indirect.gather [hbm4b:s2+s5], $0x80, s9, s5, $0xb8;
	[tilespmem:$0x10400] =	vst v63  }
0x5f: {  	_ =	swait.ge [sflag:s11], $0x4000  }
0x60: {  	[sflag:s11] =	ssyncset.done $0x0  }
0x61: {  	[sflag:s11] =	ssyncadd.s32 $0xFFFFC000  }
0x62: {  	[hbm4b:s12+s3] =	stream.linear.scatter [tilespmem:s7], [sflag:$0x6], $0x4000, $0x38;
	[tilespmem:$0x10400] =	vst v63  }
0x63: {  	_ = 	snop  }
0x64: {  	[tilespmem:s14], [sflag:$0x4] =	stream.indirect.gather [hbm4b:s2+s5], $0x80, s13, s5, $0xb8;
	[tilespmem:$0x10400] =	vst v63  }
0x65: {  	_ =	swait.ge [sflag:s15], $0x4000  }
0x66: {  	[sflag:s15] =	ssyncset.done $0x0  }
0x67: {  	[sflag:s15] =	ssyncadd.s32 $0xFFFFC000  }
0x68: {  	[hbm4b:s16+s3] =	stream.linear.scatter [tilespmem:s10], [sflag:$0x7], $0x4000, $0x38;
	[tilespmem:$0x10400] =	vst v63  }
0x69: {  	_ =	swait.ge [sflag:s17], $0x4000  }
0x6a: {  	[sflag:s17] =	ssyncset.done $0x0  }
0x6b: {  	[sflag:s17] =	ssyncadd.s32 $0xFFFFC000  }
0x6c: {  	[tilespmem:s6], [sflag:$0x1] =	stream.indirect.gather [hbm4b:s2+s5], $0x80, s18, s5, $0xb8;
	[tilespmem:$0x10400] =	vst v63  }
0x6d: {  	_ =	swait.ge [sflag:s19], $0x4000  }
0x6e: {  	[sflag:s19] =	ssyncset.done $0x0  }
0x6f: {  	[sflag:s19] =	ssyncadd.s32 $0xFFFFC000  }
0x70: {  	[hbm4b:s20+s3] =	stream.linear.scatter [tilespmem:s14], [sflag:$0x8], $0x4000, $0x38;
	[tilespmem:$0x10400] =	vst v63  }
0x71: {  	_ =	swait.ge [sflag:s21], $0x4000  }
0x72: {  	[sflag:s21] =	ssyncset.done $0x0  }
0x73: {  	[sflag:s21] =	ssyncadd.s32 $0xFFFFC000  }
0x74: {  	[tilespmem:s7], [sflag:$0x2] =	stream.indirect.gather [hbm4b:s2+s5], $0x80, s22, s5, $0xb8;
	[tilespmem:$0x10400] =	vst v63  }
0x75: {  	_ =	swait.ge [sflag:s8], $0x4000  }
0x76: {  	[sflag:s8] =	ssyncset.done $0x0  }
0x77: {  	[sflag:s8] =	ssyncadd.s32 $0xFFFFC000  }
0x78: {  	[hbm4b:s23+s3] =	stream.linear.scatter [tilespmem:s6], [sflag:$0x5], $0x4000, $0x38;
	[tilespmem:$0x10400] =	vst v63  }
0x79: {  	_ =	swait.ge [sflag:s24], $0x4000  }
0x7a: {  	[sflag:s24] =	ssyncset.done $0x0  }
0x7b: {  	[sflag:s24] =	ssyncadd.s32 $0xFFFFC000  }
0x7c: {  	[tilespmem:s10], [sflag:$0x3] =	stream.indirect.gather [hbm4b:s2+s5], $0x80, s25, s5, $0xb8;
	[tilespmem:$0x10400] =	vst v63  }
0x7d: {  	_ =	swait.ge [sflag:s11], $0x4000  }
0x7e: {  	[sflag:s11] =	ssyncset.done $0x0  }
0x7f: {  	[sflag:s11] =	ssyncadd.s32 $0xFFFFC000  }
0x80: {  	[hbm4b:s28+s3] =	stream.linear.scatter [tilespmem:s7], [sflag:$0x6], $0x4000, $0x38;
	[tilespmem:$0x10400] =	vst v63  }
0x81: {  	_ =	swait.ge [sflag:s26], $0x4000  }
0x82: {  	[sflag:s26] =	ssyncset.done $0x0  }
0x83: {  	[sflag:s26] =	ssyncadd.s32 $0xFFFFC000  }
0x84: {  	[tilespmem:s14], [sflag:$0x4] =	stream.indirect.gather [hbm4b:s2+s5], $0x80, s29, s5, $0xb8;
	[tilespmem:$0x10400] =	vst v63  }
0x85: {  	_ =	swait.ge [sflag:s15], $0x4000  }
0x86: {  	[sflag:s15] =	ssyncset.done $0x0  }
0x87: {  	[sflag:s15] =	ssyncadd.s32 $0xFFFFC000  }
0x88: {  	[hbm4b:s30+s3] =	stream.linear.scatter [tilespmem:s10], [sflag:$0x7], $0x4000, $0x38;
	[tilespmem:$0x10400] =	vst v63  }
0x89: {  	_ =	swait.ge [sflag:s19], $0x4000  }
0x8a: {  	[sflag:s19] =	ssyncset.done $0x0  }
0x8b: {  	[sflag:s19] =	ssyncadd.s32 $0xFFFFC000  }
0x8c: {  	[hbm4b:s31+s3] =	stream.linear.scatter [tilespmem:s14], [sflag:$0x8], $0x4000, $0x38;
	[tilespmem:$0x10400] =	vst v63  }
0x8d: {  	_ =	swait.ge [sflag:s17], $0x4000  }
0x8e: {  	[sflag:s17] =	ssyncset.done $0x0  }
0x8f: {  	[sflag:s17] =	ssyncadd.s32 $0xFFFFC000  }
0x90: {  	_ =	swait.ge [sflag:s21], $0x4000  }
0x91: {  	p0 =	sne.s32 s1, $0x1;
	[sflag:s21] =	ssyncset.done $0x0  }
.Ltmp1:
0x92: {  	[sflag:s21] =	ssyncadd.s32 $0xFFFFC000;
	(pc) =	sbr.rel @p0 .LBB2_1-.Ltmp1, $4  }
0x93: {  	_ =	swait.ge [sflag:s24], $0x4000  }
0x94: {  	[sflag:s24] =	ssyncset.done $0x0  }
0x95: {  	[sflag:s24] =	ssyncadd.s32 $0xFFFFC000  }
0x96: {  	s1 =	sadd.s32 $0xFFFFFFFF, s1;
	_ =	swait.ge [sflag:s26], $0x4000  }
.LBB2_2:
0x97: {  	[sflag:s26] =	ssyncset.done $0x0  }
0x98: {  	[sflag:s26] =	ssyncadd.s32 $0xFFFFC000  }
0x99: {  	_ =	sfence.sel $0x180000  }
0x9a: {  	[bflag:$0x0] =	sbarrier.arrive $0xFFFF  }
0x9b: {  	_ =	strace $0x9000004A  }
0x9c: {  	s0 =	stileid.u32;
	[bflag:$0x2] =	sbarrier.arrive $0xFFFF  }
0x9d: {  	p0 =	sne.s32 s0, $0x0;
	s0 =	rddreg [dreg:$0x2]  }
0x9e: {  	s0 =	sadd.s32 @!p0 $0x100000, s0  }
0x9f: {  	[sflag:s0] =	ssyncadd.tile.s32 @!p0 $0x1;
	_ =	shalt  }
.Lfunc_end2:
_tile_overlayer_lowered:
.L_overlay_start_2:
0xa0: {  	(tag) =	ssettag $0x2  }
0xa1: {  	s0 =	rddreg [dreg:$0x0];
	s2 =	stileid.u32  }
0xa2: {  	s1 =	rddreg [dreg:$0x1];
	p0 =	sne.s32 s2, $0x0  }
0xa3: {  	s3 =	rddreg [dreg:$0x2];
	[bflag:$0x3] =	sbarrier.arrive $0xFFFF;
	s2 =	simm.s32 @!p0 $0x1C09  }
0xa4: {  	[timem:s3], [sflag:s2] =	dma.local @!p0 [hbm:s0], s1  }
0xa5: {  	s0 =	simm.s32 @!p0 $0x9  }
0xa6: {  	_ =	swait.ge @!p0 [sflag:s0], s1  }
0xa7: {  	s1 =	ssub.s32 @!p0 $0x0, s1;
	[sflag:s0] =	ssyncset.done @!p0 $0x0  }
0xa8: {  	[sflag:s0] =	ssyncadd.s32 @!p0 s1  }
0xa9: {  	[bflag:$0x3] =	sbarrier.arrive $0xFFFF  }
0xaa: {  	_ =	shalt  }

// kernel: kernel.9.cloned.1.call-start
scs
__scs_entry_jumppad:
0x0: {  	(pc) =	sbr.rel $0x88, $3  }
0x1: {  	(tag) =	ssettag $0x0;
	lr =	simm.s32 $0x1  }
0x2: {  	[smem:$0x3F9C] =	sst lr;
	_ =	strace $0xD0000000  }
0x3: {  	_ = 	snop  }
0x4: {  	_ = 	snop  }
0x5: {  	_ = 	snop  }
0x6: {  	_ = 	snop  }
0x7: {  	_ = 	snop  }
__scs_overlays_trampoline_lowered:
0x8: {  	[smem:$0x3FAB] =	sst s0  }
0x9: {  	[smem:$0x3FAC] =	sst s1  }
0xa: {  	[smem:$0x3FAD] =	sst s2  }
0xb: {  	[smem:$0x3FAE] =	sst s3  }
0xc: {  	[smem:$0x3FAF] =	sst s4  }
0xd: {  	[smem:$0x3FB0] =	sst s5  }
0xe: {  	[smem:$0x3FB1] =	sst s6  }
0xf: {  	[smem:$0x3FB2] =	sst s7  }
0x10: {  	[smem:$0x3FB3] =	sst s8  }
0x11: {  	[smem:$0x3FB4] =	sst s9;
	s0 =	simm.s32 @!p0 $0x0  }
0x12: {  	s1 =	sld [smem:$0x3F9A];
	s0 =	simm.s32 @p0 $0x1  }
0x13: {  	[smem:$0x3FB5] =	sst s0;
	s0 =	simm.s32 @!p1 $0x0  }
0x14: {  	s2 =	sld [smem:$0x3F99];
	s0 =	simm.s32 @p1 $0x1  }
0x15: {  	[smem:$0x3FB6] =	sst s0;
	s0 =	simm.s32 @!p2 $0x0  }
0x16: {  	s3 =	sld [smem:$0x3FDB];
	s0 =	simm.s32 @p2 $0x1  }
0x17: {  	s4 =	simm.s32 $0x1BF5;
	[smem:$0x3FB8] =	sst s0  }
0x18: {  	s0 =	sld [smem:$0x3F9B];
	_ =	swait.ge [sflag:s4], $0x0  }
0x19: {  	s7 =	sld [smem:$0x3F9C]  }
0x1a: {  	s8 =	sadd.s32 $0xFFFFE003, lr  }
0x1b: {  	s9 =	sadd.s32 $0xFFFFFEF7, lr;
	s5 =	simm.s32 $0xFFFFFFFF;
	p2 =	slt.u32 s8, $0xFFFFF086  }
0x1c: {  	p1 =	slt.u32 s9, $0xF7A;
	s5 =	simm.s32 @!p2 $0x0  }
0x1d: {  	s5 =	simm.s32 @p1 $0x1;
	p0 =	seq.s32 s7, s2  }
0x1e: {  	s7 =	smul.u32 @!p0 $0xF7A, s2;
	p2 =	seq.s32 @!p0 s5, $0x0  }
0x1f: {  	s9 =	smul.u32 $0xF7A, s1;
	s8 =	simm.s32 @!p0 $0x1BF5;
	p2 =	por !p2, p0  }
0x20: {  	[sflag:s8] =	ssyncset.s32 @!p0 $0xFFFFF086;
	s6 =	sadd.s32 @!p0 s3, s7;
	s7 =	simm.s32 @!p0 $0x108  }
0x21: {  	s3 =	sadd.s32 s3, s9;
	s6 =	sadd.s32 @!p0 $0x88, s6;
	s7 =	simm.s32 @p2 $0x1082  }
0x22: {  	[simem:s7], [sflag:s8] =	dma.local @!p0 [hbm:s6], $0xF7A  }
0x23: {  	s9 =	sor.u32 $0xD0000000, s2;
	s6 =	simm.s32 $0x108;
	_ =	swait.ge @!p0 [sflag:s8], $0x0  }
0x24: {  	s3 =	sadd.s32 $0x88, s3;
	s6 =	simm.s32 @!p1 $0x1082;
	[sflag:s4] =	ssyncset.s32 $0xFFFFF086  }
0x25: {  	[simem:s6], [sflag:s4] =	dma.local [hbm:s3], $0xF7A  }
0x26: {  	[smem:$0x3F9C] =	sst s1;
	(tag) =	ssettag s2;
	_ =	strace s9  }
0x27: {  	s1 =	sld [smem:$0x3FAC]  }
0x28: {  	s2 =	sld [smem:$0x3FAD]  }
0x29: {  	s4 =	sld [smem:$0x3FAF]  }
0x2a: {  	p0 =	seq.s32 s5, $0x0;
	s5 =	sld [smem:$0x3FB0]  }
0x2b: {  	s6 =	sld [smem:$0x3FB1]  }
0x2c: {  	s7 =	sld [smem:$0x3FB2]  }
0x2d: {  	s3 =	simm.s32 $0x108;
	s8 =	sld [smem:$0x3FB3]  }
0x2e: {  	s3 =	simm.s32 @!p0 $0x1082;
	s9 =	sld [smem:$0x3FB4]  }
0x2f: {  	lr =	sadd.s32 s0, s3;
	s0 =	sld [smem:$0x3FAB]  }
0x30: {  	s3 =	sld [smem:$0x3FAE]  }
0x31: {  	[smem:$0x3FB7] =	sst s10  }
0x32: {  	s10 =	sld [smem:$0x3FB5];
	_ =	sdelay $0x3  }
0x33: {  	p0 =	seq.s32 s10, $0x1;
	s10 =	sld [smem:$0x3FB7];
	_ =	sdelay $0x3  }
0x34: {  	[smem:$0x3FB7] =	sst s10  }
0x35: {  	s10 =	sld [smem:$0x3FB6];
	_ =	sdelay $0x3  }
0x36: {  	p1 =	seq.s32 s10, $0x1;
	s10 =	sld [smem:$0x3FB7];
	_ =	sdelay $0x3  }
0x37: {  	[smem:$0x3FB7] =	sst s10  }
0x38: {  	s10 =	sld [smem:$0x3FB8]  }
0x39: {  	_ = 	snop;
	(pc) =	sbr.ind lr, $3  }
0x3a: {  	_ = 	snop  }
0x3b: {  	_ = 	snop  }
0x3c: {  	p2 =	seq.s32 s10, $0x1;
	s10 =	sld [smem:$0x3FB7]  }
0x3d: {  	_ =	shalt  }
0x3e: {  	_ =	shalt  }
0x3f: {  	_ =	shalt  }
0x40: {  	_ =	shalt  }
0x41: {  	_ =	shalt  }
0x42: {  	_ =	shalt  }
0x43: {  	_ =	shalt  }
0x44: {  	_ =	shalt  }
0x45: {  	_ =	shalt  }
0x46: {  	_ =	shalt  }
0x47: {  	_ =	shalt  }
0x48: {  	_ =	shalt  }
0x49: {  	_ =	shalt  }
0x4a: {  	_ =	shalt  }
0x4b: {  	_ =	shalt  }
0x4c: {  	_ =	shalt  }
0x4d: {  	_ =	shalt  }
0x4e: {  	_ =	shalt  }
0x4f: {  	_ =	shalt  }
0x50: {  	_ =	shalt  }
0x51: {  	_ =	shalt  }
0x52: {  	_ =	shalt  }
0x53: {  	_ =	shalt  }
0x54: {  	_ =	shalt  }
0x55: {  	_ =	shalt  }
0x56: {  	_ =	shalt  }
0x57: {  	_ =	shalt  }
0x58: {  	_ =	shalt  }
0x59: {  	_ =	shalt  }
0x5a: {  	_ =	shalt  }
0x5b: {  	_ =	shalt  }
0x5c: {  	_ =	shalt  }
0x5d: {  	_ =	shalt  }
0x5e: {  	_ =	shalt  }
0x5f: {  	_ =	shalt  }
0x60: {  	_ =	shalt  }
0x61: {  	_ =	shalt  }
0x62: {  	_ =	shalt  }
0x63: {  	_ =	shalt  }
0x64: {  	_ =	shalt  }
0x65: {  	_ =	shalt  }
0x66: {  	_ =	shalt  }
0x67: {  	_ =	shalt  }
0x68: {  	_ =	shalt  }
0x69: {  	_ =	shalt  }
0x6a: {  	_ =	shalt  }
0x6b: {  	_ =	shalt  }
0x6c: {  	_ =	shalt  }
0x6d: {  	_ =	shalt  }
0x6e: {  	_ =	shalt  }
0x6f: {  	_ =	shalt  }
0x70: {  	_ =	shalt  }
0x71: {  	_ =	shalt  }
0x72: {  	_ =	shalt  }
0x73: {  	_ =	shalt  }
0x74: {  	_ =	shalt  }
0x75: {  	_ =	shalt  }
0x76: {  	_ =	shalt  }
0x77: {  	_ =	shalt  }
0x78: {  	_ =	shalt  }
0x79: {  	_ =	shalt  }
0x7a: {  	_ =	shalt  }
0x7b: {  	_ =	shalt  }
0x7c: {  	_ =	shalt  }
0x7d: {  	_ =	shalt  }
0x7e: {  	_ =	shalt  }
0x7f: {  	_ =	shalt  }
0x80: {  	_ =	shalt  }
0x81: {  	_ =	shalt  }
0x82: {  	_ =	shalt  }
0x83: {  	_ =	shalt  }
0x84: {  	_ =	shalt  }
0x85: {  	_ =	shalt  }
0x86: {  	_ =	shalt  }
0x87: {  	_ =	shalt  }
.Lfunc_end0:
.L_simem_size_0:
called_computation.1_lowered:
.L_overlay_start_0:
0x88: {  	s2 =	sld [smem:$0x3FD9]  }
0x89: {  	s3 =	sld [smem:$0x3FFE];
	_ =	sdelay $0x1  }
0x8a: {  	s1 =	srdreg.scid  }
0x8b: {  	s0 =	sand.u32 $0x1, s1  }
0x8c: {  	s14 =	sshll.u32 s0, $0xA;
	s2 =	sadd.s32 s3, s2  }
0x8d: {  	s2 =	sadd.s32 s2, s14  }
0x8e: {  	[smem:$0x3FC3] =	sst s2  }
0x8f: {  	_ = 	snop  }
0x90: {  	s2 =	sld [smem:$0x3FD0];
	_ =	sdelay $0x2  }
0x91: {  	s4 =	simm.s32 $0xB;
	s5 =	simm.s32 $0x10;
	s15 =	sld [smem:$0x3FC9]  }
0x92: {  	[smem:s5], [sflag:s4] =	dma.local [hbm:s2], $0x1  }
0x93: {  	_ =	swait.eq [sflag:s4], $0x1  }
0x94: {  	[sflag:s4] =	ssyncset.done $0x0  }
0x95: {  	[sflag:s4] =	ssyncadd.s32 $0xFFFFFFFF  }
0x96: {  	s16 =	sld [smem:$0x11];
	(tm) =	ssettm $0x1  }
0x97: {  	s17 =	sld [smem:$0x3FFB];
	_ =	sdelay $0x3  }
0x98: {  	_ =	strace s17  }
0x99: {  	s4 =	sld [smem:$0x3FFC];
	_ =	sdelay $0x3  }
0x9a: {  	_ =	strace s4  }
0x9b: {  	s4 =	sld [smem:$0x3FFD];
	_ =	sdelay $0x3  }
0x9c: {  	_ =	strace s4  }
0x9d: {  	_ =	strace $0x8FFFFFFF  }
0x9e: {  	s18 =	sld [smem:$0x3FDB];
	_ =	sdelay $0x1  }
0x9f: {  	s19 =	simm.s32 $_scs_section_size  }
0xa0: {  	s6 =	simm.s32 $_size__tile_overlayer_lowered;
	s7 =	simm.s32 $_tile_overlayer_lowered  }
0xa1: {  	s22 =	simm.s32 $0x1BFF;
	s21 =	sshll.u32 s7, $0x1;
	s4 =	sadd.s32 s19, s18  }
0xa2: {  	s8 =	simm.s32 $0x0;
	s20 =	sshll.u32 s6, $0x1;
	s6 =	sadd.s32 s21, s4  }
0xa3: {  	[timem:s8], [sflag:s22] =	dma.local [hbm:s6], s20  }
0xa4: {  	_ =	swait.ge [sflag:s22], s20  }
0xa5: {  	s5 =	ssub.s32 $0x0, s20;
	[sflag:s22] =	ssyncset.done $0x0  }
0xa6: {  	[sflag:s22] =	ssyncadd.s32 s5;
	_ =	sdelay $0x1  }
0xa7: {  	s23 =	simm.s32 $0x1B8B  }
0xa8: {  	_ =	swait.ge [sflag:s23], $0x1  }
0xa9: {  	[sflag:s23] =	ssyncset.done $0x0  }
0xaa: {  	s25 =	simm.s32 $0x1B8E;
	s24 =	sld [smem:$0x3FFE];
	[sflag:s23] =	ssyncadd.s32 $0xFFFFFFFF  }
0xab: {  	s26 =	simm.s32 $execute0_lowered;
	[smem:$0x3FD2] =	sst s25  }
0xac: {  	s6 =	sshll.u32 s26, $0x1;
	_ =	strace $0x80000046;
	[dreg:$0x1] =	wrdreg $0xFFFFFFFF  }
0xad: {  	s28 =	simm.s32 $_size_execute0_lowered;
	s4 =	sadd.s32 s4, s6;
	[dreg:$0x0] =	wrdreg $0x0  }
0xae: {  	s6 =	sshll.u32 s28, $0x1;
	[dreg:$0x2] =	wrdreg s4  }
0xaf: {  	[dreg:$0x3] =	wrdreg s6  }
0xb0: {  	[dreg:$0x4] =	wrdreg $0xC0  }
0xb1: {  	_ =	task [dreg:s8], $0x5FFFF  }
0xb2: {  	[dreg:$0x1] =	wrdreg $0xFFFFFFFF  }
0xb3: {  	[dreg:$0x0] =	wrdreg $0x60  }
0xb4: {  	[dreg:$0x2] =	wrdreg s15  }
0xb5: {  	[dreg:$0x3] =	wrdreg s16  }
0xb6: {  	[dreg:$0x4] =	wrdreg s24  }
0xb7: {  	[dreg:$0x5] =	wrdreg $0xA  }
0xb8: {  	_ =	task.clear_ibuf [dreg:s8], $0x6FFFF;
	_ =	strace $0x90000046  }
0xb9: {  	s29 =	simm.s32 $0xA;
	_ =	strace $0x80000048  }
0xba: {  	_ =	swait.ge [sflag:s29], $0x1  }
0xbb: {  	[sflag:s29] =	ssyncadd.s32 $0xFFFFFFFF  }
0xbc: {  	_ =	strace $0x90000048  }
0xbd: {  	_ =	sfence  }
0xbe: {  	s30 =	sld [smem:$0x0];
	_ =	sdelay $0x2  }
0xbf: {  	s31 =	sshll.u32 s1, $0xD;
	s1 =	sshrl.u32 s1, $0x2  }
0xc0: {  	s3 =	sand.u32 $0x4000, s31;
	s1 =	sadd.s32 s1, s30  }
0xc1: {  	s0 =	sor.u32 s3, s0;
	s1 =	sshll.u32 s1, $0x11  }
0xc2: {  	s0 =	sor.u32 s1, s0  }
0xc3: {  	s0 =	sadd.s32 $0x8F2B, s0  }
0xc4: {  	[sflag:s0] =	ssyncadd.remote.s32 $0x1  }
0xc5: {  	_ =	sfence.sel $0xFFFF  }
0xc6: {  	[dreg:$0x0] =	wrdreg $0xFFFFFFFF;
	(pc) =	sbr.abs _section_cstart, $3  }
0xc7: {  	[dreg:$0x1] =	wrdreg $0xFFFFFFFF  }
0xc8: {  	_ =	task.clear_ibuf [dreg:s8], $0x2FFFF;
	_ =	strace $0x9FFFFFFF  }
0xc9: {  	(tm) =	ssettm $0x7FFFFFFF  }
tec
execute0_lowered:
.L_overlay_start_1:
0x0: {  	(tag) =	ssettag $0x1  }
0x1: {  	s1 =	srdreg.scid  }
0x2: {  	s0 =	stileid.u32;
	s1 =	sand.u32 $0x1, s1  }
0x3: {  	s2 =	rddreg [dreg:$0x0];
	s6 =	sshll.u32 s0, $0xB;
	s7 =	sshll.u32 s1, $0xA  }
0x4: {  	s4 =	rddreg [dreg:$0x1];
	s6 =	sor.u32 s7, s6  }
0x5: {  	s5 =	rddreg [dreg:$0x2];
	s3 =	simm.s32 $0x0;
	s7 =	sshrl.u32 s6, $0x3  }
0x6: {  	[smem:$0x7FF] =	sst s3;
	s6 =	sshll.u32 s6, $0x4;
	s4 =	sadd.s32 s4, s7  }
0x7: {  	_ =	strace $0x80000047;
	s31 =	sadd.s32 s6, s5;
	[dreg:$0x4] =	wrdreg s4  }
0x8: {  	s26 =	sadd.s32 $0x1C00, s31;
	s25 =	rddreg [dreg:$0x4]  }
0x9: {  	s4 =	simm.s32 $0x9;
	[dreg:$0x5] =	wrdreg s26  }
0xa: {  	[tilespmem:s3], [sflag:$0x9] =	stream.linear.gather [hbm4b:s25+s3], $0x400, $0x38;
	[tilespmem:$0x10400] =	vst v63  }
0xb: {  	_ =	swait.ge [sflag:s4], $0x400  }
0xc: {  	[sflag:s4] =	ssyncset.done $0x0  }
0xd: {  	s5 =	simm.s32 $0x80;
	s6 =	simm.s32 $0x400;
	[sflag:s4] =	ssyncadd.s32 $0xFFFFFC00  }
0xe: {  	[tilespmem:s6], [sflag:$0x1] =	stream.indirect.gather [hbm4b:s2+s5], $0x80, s3, s5, $0xb8;
	[tilespmem:$0x10400] =	vst v63  }
0xf: {  	s8 =	simm.s32 $0x1;
	s7 =	simm.s32 $0x4400  }
0x10: {  	[tilespmem:s7], [sflag:$0x2] =	stream.indirect.gather [hbm4b:s2+s5], $0x80, s5, s5, $0xb8;
	[tilespmem:$0x10400] =	vst v63  }
0x11: {  	_ =	swait.ge [sflag:s8], $0x4000  }
0x12: {  	[sflag:s8] =	ssyncset.done $0x0  }
0x13: {  	s9 =	rddreg [dreg:$0x5];
	[sflag:s8] =	ssyncadd.s32 $0xFFFFC000  }
0x14: {  	[hbm4b:s9+s3] =	stream.linear.scatter [tilespmem:s6], [sflag:$0x5], $0x4000, $0x38;
	[tilespmem:$0x10400] =	vst v63  }
0x15: {  	s10 =	simm.s32 $0x8400;
	s11 =	simm.s32 $0x2;
	s9 =	simm.s32 $0x100  }
0x16: {  	[tilespmem:s10], [sflag:$0x3] =	stream.indirect.gather [hbm4b:s2+s5], $0x80, s9, s5, $0xb8;
	[tilespmem:$0x10400] =	vst v63  }
0x17: {  	_ =	swait.ge [sflag:s11], $0x4000  }
0x18: {  	[sflag:s11] =	ssyncset.done $0x0  }
0x19: {  	s12 =	sadd.s32 $0x2400, s31;
	[sflag:s11] =	ssyncadd.s32 $0xFFFFC000  }
0x1a: {  	[hbm4b:s12+s3] =	stream.linear.scatter [tilespmem:s7], [sflag:$0x6], $0x4000, $0x38;
	[tilespmem:$0x10400] =	vst v63  }
0x1b: {  	s13 =	simm.s32 $0x180;
	s14 =	simm.s32 $0xC400;
	s15 =	simm.s32 $0x3  }
0x1c: {  	[tilespmem:s14], [sflag:$0x4] =	stream.indirect.gather [hbm4b:s2+s5], $0x80, s13, s5, $0xb8;
	[tilespmem:$0x10400] =	vst v63  }
0x1d: {  	_ =	swait.ge [sflag:s15], $0x4000  }
0x1e: {  	[sflag:s15] =	ssyncset.done $0x0  }
0x1f: {  	s17 =	simm.s32 $0x5;
	s16 =	sadd.s32 $0x2C00, s31;
	[sflag:s15] =	ssyncadd.s32 $0xFFFFC000  }
0x20: {  	[hbm4b:s16+s3] =	stream.linear.scatter [tilespmem:s10], [sflag:$0x7], $0x4000, $0x38;
	[tilespmem:$0x10400] =	vst v63  }
0x21: {  	_ =	swait.ge [sflag:s17], $0x4000  }
0x22: {  	[sflag:s17] =	ssyncset.done $0x0  }
0x23: {  	s18 =	simm.s32 $0x200;
	s19 =	simm.s32 $0x4;
	[sflag:s17] =	ssyncadd.s32 $0xFFFFC000  }
0x24: {  	[tilespmem:s6], [sflag:$0x1] =	stream.indirect.gather [hbm4b:s2+s5], $0x80, s18, s5, $0xb8;
	[tilespmem:$0x10400] =	vst v63  }
0x25: {  	_ =	swait.ge [sflag:s19], $0x4000  }
0x26: {  	[sflag:s19] =	ssyncset.done $0x0  }
0x27: {  	s21 =	simm.s32 $0x6;
	s20 =	sadd.s32 $0x3400, s31;
	[sflag:s19] =	ssyncadd.s32 $0xFFFFC000  }
0x28: {  	[hbm4b:s20+s3] =	stream.linear.scatter [tilespmem:s14], [sflag:$0x8], $0x4000, $0x38;
	[tilespmem:$0x10400] =	vst v63  }
0x29: {  	_ =	swait.ge [sflag:s21], $0x4000  }
0x2a: {  	[sflag:s21] =	ssyncset.done $0x0  }
0x2b: {  	s22 =	simm.s32 $0x280;
	[sflag:s21] =	ssyncadd.s32 $0xFFFFC000  }
0x2c: {  	[tilespmem:s7], [sflag:$0x2] =	stream.indirect.gather [hbm4b:s2+s5], $0x80, s22, s5, $0xb8;
	[tilespmem:$0x10400] =	vst v63  }
0x2d: {  	_ =	swait.ge [sflag:s8], $0x4000  }
0x2e: {  	[sflag:s8] =	ssyncset.done $0x0  }
0x2f: {  	s24 =	simm.s32 $0x7;
	s23 =	sadd.s32 $0x3C00, s31;
	[sflag:s8] =	ssyncadd.s32 $0xFFFFC000  }
0x30: {  	[hbm4b:s23+s3] =	stream.linear.scatter [tilespmem:s6], [sflag:$0x5], $0x4000, $0x38;
	[tilespmem:$0x10400] =	vst v63  }
0x31: {  	_ =	swait.ge [sflag:s24], $0x4000  }
0x32: {  	[sflag:s24] =	ssyncset.done $0x0  }
0x33: {  	s25 =	simm.s32 $0x300;
	[sflag:s24] =	ssyncadd.s32 $0xFFFFC000  }
0x34: {  	[tilespmem:s10], [sflag:$0x3] =	stream.indirect.gather [hbm4b:s2+s5], $0x80, s25, s5, $0xb8;
	[tilespmem:$0x10400] =	vst v63  }
0x35: {  	_ =	swait.ge [sflag:s11], $0x4000  }
0x36: {  	[sflag:s11] =	ssyncset.done $0x0  }
0x37: {  	s28 =	sadd.s32 $0x4400, s31;
	s26 =	simm.s32 $0x8;
	[sflag:s11] =	ssyncadd.s32 $0xFFFFC000  }
0x38: {  	[hbm4b:s28+s3] =	stream.linear.scatter [tilespmem:s7], [sflag:$0x6], $0x4000, $0x38;
	[tilespmem:$0x10400] =	vst v63  }
0x39: {  	_ =	swait.ge [sflag:s26], $0x4000  }
0x3a: {  	[sflag:s26] =	ssyncset.done $0x0  }
0x3b: {  	s29 =	simm.s32 $0x380;
	[sflag:s26] =	ssyncadd.s32 $0xFFFFC000  }
0x3c: {  	[tilespmem:s14], [sflag:$0x4] =	stream.indirect.gather [hbm4b:s2+s5], $0x80, s29, s5, $0xb8;
	[tilespmem:$0x10400] =	vst v63  }
0x3d: {  	_ =	swait.ge [sflag:s15], $0x4000  }
0x3e: {  	[sflag:s15] =	ssyncset.done $0x0  }
0x3f: {  	s30 =	sadd.s32 $0x4C00, s31;
	[sflag:s15] =	ssyncadd.s32 $0xFFFFC000  }
0x40: {  	[hbm4b:s30+s3] =	stream.linear.scatter [tilespmem:s10], [sflag:$0x7], $0x4000, $0x38;
	[tilespmem:$0x10400] =	vst v63  }
0x41: {  	_ =	swait.ge [sflag:s19], $0x4000  }
0x42: {  	[sflag:s19] =	ssyncset.done $0x0  }
0x43: {  	s31 =	sadd.s32 $0x5400, s31;
	[sflag:s19] =	ssyncadd.s32 $0xFFFFC000  }
0x44: {  	[hbm4b:s31+s3] =	stream.linear.scatter [tilespmem:s14], [sflag:$0x8], $0x4000, $0x38;
	[tilespmem:$0x10400] =	vst v63  }
0x45: {  	s1 =	ssub.s32 $0x2, s1;
	_ =	swait.ge [sflag:s17], $0x4000  }
0x46: {  	s0 =	sshrl.u32 s1, $0x1;
	[sflag:s17] =	ssyncset.done $0x0  }
0x47: {  	s0 =	ssub.s32 s1, s0;
	[sflag:s17] =	ssyncadd.s32 $0xFFFFC000  }
0x48: {  	s0 =	smax.u32 s0, $0x1;
	_ =	swait.ge [sflag:s21], $0x4000  }
0x49: {  	p0 =	sne.s32 s0, $0x1;
	[sflag:s21] =	ssyncset.done $0x0  }
.Ltmp0:
0x4a: {  	[sflag:s21] =	ssyncadd.s32 $0xFFFFC000;
	(pc) =	sbr.rel @!p0 .LBB2_2-.Ltmp0, $4  }
0x4b: {  	_ =	swait.ge [sflag:s24], $0x4000  }
0x4c: {  	[sflag:s24] =	ssyncset.done $0x0  }
0x4d: {  	[sflag:s24] =	ssyncadd.s32 $0xFFFFC000  }
0x4e: {  	s1 =	sadd.s32 $0xFFFFFFFF, s0;
	_ =	swait.ge [sflag:s26], $0x4000  }
.LBB2_1:
0x4f: {  	[sflag:s26] =	ssyncset.done $0x0  }
0x50: {  	s0 =	rddreg [dreg:$0x4];
	[sflag:s26] =	ssyncadd.s32 $0xFFFFC000  }
0x51: {  	[tilespmem:s3], [sflag:$0x9] =	stream.linear.gather [hbm4b:s0+s3], $0x400, $0x38;
	[tilespmem:$0x10400] =	vst v63  }
0x52: {  	_ =	swait.ge [sflag:s4], $0x400  }
0x53: {  	[sflag:s4] =	ssyncset.done $0x0  }
0x54: {  	[sflag:s4] =	ssyncadd.s32 $0xFFFFFC00  }
0x55: {  	[tilespmem:s6], [sflag:$0x1] =	stream.indirect.gather [hbm4b:s2+s5], $0x80, s3, s5, $0xb8;
	[tilespmem:$0x10400] =	vst v63  }
0x56: {  	_ = 	snop  }
0x57: {  	[tilespmem:s7], [sflag:$0x2] =	stream.indirect.gather [hbm4b:s2+s5], $0x80, s5, s5, $0xb8;
	[tilespmem:$0x10400] =	vst v63  }
0x58: {  	_ =	swait.ge [sflag:s8], $0x4000  }
0x59: {  	[sflag:s8] =	ssyncset.done $0x0  }
0x5a: {  	s0 =	rddreg [dreg:$0x5];
	[sflag:s8] =	ssyncadd.s32 $0xFFFFC000  }
0x5b: {  	[hbm4b:s0+s3] =	stream.linear.scatter [tilespmem:s6], [sflag:$0x5], $0x4000, $0x38;
	[tilespmem:$0x10400] =	vst v63  }
0x5c: {  	_ = 	snop  }
0x5d: {  	[tilespmem:s10], [sflag:$0x3] =	stream.indirect.gather [hbm4b:s2+s5], $0x80, s9, s5, $0xb8;
	[tilespmem:$0x10400] =	vst v63  }
0x5e: {  	_ =	swait.ge [sflag:s11], $0x4000  }
0x5f: {  	[sflag:s11] =	ssyncset.done $0x0  }
0x60: {  	[sflag:s11] =	ssyncadd.s32 $0xFFFFC000  }
0x61: {  	[hbm4b:s12+s3] =	stream.linear.scatter [tilespmem:s7], [sflag:$0x6], $0x4000, $0x38;
	[tilespmem:$0x10400] =	vst v63  }
0x62: {  	_ = 	snop  }
0x63: {  	[tilespmem:s14], [sflag:$0x4] =	stream.indirect.gather [hbm4b:s2+s5], $0x80, s13, s5, $0xb8;
	[tilespmem:$0x10400] =	vst v63  }
0x64: {  	_ =	swait.ge [sflag:s15], $0x4000  }
0x65: {  	[sflag:s15] =	ssyncset.done $0x0  }
0x66: {  	[sflag:s15] =	ssyncadd.s32 $0xFFFFC000  }
0x67: {  	[hbm4b:s16+s3] =	stream.linear.scatter [tilespmem:s10], [sflag:$0x7], $0x4000, $0x38;
	[tilespmem:$0x10400] =	vst v63  }
0x68: {  	_ =	swait.ge [sflag:s17], $0x4000  }
0x69: {  	[sflag:s17] =	ssyncset.done $0x0  }
0x6a: {  	[sflag:s17] =	ssyncadd.s32 $0xFFFFC000  }
0x6b: {  	[tilespmem:s6], [sflag:$0x1] =	stream.indirect.gather [hbm4b:s2+s5], $0x80, s18, s5, $0xb8;
	[tilespmem:$0x10400] =	vst v63  }
0x6c: {  	_ =	swait.ge [sflag:s19], $0x4000  }
0x6d: {  	[sflag:s19] =	ssyncset.done $0x0  }
0x6e: {  	[sflag:s19] =	ssyncadd.s32 $0xFFFFC000  }
0x6f: {  	[hbm4b:s20+s3] =	stream.linear.scatter [tilespmem:s14], [sflag:$0x8], $0x4000, $0x38;
	[tilespmem:$0x10400] =	vst v63  }
0x70: {  	_ =	swait.ge [sflag:s21], $0x4000  }
0x71: {  	[sflag:s21] =	ssyncset.done $0x0  }
0x72: {  	[sflag:s21] =	ssyncadd.s32 $0xFFFFC000  }
0x73: {  	[tilespmem:s7], [sflag:$0x2] =	stream.indirect.gather [hbm4b:s2+s5], $0x80, s22, s5, $0xb8;
	[tilespmem:$0x10400] =	vst v63  }
0x74: {  	_ =	swait.ge [sflag:s8], $0x4000  }
0x75: {  	[sflag:s8] =	ssyncset.done $0x0  }
0x76: {  	[sflag:s8] =	ssyncadd.s32 $0xFFFFC000  }
0x77: {  	[hbm4b:s23+s3] =	stream.linear.scatter [tilespmem:s6], [sflag:$0x5], $0x4000, $0x38;
	[tilespmem:$0x10400] =	vst v63  }
0x78: {  	_ =	swait.ge [sflag:s24], $0x4000  }
0x79: {  	[sflag:s24] =	ssyncset.done $0x0  }
0x7a: {  	[sflag:s24] =	ssyncadd.s32 $0xFFFFC000  }
0x7b: {  	[tilespmem:s10], [sflag:$0x3] =	stream.indirect.gather [hbm4b:s2+s5], $0x80, s25, s5, $0xb8;
	[tilespmem:$0x10400] =	vst v63  }
0x7c: {  	_ =	swait.ge [sflag:s11], $0x4000  }
0x7d: {  	[sflag:s11] =	ssyncset.done $0x0  }
0x7e: {  	[sflag:s11] =	ssyncadd.s32 $0xFFFFC000  }
0x7f: {  	[hbm4b:s28+s3] =	stream.linear.scatter [tilespmem:s7], [sflag:$0x6], $0x4000, $0x38;
	[tilespmem:$0x10400] =	vst v63  }
0x80: {  	_ =	swait.ge [sflag:s26], $0x4000  }
0x81: {  	[sflag:s26] =	ssyncset.done $0x0  }
0x82: {  	[sflag:s26] =	ssyncadd.s32 $0xFFFFC000  }
0x83: {  	[tilespmem:s14], [sflag:$0x4] =	stream.indirect.gather [hbm4b:s2+s5], $0x80, s29, s5, $0xb8;
	[tilespmem:$0x10400] =	vst v63  }
0x84: {  	_ =	swait.ge [sflag:s15], $0x4000  }
0x85: {  	[sflag:s15] =	ssyncset.done $0x0  }
0x86: {  	[sflag:s15] =	ssyncadd.s32 $0xFFFFC000  }
0x87: {  	[hbm4b:s30+s3] =	stream.linear.scatter [tilespmem:s10], [sflag:$0x7], $0x4000, $0x38;
	[tilespmem:$0x10400] =	vst v63  }
0x88: {  	_ =	swait.ge [sflag:s19], $0x4000  }
0x89: {  	[sflag:s19] =	ssyncset.done $0x0  }
0x8a: {  	[sflag:s19] =	ssyncadd.s32 $0xFFFFC000  }
0x8b: {  	[hbm4b:s31+s3] =	stream.linear.scatter [tilespmem:s14], [sflag:$0x8], $0x4000, $0x38;
	[tilespmem:$0x10400] =	vst v63  }
0x8c: {  	_ =	swait.ge [sflag:s17], $0x4000  }
0x8d: {  	[sflag:s17] =	ssyncset.done $0x0  }
0x8e: {  	[sflag:s17] =	ssyncadd.s32 $0xFFFFC000  }
0x8f: {  	_ =	swait.ge [sflag:s21], $0x4000  }
0x90: {  	p0 =	sne.s32 s1, $0x1;
	[sflag:s21] =	ssyncset.done $0x0  }
.Ltmp1:
0x91: {  	[sflag:s21] =	ssyncadd.s32 $0xFFFFC000;
	(pc) =	sbr.rel @p0 .LBB2_1-.Ltmp1, $4  }
0x92: {  	_ =	swait.ge [sflag:s24], $0x4000  }
0x93: {  	[sflag:s24] =	ssyncset.done $0x0  }
0x94: {  	[sflag:s24] =	ssyncadd.s32 $0xFFFFC000  }
0x95: {  	s1 =	sadd.s32 $0xFFFFFFFF, s1;
	_ =	swait.ge [sflag:s26], $0x4000  }
.LBB2_2:
0x96: {  	[sflag:s26] =	ssyncset.done $0x0  }
0x97: {  	[sflag:s26] =	ssyncadd.s32 $0xFFFFC000  }
0x98: {  	_ =	sfence.sel $0x180000  }
0x99: {  	[bflag:$0x0] =	sbarrier.arrive $0xFFFF  }
0x9a: {  	_ =	strace $0x90000047  }
0x9b: {  	s0 =	stileid.u32;
	[bflag:$0x2] =	sbarrier.arrive $0xFFFF  }
0x9c: {  	p0 =	sne.s32 s0, $0x0;
	s0 =	rddreg [dreg:$0x3]  }
0x9d: {  	s0 =	sadd.s32 @!p0 $0x100000, s0  }
0x9e: {  	[sflag:s0] =	ssyncadd.tile.s32 @!p0 $0x1;
	_ =	shalt  }
.Lfunc_end2:
_tile_overlayer_lowered:
.L_overlay_start_2:
0x9f: {  	(tag) =	ssettag $0x2  }
0xa0: {  	s0 =	rddreg [dreg:$0x0];
	s2 =	stileid.u32  }
0xa1: {  	s1 =	rddreg [dreg:$0x1];
	p0 =	sne.s32 s2, $0x0  }
0xa2: {  	s3 =	rddreg [dreg:$0x2];
	[bflag:$0x3] =	sbarrier.arrive $0xFFFF;
	s2 =	simm.s32 @!p0 $0x1C09  }
0xa3: {  	[timem:s3], [sflag:s2] =	dma.local @!p0 [hbm:s0], s1  }
0xa4: {  	s0 =	simm.s32 @!p0 $0x9  }
0xa5: {  	_ =	swait.ge @!p0 [sflag:s0], s1  }
0xa6: {  	s1 =	ssub.s32 @!p0 $0x0, s1;
	[sflag:s0] =	ssyncset.done @!p0 $0x0  }
0xa7: {  	[sflag:s0] =	ssyncadd.s32 @!p0 s1  }
0xa8: {  	[bflag:$0x3] =	sbarrier.arrive $0xFFFF  }
0xa9: {  	_ =	shalt  }

</sc_bundles>
